<compile_context>
chip_gen: v7x
topology: tpu7x:2x2x1
jax: 0.10.2.dev20260603
libtpu: 0.0.44.dev20260713+nightly
codegen_flags: <defaults>
</compile_context>

<pallas_src>
import functools

import jax
import jax.numpy as jnp
from jax import lax
from jax.experimental import pallas as pl
from jax.experimental.pallas import tpu as pltpu
from jax.experimental.pallas import tpu_sc as plsc

K = 16
RB = 392
NSUB = 32
R_CH = 8
IW = 4
LANES = 16


def _normalize_body(x_ref, xn_ref, xnt_ref):
    v = x_ref[0]
    sq = jnp.sum(v * v, axis=0, keepdims=True)
    n = jnp.sqrt(sq)
    xn = v / jnp.maximum(n, 1e-12)
    xn_ref[0] = xn
    xnt_ref[0] = xn.T


def _dist_body(xnt_ref, xn_ref, nd_ref):
    lhs = xnt_ref[0]
    rhs = xn_ref[0]
    sqi = jnp.sum(lhs * lhs, axis=1, keepdims=True)
    sqj = jnp.sum(rhs * rhs, axis=0, keepdims=True)
    g = jax.lax.dot_general(lhs, rhs, (((1,), (0,)), ((), ())),
                            preferred_element_type=jnp.float32)
    d = (sqi + (-2.0 * g)) + sqj
    nd_ref[0] = -d


def _topk_sc_body(nd_hbm, out_hbm, buf, cia, cib, cic, cid, ob, sems, *,
                  n_points, rows_per):
    wid = lax.axis_index("s") * 2 + lax.axis_index("c")
    row0 = wid * rows_per
    n_groups = rows_per // R_CH
    n_chunks = n_points // LANES
    iota16 = lax.iota(jnp.int32, LANES)
    neg_inf = jnp.full((LANES,), -jnp.inf, jnp.float32)
    zeros_i = jnp.zeros((LANES,), jnp.int32)
    sixteen = jnp.full((LANES,), LANES, jnp.int32)

    pltpu.make_async_copy(
        nd_hbm.at[pl.ds(row0, R_CH)], buf.at[pl.ds(0, R_CH)],
        sems.at[0]).start()

    def group_body(g, _):
        cur = lax.rem(g, 2)
        base = cur * R_CH
        pltpu.make_async_copy(
            nd_hbm.at[pl.ds(row0 + g * R_CH, R_CH)],
            buf.at[pl.ds(base, R_CH)], sems.at[cur]).wait()

        @pl.when(g + 1 < n_groups)
        def _prefetch():
            pltpu.make_async_copy(
                nd_hbm.at[pl.ds(row0 + (g + 1) * R_CH, R_CH)],
                buf.at[pl.ds((1 - cur) * R_CH, R_CH)],
                sems.at[1 - cur]).start()

        cis = [cia, cib, cic, cid]

        def quad_body(r4, _):
            brs = [base + IW * r4 + w for w in range(IW)]

            def p1(j, accs):
                return tuple(
                    jnp.maximum(accs[w], buf[brs[w], pl.ds(j * LANES, LANES)])
                    for w in range(IW))
            accs = lax.fori_loop(0, n_chunks, p1, (neg_inf,) * IW, unroll=14)
            tvs = [jnp.full((LANES,), lax.sort(a)[0], jnp.float32)
                   for a in accs]

            def p2(j, carry):
                idxv = carry[IW]
                ms = [buf[brs[w], pl.ds(j * LANES, LANES)] >= tvs[w]
                      for w in range(IW)]
                for w in range(IW):
                    plsc.store_compressed(cis[w].at[pl.ds(carry[w], LANES)],
                                          idxv, mask=ms[w])
                new_cnts = [
                    carry[w] + plsc.all_reduce_population_count(ms[w])[0]
                    for w in range(IW)]
                return tuple(new_cnts) + (idxv + sixteen,)
            out_carry = lax.fori_loop(
                0, n_chunks, p2,
                (jnp.int32(0),) * IW + (iota16,), unroll=7)
            cnts = out_carry[:IW]
            for w in range(IW):
                cis[w][pl.ds(cnts[w], LANES)] = zeros_i

            def merge_rows(br, ci, cnt):
                br_splat = jnp.full((LANES,), br, jnp.int32)

                def p3(j, carry):
                    sv, si = carry
                    cidx_raw = ci[pl.ds(j * LANES, LANES)]
                    valid = (jnp.full((LANES,), j * LANES, jnp.int32)
                             + iota16 < cnt)
                    cvals = jnp.where(
                        valid, plsc.load_gather(buf, [br_splat, cidx_raw]),
                        neg_inf)
                    ck, cidx = plsc.sort_key_val(cvals, cidx_raw,
                                                 descending=True)
                    sel = sv >= ck
                    nv = jnp.where(sel, sv, ck)
                    ni = jnp.where(sel, si, cidx)
                    return tuple(plsc.sort_key_val(nv, ni, descending=False))
                nch = (cnt + 15) >> 4
                sv, si = lax.fori_loop(0, nch, p3, (neg_inf, zeros_i))
                return lax.rev(si, (0,))
            for w in range(IW):
                ob[g * R_CH + IW * r4 + w, :] = merge_rows(
                    brs[w], cis[w], cnts[w])
            return 0
        lax.fori_loop(0, R_CH // IW, quad_body, 0)
        return 0
    lax.fori_loop(0, n_groups, group_body, 0)
    pltpu.sync_copy(ob, out_hbm.at[pl.ds(row0, rows_per)])


def kernel(x):
    B, C, H, W = x.shape
    N = H * W
    xf = x.reshape(B, C, N)

    xn, xnt = pl.pallas_call(
        _normalize_body,
        grid=(B,),
        in_specs=[pl.BlockSpec((1, C, N), lambda b: (b, 0, 0))],
        out_specs=[
            pl.BlockSpec((1, C, N), lambda b: (b, 0, 0)),
            pl.BlockSpec((1, N, C), lambda b: (b, 0, 0)),
        ],
        out_shape=[
            jax.ShapeDtypeStruct((B, C, N), jnp.float32),
            jax.ShapeDtypeStruct((B, N, C), jnp.float32),
        ],
    )(xf)

    nd = pl.pallas_call(
        _dist_body,
        grid=(B, N // RB),
        in_specs=[
            pl.BlockSpec((1, RB, C), lambda b, r: (b, r, 0)),
            pl.BlockSpec((1, C, N), lambda b, r: (b, 0, 0)),
        ],
        out_specs=pl.BlockSpec((1, RB, N), lambda b, r: (b, r, 0)),
        out_shape=jax.ShapeDtypeStruct((B, N, N), jnp.float32),
    )(xnt, xn)

    rows = B * N
    rows_per = rows // NSUB
    nd_flat = nd.reshape(rows, N)

    topk = pl.kernel(
        functools.partial(_topk_sc_body, n_points=N, rows_per=rows_per),
        out_type=jax.ShapeDtypeStruct((rows, K), jnp.int32),
        mesh=plsc.VectorSubcoreMesh(core_axis_name="c", subcore_axis_name="s",
                                    num_cores=2, num_subcores=16),
        compiler_params=pltpu.CompilerParams(needs_layout_passes=False),
        scratch_types=[
            pltpu.VMEM((2 * R_CH, N), jnp.float32),
            pltpu.VMEM((N + LANES,), jnp.int32),
            pltpu.VMEM((N + LANES,), jnp.int32),
            pltpu.VMEM((N + LANES,), jnp.int32),
            pltpu.VMEM((N + LANES,), jnp.int32),
            pltpu.VMEM((rows_per, K), jnp.int32),
            pltpu.SemaphoreType.DMA((2,)),
        ],
    )
    nn_idx = topk(nd_flat).reshape(B, N, K)

    center_idx = jnp.broadcast_to(
        jnp.arange(N, dtype=jnp.int32)[None, :, None], (B, N, K))
    return jnp.stack((nn_idx, center_idx), axis=0)

# --- scband reference (transcript-rebuilt; emitter-appended) ---
"""Pipeline reference for scband-knn-36077725286459 (READ-ONLY COPY).

The authoritative reference and input builder live on the scoring server;
editing this copy changes nothing except your own understanding.
"""

import jax, jax.numpy as jnp
import numpy as np

K = 16  # init kwarg k

def setup_inputs(seed: int = 0) -> dict:
    key = jax.random.key(seed)
    x = jax.random.normal(key, (4, 384, 56, 56), dtype=jnp.float32)
    return {"x": x}

def reference(x):
    B, C, H, W = x.shape
    # reshape(B, C, -1, 1) then squeeze -> [B, C, N]
    xf = x.reshape(B, C, H * W)
    # F.normalize(p=2, dim=1) with eps=1e-12
    norm = jnp.linalg.norm(xf, ord=2, axis=1, keepdims=True)
    xf = xf / jnp.maximum(norm, 1e-12)
    # transpose(2,1) -> [B, N, C]
    xt = jnp.transpose(xf, (0, 2, 1))
    batch_size, n_points, n_dims = xt.shape
    x_inner = -2.0 * jnp.matmul(xt, jnp.transpose(xt, (0, 2, 1)))
    x_square = jnp.sum(xt * xt, axis=-1, keepdims=True)
    dist = x_square + x_inner + jnp.transpose(x_square, (0, 2, 1))
    _, nn_idx = jax.lax.top_k(-dist, K)  # [B, N, K]
    center_idx = jnp.broadcast_to(jnp.arange(n_points, dtype=nn_idx.dtype)[None, :, None], (batch_size, n_points, K))
    edge_index = jnp.stack((nn_idx, center_idx), axis=0)  # [2, B, N, K]
    return edge_index

if __name__ == "__main__":
    import jax
    _d = setup_inputs()
    print(jax.jit(kernel)(*tuple(_d.values())))

</pallas_src>

<mosaic_0001>
#map = affine_map<(d0, d1) -> (0, 0)>
module attributes {stable_mosaic.version = 14 : i64} {
  func.func @_topk_sc_body(%arg0: i32, %arg1: i32, %arg2: memref<12544x3136xf32, #tpu.memory_space<hbm>>, %arg3: memref<12544x16xi32, #tpu.memory_space<hbm>>, %arg4: memref<16x3136xf32, #tpu.memory_space<vmem>>, %arg5: memref<3152xi32, #tpu.memory_space<vmem>>, %arg6: memref<3152xi32, #tpu.memory_space<vmem>>, %arg7: memref<3152xi32, #tpu.memory_space<vmem>>, %arg8: memref<3152xi32, #tpu.memory_space<vmem>>, %arg9: memref<392x16xi32, #tpu.memory_space<vmem>>, %arg10: memref<2x!tpu.dma_semaphore, #tpu.memory_space<semaphore_mem>>) attributes {dimension_semantics = [#tpu.dimension_semantics<core_parallel>, #tpu.dimension_semantics<subcore_parallel>], iteration_bounds = array<i64: 2, 16>, scalar_prefetch = 0 : i64, scratch_operands = 7 : i64, tpu.core_type = #tpu.core_type<sc_vector_subcore>, window_params = [{transform_indices = #map}, {transform_indices = #map}]} {
    %mul3A = arith.constant 2 : i32
    %mul3A_0 = arith.muli %arg1, %mul3A : i32
    %add3A = arith.addi %mul3A_0, %arg0 : i32
    %mul3A_1 = arith.constant 392 : i32
    %mul3A_2 = arith.muli %add3A, %mul3A_1 : i32
    %iota3A = tpu.iota {dimensions = array<i32: 0>} : vector<16xi32>
    %broadcast_in_dim3A = arith.constant 0xFF800000 : f32
    %broadcast_in_dim3A_3 = vector.broadcast %broadcast_in_dim3A : f32 to vector<16xf32>
    %broadcast_in_dim3A_4 = arith.constant 0 : i32
    %broadcast_in_dim3A_5 = vector.broadcast %broadcast_in_dim3A_4 : i32 to vector<16xi32>
    %broadcast_in_dim3A_6 = arith.constant 16 : i32
    %broadcast_in_dim3A_7 = vector.broadcast %broadcast_in_dim3A_6 : i32 to vector<16xi32>
    %dma_start3A = arith.constant 0 : i32
    %dma_start3A_8 = arith.constant 0 : i32
    %dma_start3A_9 = arith.constant 0 : i32
    %dma_start3A_10 = tpu.memref_slice %arg4[%dma_start3A_8, %dma_start3A_9] : memref<16x3136xf32, #tpu.memory_space<vmem>> -> memref<8x3136xf32, #tpu.memory_space<vmem>>
    %dma_start3A_11 = arith.constant 0 : i32
    %dma_start3A_12 = tpu.memref_slice %arg2[%mul3A_2, %dma_start3A_11] : memref<12544x3136xf32, #tpu.memory_space<hbm>> -> memref<8x3136xf32, #tpu.memory_space<hbm>>
    %dma_start3A_13 = tpu.memref_slice %arg10[%dma_start3A] : memref<2x!tpu.dma_semaphore, #tpu.memory_space<semaphore_mem>> -> memref<1x!tpu.dma_semaphore, #tpu.memory_space<semaphore_mem>>
    %dma_start3A_14 = tpu.memref_squeeze %dma_start3A_13 : memref<1x!tpu.dma_semaphore, #tpu.memory_space<semaphore_mem>> -> memref<!tpu.dma_semaphore, #tpu.memory_space<semaphore_mem>>
    %dma_start3A_15 = arith.constant 0 : i32
    %dma_start3A_16 = arith.constant 0 : i32
    %dma_start3A_17 = tpu.memref_slice %arg4[%dma_start3A_15, %dma_start3A_16] : memref<16x3136xf32, #tpu.memory_space<vmem>> -> memref<8x3136xf32, #tpu.memory_space<vmem>>
    %dma_start3A_18 = arith.constant 0 : i32
    %dma_start3A_19 = tpu.memref_slice %arg2[%mul3A_2, %dma_start3A_18] : memref<12544x3136xf32, #tpu.memory_space<hbm>> -> memref<8x3136xf32, #tpu.memory_space<hbm>>
    tpu.enqueue_dma source(%dma_start3A_19 : memref<8x3136xf32, #tpu.memory_space<hbm>>) target(%dma_start3A_17 : memref<8x3136xf32, #tpu.memory_space<vmem>>) target_semaphore(%dma_start3A_14 : memref<!tpu.dma_semaphore, #tpu.memory_space<semaphore_mem>>)
    %scan3A = arith.constant 0 : i32
    %scan3A_20 = arith.constant 0 : i32
    %scan3A_21 = arith.constant 49 : i32
    %scan3A_22 = arith.addi %scan3A_20, %scan3A_21 : i32
    %scan3A_23 = arith.constant 1 : i32
    %scan3A_24 = scf.for %scan3A_26 = %scan3A_20 to %scan3A_22 step %scan3A_23 iter_args(%scan3A_27 = %scan3A) -> (i32)  : i32 {
      %rem3A = arith.constant 2 : i32
      %rem3A_28 = arith.remsi %scan3A_26, %rem3A : i32
      %mul3A_29 = arith.constant 8 : i32
      %mul3A_30 = arith.muli %rem3A_28, %mul3A_29 : i32
      %mul3A_31 = arith.constant 8 : i32
      %mul3A_32 = arith.muli %scan3A_26, %mul3A_31 : i32
      %add3A_33 = arith.addi %mul3A_2, %mul3A_32 : i32
      %dma_wait3A = arith.constant 0 : i32
      %dma_wait3A_34 = tpu.memref_slice %arg4[%mul3A_30, %dma_wait3A] : memref<16x3136xf32, #tpu.memory_space<vmem>> -> memref<8x3136xf32, #tpu.memory_space<vmem>>
      %dma_wait3A_35 = arith.constant 0 : i32
      %dma_wait3A_36 = tpu.memref_slice %arg2[%add3A_33, %dma_wait3A_35] : memref<12544x3136xf32, #tpu.memory_space<hbm>> -> memref<8x3136xf32, #tpu.memory_space<hbm>>
      %dma_wait3A_37 = tpu.memref_slice %arg10[%rem3A_28] : memref<2x!tpu.dma_semaphore, #tpu.memory_space<semaphore_mem>> -> memref<1x!tpu.dma_semaphore, #tpu.memory_space<semaphore_mem>>
      %dma_wait3A_38 = tpu.memref_squeeze %dma_wait3A_37 : memref<1x!tpu.dma_semaphore, #tpu.memory_space<semaphore_mem>> -> memref<!tpu.dma_semaphore, #tpu.memory_space<semaphore_mem>>
      %dma_wait3A_39 = arith.constant 0 : i32
      %dma_wait3A_40 = tpu.memref_slice %arg4[%mul3A_30, %dma_wait3A_39] : memref<16x3136xf32, #tpu.memory_space<vmem>> -> memref<8x3136xf32, #tpu.memory_space<vmem>>
      %dma_wait3A_41 = arith.constant 0 : i32
      %dma_wait3A_42 = tpu.memref_slice %arg2[%add3A_33, %dma_wait3A_41] : memref<12544x3136xf32, #tpu.memory_space<hbm>> -> memref<8x3136xf32, #tpu.memory_space<hbm>>
      tpu.wait_dma2 semaphore(%dma_wait3A_38 : memref<!tpu.dma_semaphore, #tpu.memory_space<semaphore_mem>>) src(%dma_wait3A_42 : memref<8x3136xf32, #tpu.memory_space<hbm>>) dst(%dma_wait3A_40 : memref<8x3136xf32, #tpu.memory_space<vmem>>)
      %add3A_43 = arith.constant 1 : i32
      %add3A_44 = arith.addi %scan3A_26, %add3A_43 : i32
      %lt3A = arith.constant 49 : i32
      %lt3A_45 = arith.cmpi slt, %add3A_44, %lt3A : i32
      %convert_element_type3A = arith.extui %lt3A_45 : i1 to i32
      %cond3A = arith.constant 0 : i32
      %cond3A_46 = arith.cmpi ne, %convert_element_type3A, %cond3A : i32
      scf.if %cond3A_46 {
        %add3A_55 = arith.constant 1 : i32
        %add3A_56 = arith.addi %scan3A_26, %add3A_55 : i32
        %mul3A_57 = arith.constant 8 : i32
        %mul3A_58 = arith.muli %add3A_56, %mul3A_57 : i32
        %add3A_59 = arith.addi %mul3A_2, %mul3A_58 : i32
        %sub3A = arith.constant 1 : i32
        %sub3A_60 = arith.subi %sub3A, %rem3A_28 : i32
        %mul3A_61 = arith.constant 8 : i32
        %mul3A_62 = arith.muli %sub3A_60, %mul3A_61 : i32
        %sub3A_63 = arith.constant 1 : i32
        %sub3A_64 = arith.subi %sub3A_63, %rem3A_28 : i32
        %dma_start3A_65 = arith.constant 0 : i32
        %dma_start3A_66 = tpu.memref_slice %arg4[%mul3A_62, %dma_start3A_65] : memref<16x3136xf32, #tpu.memory_space<vmem>> -> memref<8x3136xf32, #tpu.memory_space<vmem>>
        %dma_start3A_67 = arith.constant 0 : i32
        %dma_start3A_68 = tpu.memref_slice %arg2[%add3A_59, %dma_start3A_67] : memref<12544x3136xf32, #tpu.memory_space<hbm>> -> memref<8x3136xf32, #tpu.memory_space<hbm>>
        %dma_start3A_69 = tpu.memref_slice %arg10[%sub3A_64] : memref<2x!tpu.dma_semaphore, #tpu.memory_space<semaphore_mem>> -> memref<1x!tpu.dma_semaphore, #tpu.memory_space<semaphore_mem>>
        %dma_start3A_70 = tpu.memref_squeeze %dma_start3A_69 : memref<1x!tpu.dma_semaphore, #tpu.memory_space<semaphore_mem>> -> memref<!tpu.dma_semaphore, #tpu.memory_space<semaphore_mem>>
        %dma_start3A_71 = arith.constant 0 : i32
        %dma_start3A_72 = tpu.memref_slice %arg4[%mul3A_62, %dma_start3A_71] : memref<16x3136xf32, #tpu.memory_space<vmem>> -> memref<8x3136xf32, #tpu.memory_space<vmem>>
        %dma_start3A_73 = arith.constant 0 : i32
        %dma_start3A_74 = tpu.memref_slice %arg2[%add3A_59, %dma_start3A_73] : memref<12544x3136xf32, #tpu.memory_space<hbm>> -> memref<8x3136xf32, #tpu.memory_space<hbm>>
        tpu.enqueue_dma source(%dma_start3A_74 : memref<8x3136xf32, #tpu.memory_space<hbm>>) target(%dma_start3A_72 : memref<8x3136xf32, #tpu.memory_space<vmem>>) target_semaphore(%dma_start3A_70 : memref<!tpu.dma_semaphore, #tpu.memory_space<semaphore_mem>>)
      } else {
      }
      %scan3A_47 = arith.constant 0 : i32
      %scan3A_48 = arith.constant 0 : i32
      %scan3A_49 = arith.constant 2 : i32
      %scan3A_50 = arith.addi %scan3A_48, %scan3A_49 : i32
      %scan3A_51 = arith.constant 1 : i32
      %scan3A_52 = scf.for %scan3A_55 = %scan3A_48 to %scan3A_50 step %scan3A_51 iter_args(%scan3A_56 = %scan3A_47) -> (i32)  : i32 {
        %mul3A_57 = arith.constant 4 : i32
        %mul3A_58 = arith.muli %mul3A_57, %scan3A_55 : i32
        %add3A_59 = arith.addi %mul3A_30, %mul3A_58 : i32
        %add3A_60 = arith.constant 0 : i32
        %add3A_61 = arith.addi %add3A_59, %add3A_60 : i32
        %mul3A_62 = arith.constant 4 : i32
        %mul3A_63 = arith.muli %mul3A_62, %scan3A_55 : i32
        %add3A_64 = arith.addi %mul3A_30, %mul3A_63 : i32
        %add3A_65 = arith.constant 1 : i32
        %add3A_66 = arith.addi %add3A_64, %add3A_65 : i32
        %mul3A_67 = arith.constant 4 : i32
        %mul3A_68 = arith.muli %mul3A_67, %scan3A_55 : i32
        %add3A_69 = arith.addi %mul3A_30, %mul3A_68 : i32
        %add3A_70 = arith.constant 2 : i32
        %add3A_71 = arith.addi %add3A_69, %add3A_70 : i32
        %mul3A_72 = arith.constant 4 : i32
        %mul3A_73 = arith.muli %mul3A_72, %scan3A_55 : i32
        %add3A_74 = arith.addi %mul3A_30, %mul3A_73 : i32
        %add3A_75 = arith.constant 3 : i32
        %add3A_76 = arith.addi %add3A_74, %add3A_75 : i32
        %scan3A_77 = arith.constant 0 : i32
        %scan3A_78 = arith.constant 196 : i32
        %scan3A_79 = arith.addi %scan3A_77, %scan3A_78 : i32
        %scan3A_80 = arith.constant 14 : i32
        %scan3A_81:4 = scf.for %scan3A_247 = %scan3A_77 to %scan3A_79 step %scan3A_80 iter_args(%scan3A_248 = %broadcast_in_dim3A_3, %scan3A_249 = %broadcast_in_dim3A_3, %scan3A_250 = %broadcast_in_dim3A_3, %scan3A_251 = %broadcast_in_dim3A_3) -> (vector<16xf32>, vector<16xf32>, vector<16xf32>, vector<16xf32>)  : i32 {
          %mul3A_252 = arith.constant 16 : i32
          %mul3A_253 = arith.muli %scan3A_247, %mul3A_252 : i32
          %get3A = arith.index_cast %add3A_61 : i32 to index
          %get3A_254 = arith.index_cast %mul3A_253 : i32 to index
          %get3A_255 = tpu.vector_load %arg4[%get3A, %get3A_254] {strides = array<i32>} : memref<16x3136xf32, #tpu.memory_space<vmem>>, vector<16xf32>,
          %max3A = arith.maximumf %scan3A_248, %get3A_255 : vector<16xf32>
          %mul3A_256 = arith.constant 16 : i32
          %mul3A_257 = arith.muli %scan3A_247, %mul3A_256 : i32
          %get3A_258 = arith.index_cast %add3A_66 : i32 to index
          %get3A_259 = arith.index_cast %mul3A_257 : i32 to index
          %get3A_260 = tpu.vector_load %arg4[%get3A_258, %get3A_259] {strides = array<i32>} : memref<16x3136xf32, #tpu.memory_space<vmem>>, vector<16xf32>,
          %max3A_261 = arith.maximumf %scan3A_249, %get3A_260 : vector<16xf32>
          %mul3A_262 = arith.constant 16 : i32
          %mul3A_263 = arith.muli %scan3A_247, %mul3A_262 : i32
          %get3A_264 = arith.index_cast %add3A_71 : i32 to index
          %get3A_265 = arith.index_cast %mul3A_263 : i32 to index
          %get3A_266 = tpu.vector_load %arg4[%get3A_264, %get3A_265] {strides = array<i32>} : memref<16x3136xf32, #tpu.memory_space<vmem>>, vector<16xf32>,
          %max3A_267 = arith.maximumf %scan3A_250, %get3A_266 : vector<16xf32>
          %mul3A_268 = arith.constant 16 : i32
          %mul3A_269 = arith.muli %scan3A_247, %mul3A_268 : i32
          %get3A_270 = arith.index_cast %add3A_76 : i32 to index
          %get3A_271 = arith.index_cast %mul3A_269 : i32 to index
          %get3A_272 = tpu.vector_load %arg4[%get3A_270, %get3A_271] {strides = array<i32>} : memref<16x3136xf32, #tpu.memory_space<vmem>>, vector<16xf32>,
          %max3A_273 = arith.maximumf %scan3A_251, %get3A_272 : vector<16xf32>
          %scan3A_274 = arith.constant 1 : i32
          %scan3A_275 = arith.addi %scan3A_247, %scan3A_274 : i32
          %mul3A_276 = arith.constant 16 : i32
          %mul3A_277 = arith.muli %scan3A_275, %mul3A_276 : i32
          %get3A_278 = arith.index_cast %add3A_61 : i32 to index
          %get3A_279 = arith.index_cast %mul3A_277 : i32 to index
          %get3A_280 = tpu.vector_load %arg4[%get3A_278, %get3A_279] {strides = array<i32>} : memref<16x3136xf32, #tpu.memory_space<vmem>>, vector<16xf32>,
          %max3A_281 = arith.maximumf %max3A, %get3A_280 : vector<16xf32>
          %mul3A_282 = arith.constant 16 : i32
          %mul3A_283 = arith.muli %scan3A_275, %mul3A_282 : i32
          %get3A_284 = arith.index_cast %add3A_66 : i32 to index
          %get3A_285 = arith.index_cast %mul3A_283 : i32 to index
          %get3A_286 = tpu.vector_load %arg4[%get3A_284, %get3A_285] {strides = array<i32>} : memref<16x3136xf32, #tpu.memory_space<vmem>>, vector<16xf32>,
          %max3A_287 = arith.maximumf %max3A_261, %get3A_286 : vector<16xf32>
          %mul3A_288 = arith.constant 16 : i32
          %mul3A_289 = arith.muli %scan3A_275, %mul3A_288 : i32
          %get3A_290 = arith.index_cast %add3A_71 : i32 to index
          %get3A_291 = arith.index_cast %mul3A_289 : i32 to index
          %get3A_292 = tpu.vector_load %arg4[%get3A_290, %get3A_291] {strides = array<i32>} : memref<16x3136xf32, #tpu.memory_space<vmem>>, vector<16xf32>,
          %max3A_293 = arith.maximumf %max3A_267, %get3A_292 : vector<16xf32>
          %mul3A_294 = arith.constant 16 : i32
          %mul3A_295 = arith.muli %scan3A_275, %mul3A_294 : i32
          %get3A_296 = arith.index_cast %add3A_76 : i32 to index
          %get3A_297 = arith.index_cast %mul3A_295 : i32 to index
          %get3A_298 = tpu.vector_load %arg4[%get3A_296, %get3A_297] {strides = array<i32>} : memref<16x3136xf32, #tpu.memory_space<vmem>>, vector<16xf32>,
          %max3A_299 = arith.maximumf %max3A_273, %get3A_298 : vector<16xf32>
          %scan3A_300 = arith.constant 2 : i32
          %scan3A_301 = arith.addi %scan3A_247, %scan3A_300 : i32
          %mul3A_302 = arith.constant 16 : i32
          %mul3A_303 = arith.muli %scan3A_301, %mul3A_302 : i32
          %get3A_304 = arith.index_cast %add3A_61 : i32 to index
          %get3A_305 = arith.index_cast %mul3A_303 : i32 to index
          %get3A_306 = tpu.vector_load %arg4[%get3A_304, %get3A_305] {strides = array<i32>} : memref<16x3136xf32, #tpu.memory_space<vmem>>, vector<16xf32>,
          %max3A_307 = arith.maximumf %max3A_281, %get3A_306 : vector<16xf32>
          %mul3A_308 = arith.constant 16 : i32
          %mul3A_309 = arith.muli %scan3A_301, %mul3A_308 : i32
          %get3A_310 = arith.index_cast %add3A_66 : i32 to index
          %get3A_311 = arith.index_cast %mul3A_309 : i32 to index
          %get3A_312 = tpu.vector_load %arg4[%get3A_310, %get3A_311] {strides = array<i32>} : memref<16x3136xf32, #tpu.memory_space<vmem>>, vector<16xf32>,
          %max3A_313 = arith.maximumf %max3A_287, %get3A_312 : vector<16xf32>
          %mul3A_314 = arith.constant 16 : i32
          %mul3A_315 = arith.muli %scan3A_301, %mul3A_314 : i32
          %get3A_316 = arith.index_cast %add3A_71 : i32 to index
          %get3A_317 = arith.index_cast %mul3A_315 : i32 to index
          %get3A_318 = tpu.vector_load %arg4[%get3A_316, %get3A_317] {strides = array<i32>} : memref<16x3136xf32, #tpu.memory_space<vmem>>, vector<16xf32>,
          %max3A_319 = arith.maximumf %max3A_293, %get3A_318 : vector<16xf32>
          %mul3A_320 = arith.constant 16 : i32
          %mul3A_321 = arith.muli %scan3A_301, %mul3A_320 : i32
          %get3A_322 = arith.index_cast %add3A_76 : i32 to index
          %get3A_323 = arith.index_cast %mul3A_321 : i32 to index
          %get3A_324 = tpu.vector_load %arg4[%get3A_322, %get3A_323] {strides = array<i32>} : memref<16x3136xf32, #tpu.memory_space<vmem>>, vector<16xf32>,
          %max3A_325 = arith.maximumf %max3A_299, %get3A_324 : vector<16xf32>
          %scan3A_326 = arith.constant 3 : i32
          %scan3A_327 = arith.addi %scan3A_247, %scan3A_326 : i32
          %mul3A_328 = arith.constant 16 : i32
          %mul3A_329 = arith.muli %scan3A_327, %mul3A_328 : i32
          %get3A_330 = arith.index_cast %add3A_61 : i32 to index
          %get3A_331 = arith.index_cast %mul3A_329 : i32 to index
          %get3A_332 = tpu.vector_load %arg4[%get3A_330, %get3A_331] {strides = array<i32>} : memref<16x3136xf32, #tpu.memory_space<vmem>>, vector<16xf32>,
          %max3A_333 = arith.maximumf %max3A_307, %get3A_332 : vector<16xf32>
          %mul3A_334 = arith.constant 16 : i32
          %mul3A_335 = arith.muli %scan3A_327, %mul3A_334 : i32
          %get3A_336 = arith.index_cast %add3A_66 : i32 to index
          %get3A_337 = arith.index_cast %mul3A_335 : i32 to index
          %get3A_338 = tpu.vector_load %arg4[%get3A_336, %get3A_337] {strides = array<i32>} : memref<16x3136xf32, #tpu.memory_space<vmem>>, vector<16xf32>,
          %max3A_339 = arith.maximumf %max3A_313, %get3A_338 : vector<16xf32>
          %mul3A_340 = arith.constant 16 : i32
          %mul3A_341 = arith.muli %scan3A_327, %mul3A_340 : i32
          %get3A_342 = arith.index_cast %add3A_71 : i32 to index
          %get3A_343 = arith.index_cast %mul3A_341 : i32 to index
          %get3A_344 = tpu.vector_load %arg4[%get3A_342, %get3A_343] {strides = array<i32>} : memref<16x3136xf32, #tpu.memory_space<vmem>>, vector<16xf32>,
          %max3A_345 = arith.maximumf %max3A_319, %get3A_344 : vector<16xf32>
          %mul3A_346 = arith.constant 16 : i32
          %mul3A_347 = arith.muli %scan3A_327, %mul3A_346 : i32
          %get3A_348 = arith.index_cast %add3A_76 : i32 to index
          %get3A_349 = arith.index_cast %mul3A_347 : i32 to index
          %get3A_350 = tpu.vector_load %arg4[%get3A_348, %get3A_349] {strides = array<i32>} : memref<16x3136xf32, #tpu.memory_space<vmem>>, vector<16xf32>,
          %max3A_351 = arith.maximumf %max3A_325, %get3A_350 : vector<16xf32>
          %scan3A_352 = arith.constant 4 : i32
          %scan3A_353 = arith.addi %scan3A_247, %scan3A_352 : i32
          %mul3A_354 = arith.constant 16 : i32
          %mul3A_355 = arith.muli %scan3A_353, %mul3A_354 : i32
          %get3A_356 = arith.index_cast %add3A_61 : i32 to index
          %get3A_357 = arith.index_cast %mul3A_355 : i32 to index
          %get3A_358 = tpu.vector_load %arg4[%get3A_356, %get3A_357] {strides = array<i32>} : memref<16x3136xf32, #tpu.memory_space<vmem>>, vector<16xf32>,
          %max3A_359 = arith.maximumf %max3A_333, %get3A_358 : vector<16xf32>
          %mul3A_360 = arith.constant 16 : i32
          %mul3A_361 = arith.muli %scan3A_353, %mul3A_360 : i32
          %get3A_362 = arith.index_cast %add3A_66 : i32 to index
          %get3A_363 = arith.index_cast %mul3A_361 : i32 to index
          %get3A_364 = tpu.vector_load %arg4[%get3A_362, %get3A_363] {strides = array<i32>} : memref<16x3136xf32, #tpu.memory_space<vmem>>, vector<16xf32>,
          %max3A_365 = arith.maximumf %max3A_339, %get3A_364 : vector<16xf32>
          %mul3A_366 = arith.constant 16 : i32
          %mul3A_367 = arith.muli %scan3A_353, %mul3A_366 : i32
          %get3A_368 = arith.index_cast %add3A_71 : i32 to index
          %get3A_369 = arith.index_cast %mul3A_367 : i32 to index
          %get3A_370 = tpu.vector_load %arg4[%get3A_368, %get3A_369] {strides = array<i32>} : memref<16x3136xf32, #tpu.memory_space<vmem>>, vector<16xf32>,
          %max3A_371 = arith.maximumf %max3A_345, %get3A_370 : vector<16xf32>
          %mul3A_372 = arith.constant 16 : i32
          %mul3A_373 = arith.muli %scan3A_353, %mul3A_372 : i32
          %get3A_374 = arith.index_cast %add3A_76 : i32 to index
          %get3A_375 = arith.index_cast %mul3A_373 : i32 to index
          %get3A_376 = tpu.vector_load %arg4[%get3A_374, %get3A_375] {strides = array<i32>} : memref<16x3136xf32, #tpu.memory_space<vmem>>, vector<16xf32>,
          %max3A_377 = arith.maximumf %max3A_351, %get3A_376 : vector<16xf32>
          %scan3A_378 = arith.constant 5 : i32
          %scan3A_379 = arith.addi %scan3A_247, %scan3A_378 : i32
          %mul3A_380 = arith.constant 16 : i32
          %mul3A_381 = arith.muli %scan3A_379, %mul3A_380 : i32
          %get3A_382 = arith.index_cast %add3A_61 : i32 to index
          %get3A_383 = arith.index_cast %mul3A_381 : i32 to index
          %get3A_384 = tpu.vector_load %arg4[%get3A_382, %get3A_383] {strides = array<i32>} : memref<16x3136xf32, #tpu.memory_space<vmem>>, vector<16xf32>,
          %max3A_385 = arith.maximumf %max3A_359, %get3A_384 : vector<16xf32>
          %mul3A_386 = arith.constant 16 : i32
          %mul3A_387 = arith.muli %scan3A_379, %mul3A_386 : i32
          %get3A_388 = arith.index_cast %add3A_66 : i32 to index
          %get3A_389 = arith.index_cast %mul3A_387 : i32 to index
          %get3A_390 = tpu.vector_load %arg4[%get3A_388, %get3A_389] {strides = array<i32>} : memref<16x3136xf32, #tpu.memory_space<vmem>>, vector<16xf32>,
          %max3A_391 = arith.maximumf %max3A_365, %get3A_390 : vector<16xf32>
          %mul3A_392 = arith.constant 16 : i32
          %mul3A_393 = arith.muli %scan3A_379, %mul3A_392 : i32
          %get3A_394 = arith.index_cast %add3A_71 : i32 to index
          %get3A_395 = arith.index_cast %mul3A_393 : i32 to index
          %get3A_396 = tpu.vector_load %arg4[%get3A_394, %get3A_395] {strides = array<i32>} : memref<16x3136xf32, #tpu.memory_space<vmem>>, vector<16xf32>,
          %max3A_397 = arith.maximumf %max3A_371, %get3A_396 : vector<16xf32>
          %mul3A_398 = arith.constant 16 : i32
          %mul3A_399 = arith.muli %scan3A_379, %mul3A_398 : i32
          %get3A_400 = arith.index_cast %add3A_76 : i32 to index
          %get3A_401 = arith.index_cast %mul3A_399 : i32 to index
          %get3A_402 = tpu.vector_load %arg4[%get3A_400, %get3A_401] {strides = array<i32>} : memref<16x3136xf32, #tpu.memory_space<vmem>>, vector<16xf32>,
          %max3A_403 = arith.maximumf %max3A_377, %get3A_402 : vector<16xf32>
          %scan3A_404 = arith.constant 6 : i32
          %scan3A_405 = arith.addi %scan3A_247, %scan3A_404 : i32
          %mul3A_406 = arith.constant 16 : i32
          %mul3A_407 = arith.muli %scan3A_405, %mul3A_406 : i32
          %get3A_408 = arith.index_cast %add3A_61 : i32 to index
          %get3A_409 = arith.index_cast %mul3A_407 : i32 to index
          %get3A_410 = tpu.vector_load %arg4[%get3A_408, %get3A_409] {strides = array<i32>} : memref<16x3136xf32, #tpu.memory_space<vmem>>, vector<16xf32>,
          %max3A_411 = arith.maximumf %max3A_385, %get3A_410 : vector<16xf32>
          %mul3A_412 = arith.constant 16 : i32
          %mul3A_413 = arith.muli %scan3A_405, %mul3A_412 : i32
          %get3A_414 = arith.index_cast %add3A_66 : i32 to index
          %get3A_415 = arith.index_cast %mul3A_413 : i32 to index
          %get3A_416 = tpu.vector_load %arg4[%get3A_414, %get3A_415] {strides = array<i32>} : memref<16x3136xf32, #tpu.memory_space<vmem>>, vector<16xf32>,
          %max3A_417 = arith.maximumf %max3A_391, %get3A_416 : vector<16xf32>
          %mul3A_418 = arith.constant 16 : i32
          %mul3A_419 = arith.muli %scan3A_405, %mul3A_418 : i32
          %get3A_420 = arith.index_cast %add3A_71 : i32 to index
          %get3A_421 = arith.index_cast %mul3A_419 : i32 to index
          %get3A_422 = tpu.vector_load %arg4[%get3A_420, %get3A_421] {strides = array<i32>} : memref<16x3136xf32, #tpu.memory_space<vmem>>, vector<16xf32>,
          %max3A_423 = arith.maximumf %max3A_397, %get3A_422 : vector<16xf32>
          %mul3A_424 = arith.constant 16 : i32
          %mul3A_425 = arith.muli %scan3A_405, %mul3A_424 : i32
          %get3A_426 = arith.index_cast %add3A_76 : i32 to index
          %get3A_427 = arith.index_cast %mul3A_425 : i32 to index
          %get3A_428 = tpu.vector_load %arg4[%get3A_426, %get3A_427] {strides = array<i32>} : memref<16x3136xf32, #tpu.memory_space<vmem>>, vector<16xf32>,
          %max3A_429 = arith.maximumf %max3A_403, %get3A_428 : vector<16xf32>
          %scan3A_430 = arith.constant 7 : i32
          %scan3A_431 = arith.addi %scan3A_247, %scan3A_430 : i32
          %mul3A_432 = arith.constant 16 : i32
          %mul3A_433 = arith.muli %scan3A_431, %mul3A_432 : i32
          %get3A_434 = arith.index_cast %add3A_61 : i32 to index
          %get3A_435 = arith.index_cast %mul3A_433 : i32 to index
          %get3A_436 = tpu.vector_load %arg4[%get3A_434, %get3A_435] {strides = array<i32>} : memref<16x3136xf32, #tpu.memory_space<vmem>>, vector<16xf32>,
          %max3A_437 = arith.maximumf %max3A_411, %get3A_436 : vector<16xf32>
          %mul3A_438 = arith.constant 16 : i32
          %mul3A_439 = arith.muli %scan3A_431, %mul3A_438 : i32
          %get3A_440 = arith.index_cast %add3A_66 : i32 to index
          %get3A_441 = arith.index_cast %mul3A_439 : i32 to index
          %get3A_442 = tpu.vector_load %arg4[%get3A_440, %get3A_441] {strides = array<i32>} : memref<16x3136xf32, #tpu.memory_space<vmem>>, vector<16xf32>,
          %max3A_443 = arith.maximumf %max3A_417, %get3A_442 : vector<16xf32>
          %mul3A_444 = arith.constant 16 : i32
          %mul3A_445 = arith.muli %scan3A_431, %mul3A_444 : i32
          %get3A_446 = arith.index_cast %add3A_71 : i32 to index
          %get3A_447 = arith.index_cast %mul3A_445 : i32 to index
          %get3A_448 = tpu.vector_load %arg4[%get3A_446, %get3A_447] {strides = array<i32>} : memref<16x3136xf32, #tpu.memory_space<vmem>>, vector<16xf32>,
          %max3A_449 = arith.maximumf %max3A_423, %get3A_448 : vector<16xf32>
          %mul3A_450 = arith.constant 16 : i32
          %mul3A_451 = arith.muli %scan3A_431, %mul3A_450 : i32
          %get3A_452 = arith.index_cast %add3A_76 : i32 to index
          %get3A_453 = arith.index_cast %mul3A_451 : i32 to index
          %get3A_454 = tpu.vector_load %arg4[%get3A_452, %get3A_453] {strides = array<i32>} : memref<16x3136xf32, #tpu.memory_space<vmem>>, vector<16xf32>,
          %max3A_455 = arith.maximumf %max3A_429, %get3A_454 : vector<16xf32>
          %scan3A_456 = arith.constant 8 : i32
          %scan3A_457 = arith.addi %scan3A_247, %scan3A_456 : i32
          %mul3A_458 = arith.constant 16 : i32
          %mul3A_459 = arith.muli %scan3A_457, %mul3A_458 : i32
          %get3A_460 = arith.index_cast %add3A_61 : i32 to index
          %get3A_461 = arith.index_cast %mul3A_459 : i32 to index
          %get3A_462 = tpu.vector_load %arg4[%get3A_460, %get3A_461] {strides = array<i32>} : memref<16x3136xf32, #tpu.memory_space<vmem>>, vector<16xf32>,
          %max3A_463 = arith.maximumf %max3A_437, %get3A_462 : vector<16xf32>
          %mul3A_464 = arith.constant 16 : i32
          %mul3A_465 = arith.muli %scan3A_457, %mul3A_464 : i32
          %get3A_466 = arith.index_cast %add3A_66 : i32 to index
          %get3A_467 = arith.index_cast %mul3A_465 : i32 to index
          %get3A_468 = tpu.vector_load %arg4[%get3A_466, %get3A_467] {strides = array<i32>} : memref<16x3136xf32, #tpu.memory_space<vmem>>, vector<16xf32>,
          %max3A_469 = arith.maximumf %max3A_443, %get3A_468 : vector<16xf32>
          %mul3A_470 = arith.constant 16 : i32
          %mul3A_471 = arith.muli %scan3A_457, %mul3A_470 : i32
          %get3A_472 = arith.index_cast %add3A_71 : i32 to index
          %get3A_473 = arith.index_cast %mul3A_471 : i32 to index
          %get3A_474 = tpu.vector_load %arg4[%get3A_472, %get3A_473] {strides = array<i32>} : memref<16x3136xf32, #tpu.memory_space<vmem>>, vector<16xf32>,
          %max3A_475 = arith.maximumf %max3A_449, %get3A_474 : vector<16xf32>
          %mul3A_476 = arith.constant 16 : i32
          %mul3A_477 = arith.muli %scan3A_457, %mul3A_476 : i32
          %get3A_478 = arith.index_cast %add3A_76 : i32 to index
          %get3A_479 = arith.index_cast %mul3A_477 : i32 to index
          %get3A_480 = tpu.vector_load %arg4[%get3A_478, %get3A_479] {strides = array<i32>} : memref<16x3136xf32, #tpu.memory_space<vmem>>, vector<16xf32>,
          %max3A_481 = arith.maximumf %max3A_455, %get3A_480 : vector<16xf32>
          %scan3A_482 = arith.constant 9 : i32
          %scan3A_483 = arith.addi %scan3A_247, %scan3A_482 : i32
          %mul3A_484 = arith.constant 16 : i32
          %mul3A_485 = arith.muli %scan3A_483, %mul3A_484 : i32
          %get3A_486 = arith.index_cast %add3A_61 : i32 to index
          %get3A_487 = arith.index_cast %mul3A_485 : i32 to index
          %get3A_488 = tpu.vector_load %arg4[%get3A_486, %get3A_487] {strides = array<i32>} : memref<16x3136xf32, #tpu.memory_space<vmem>>, vector<16xf32>,
          %max3A_489 = arith.maximumf %max3A_463, %get3A_488 : vector<16xf32>
          %mul3A_490 = arith.constant 16 : i32
          %mul3A_491 = arith.muli %scan3A_483, %mul3A_490 : i32
          %get3A_492 = arith.index_cast %add3A_66 : i32 to index
          %get3A_493 = arith.index_cast %mul3A_491 : i32 to index
          %get3A_494 = tpu.vector_load %arg4[%get3A_492, %get3A_493] {strides = array<i32>} : memref<16x3136xf32, #tpu.memory_space<vmem>>, vector<16xf32>,
          %max3A_495 = arith.maximumf %max3A_469, %get3A_494 : vector<16xf32>
          %mul3A_496 = arith.constant 16 : i32
          %mul3A_497 = arith.muli %scan3A_483, %mul3A_496 : i32
          %get3A_498 = arith.index_cast %add3A_71 : i32 to index
          %get3A_499 = arith.index_cast %mul3A_497 : i32 to index
          %get3A_500 = tpu.vector_load %arg4[%get3A_498, %get3A_499] {strides = array<i32>} : memref<16x3136xf32, #tpu.memory_space<vmem>>, vector<16xf32>,
          %max3A_501 = arith.maximumf %max3A_475, %get3A_500 : vector<16xf32>
          %mul3A_502 = arith.constant 16 : i32
          %mul3A_503 = arith.muli %scan3A_483, %mul3A_502 : i32
          %get3A_504 = arith.index_cast %add3A_76 : i32 to index
          %get3A_505 = arith.index_cast %mul3A_503 : i32 to index
          %get3A_506 = tpu.vector_load %arg4[%get3A_504, %get3A_505] {strides = array<i32>} : memref<16x3136xf32, #tpu.memory_space<vmem>>, vector<16xf32>,
          %max3A_507 = arith.maximumf %max3A_481, %get3A_506 : vector<16xf32>
          %scan3A_508 = arith.constant 10 : i32
          %scan3A_509 = arith.addi %scan3A_247, %scan3A_508 : i32
          %mul3A_510 = arith.constant 16 : i32
          %mul3A_511 = arith.muli %scan3A_509, %mul3A_510 : i32
          %get3A_512 = arith.index_cast %add3A_61 : i32 to index
          %get3A_513 = arith.index_cast %mul3A_511 : i32 to index
          %get3A_514 = tpu.vector_load %arg4[%get3A_512, %get3A_513] {strides = array<i32>} : memref<16x3136xf32, #tpu.memory_space<vmem>>, vector<16xf32>,
          %max3A_515 = arith.maximumf %max3A_489, %get3A_514 : vector<16xf32>
          %mul3A_516 = arith.constant 16 : i32
          %mul3A_517 = arith.muli %scan3A_509, %mul3A_516 : i32
          %get3A_518 = arith.index_cast %add3A_66 : i32 to index
          %get3A_519 = arith.index_cast %mul3A_517 : i32 to index
          %get3A_520 = tpu.vector_load %arg4[%get3A_518, %get3A_519] {strides = array<i32>} : memref<16x3136xf32, #tpu.memory_space<vmem>>, vector<16xf32>,
          %max3A_521 = arith.maximumf %max3A_495, %get3A_520 : vector<16xf32>
          %mul3A_522 = arith.constant 16 : i32
          %mul3A_523 = arith.muli %scan3A_509, %mul3A_522 : i32
          %get3A_524 = arith.index_cast %add3A_71 : i32 to index
          %get3A_525 = arith.index_cast %mul3A_523 : i32 to index
          %get3A_526 = tpu.vector_load %arg4[%get3A_524, %get3A_525] {strides = array<i32>} : memref<16x3136xf32, #tpu.memory_space<vmem>>, vector<16xf32>,
          %max3A_527 = arith.maximumf %max3A_501, %get3A_526 : vector<16xf32>
          %mul3A_528 = arith.constant 16 : i32
          %mul3A_529 = arith.muli %scan3A_509, %mul3A_528 : i32
          %get3A_530 = arith.index_cast %add3A_76 : i32 to index
          %get3A_531 = arith.index_cast %mul3A_529 : i32 to index
          %get3A_532 = tpu.vector_load %arg4[%get3A_530, %get3A_531] {strides = array<i32>} : memref<16x3136xf32, #tpu.memory_space<vmem>>, vector<16xf32>,
          %max3A_533 = arith.maximumf %max3A_507, %get3A_532 : vector<16xf32>
          %scan3A_534 = arith.constant 11 : i32
          %scan3A_535 = arith.addi %scan3A_247, %scan3A_534 : i32
          %mul3A_536 = arith.constant 16 : i32
          %mul3A_537 = arith.muli %scan3A_535, %mul3A_536 : i32
          %get3A_538 = arith.index_cast %add3A_61 : i32 to index
          %get3A_539 = arith.index_cast %mul3A_537 : i32 to index
          %get3A_540 = tpu.vector_load %arg4[%get3A_538, %get3A_539] {strides = array<i32>} : memref<16x3136xf32, #tpu.memory_space<vmem>>, vector<16xf32>,
          %max3A_541 = arith.maximumf %max3A_515, %get3A_540 : vector<16xf32>
          %mul3A_542 = arith.constant 16 : i32
          %mul3A_543 = arith.muli %scan3A_535, %mul3A_542 : i32
          %get3A_544 = arith.index_cast %add3A_66 : i32 to index
          %get3A_545 = arith.index_cast %mul3A_543 : i32 to index
          %get3A_546 = tpu.vector_load %arg4[%get3A_544, %get3A_545] {strides = array<i32>} : memref<16x3136xf32, #tpu.memory_space<vmem>>, vector<16xf32>,
          %max3A_547 = arith.maximumf %max3A_521, %get3A_546 : vector<16xf32>
          %mul3A_548 = arith.constant 16 : i32
          %mul3A_549 = arith.muli %scan3A_535, %mul3A_548 : i32
          %get3A_550 = arith.index_cast %add3A_71 : i32 to index
          %get3A_551 = arith.index_cast %mul3A_549 : i32 to index
          %get3A_552 = tpu.vector_load %arg4[%get3A_550, %get3A_551] {strides = array<i32>} : memref<16x3136xf32, #tpu.memory_space<vmem>>, vector<16xf32>,
          %max3A_553 = arith.maximumf %max3A_527, %get3A_552 : vector<16xf32>
          %mul3A_554 = arith.constant 16 : i32
          %mul3A_555 = arith.muli %scan3A_535, %mul3A_554 : i32
          %get3A_556 = arith.index_cast %add3A_76 : i32 to index
          %get3A_557 = arith.index_cast %mul3A_555 : i32 to index
          %get3A_558 = tpu.vector_load %arg4[%get3A_556, %get3A_557] {strides = array<i32>} : memref<16x3136xf32, #tpu.memory_space<vmem>>, vector<16xf32>,
          %max3A_559 = arith.maximumf %max3A_533, %get3A_558 : vector<16xf32>
          %scan3A_560 = arith.constant 12 : i32
          %scan3A_561 = arith.addi %scan3A_247, %scan3A_560 : i32
          %mul3A_562 = arith.constant 16 : i32
          %mul3A_563 = arith.muli %scan3A_561, %mul3A_562 : i32
          %get3A_564 = arith.index_cast %add3A_61 : i32 to index
          %get3A_565 = arith.index_cast %mul3A_563 : i32 to index
          %get3A_566 = tpu.vector_load %arg4[%get3A_564, %get3A_565] {strides = array<i32>} : memref<16x3136xf32, #tpu.memory_space<vmem>>, vector<16xf32>,
          %max3A_567 = arith.maximumf %max3A_541, %get3A_566 : vector<16xf32>
          %mul3A_568 = arith.constant 16 : i32
          %mul3A_569 = arith.muli %scan3A_561, %mul3A_568 : i32
          %get3A_570 = arith.index_cast %add3A_66 : i32 to index
          %get3A_571 = arith.index_cast %mul3A_569 : i32 to index
          %get3A_572 = tpu.vector_load %arg4[%get3A_570, %get3A_571] {strides = array<i32>} : memref<16x3136xf32, #tpu.memory_space<vmem>>, vector<16xf32>,
          %max3A_573 = arith.maximumf %max3A_547, %get3A_572 : vector<16xf32>
          %mul3A_574 = arith.constant 16 : i32
          %mul3A_575 = arith.muli %scan3A_561, %mul3A_574 : i32
          %get3A_576 = arith.index_cast %add3A_71 : i32 to index
          %get3A_577 = arith.index_cast %mul3A_575 : i32 to index
          %get3A_578 = tpu.vector_load %arg4[%get3A_576, %get3A_577] {strides = array<i32>} : memref<16x3136xf32, #tpu.memory_space<vmem>>, vector<16xf32>,
          %max3A_579 = arith.maximumf %max3A_553, %get3A_578 : vector<16xf32>
          %mul3A_580 = arith.constant 16 : i32
          %mul3A_581 = arith.muli %scan3A_561, %mul3A_580 : i32
          %get3A_582 = arith.index_cast %add3A_76 : i32 to index
          %get3A_583 = arith.index_cast %mul3A_581 : i32 to index
          %get3A_584 = tpu.vector_load %arg4[%get3A_582, %get3A_583] {strides = array<i32>} : memref<16x3136xf32, #tpu.memory_space<vmem>>, vector<16xf32>,
          %max3A_585 = arith.maximumf %max3A_559, %get3A_584 : vector<16xf32>
          %scan3A_586 = arith.constant 13 : i32
          %scan3A_587 = arith.addi %scan3A_247, %scan3A_586 : i32
          %mul3A_588 = arith.constant 16 : i32
          %mul3A_589 = arith.muli %scan3A_587, %mul3A_588 : i32
          %get3A_590 = arith.index_cast %add3A_61 : i32 to index
          %get3A_591 = arith.index_cast %mul3A_589 : i32 to index
          %get3A_592 = tpu.vector_load %arg4[%get3A_590, %get3A_591] {strides = array<i32>} : memref<16x3136xf32, #tpu.memory_space<vmem>>, vector<16xf32>,
          %max3A_593 = arith.maximumf %max3A_567, %get3A_592 : vector<16xf32>
          %mul3A_594 = arith.constant 16 : i32
          %mul3A_595 = arith.muli %scan3A_587, %mul3A_594 : i32
          %get3A_596 = arith.index_cast %add3A_66 : i32 to index
          %get3A_597 = arith.index_cast %mul3A_595 : i32 to index
          %get3A_598 = tpu.vector_load %arg4[%get3A_596, %get3A_597] {strides = array<i32>} : memref<16x3136xf32, #tpu.memory_space<vmem>>, vector<16xf32>,
          %max3A_599 = arith.maximumf %max3A_573, %get3A_598 : vector<16xf32>
          %mul3A_600 = arith.constant 16 : i32
          %mul3A_601 = arith.muli %scan3A_587, %mul3A_600 : i32
          %get3A_602 = arith.index_cast %add3A_71 : i32 to index
          %get3A_603 = arith.index_cast %mul3A_601 : i32 to index
          %get3A_604 = tpu.vector_load %arg4[%get3A_602, %get3A_603] {strides = array<i32>} : memref<16x3136xf32, #tpu.memory_space<vmem>>, vector<16xf32>,
          %max3A_605 = arith.maximumf %max3A_579, %get3A_604 : vector<16xf32>
          %mul3A_606 = arith.constant 16 : i32
          %mul3A_607 = arith.muli %scan3A_587, %mul3A_606 : i32
          %get3A_608 = arith.index_cast %add3A_76 : i32 to index
          %get3A_609 = arith.index_cast %mul3A_607 : i32 to index
          %get3A_610 = tpu.vector_load %arg4[%get3A_608, %get3A_609] {strides = array<i32>} : memref<16x3136xf32, #tpu.memory_space<vmem>>, vector<16xf32>,
          %max3A_611 = arith.maximumf %max3A_585, %get3A_610 : vector<16xf32>
          scf.yield %max3A_593, %max3A_599, %max3A_605, %max3A_611 : vector<16xf32>, vector<16xf32>, vector<16xf32>, vector<16xf32>
        }
        %scan3A_82 = arith.constant 196 : i32
        %sort3A = arith.constant dense<true> : vector<16xi1>
        %sort3A_83, %sort3A_84, %sort3A_85 = tpu.sort %scan3A_81#0, %scan3A_81#0 masked %sort3A : (vector<16xf32>, vector<16xf32>, vector<16xi1>) -> (vector<16xi1>, vector<16xf32>, vector<16xf32>)
        %slice3A = vector.extract_strided_slice %sort3A_84 {offsets = [0], sizes = [1], strides = [1]} : vector<16xf32> to vector<1xf32>
        %squeeze3A = vector.extract %slice3A[0] : f32 from vector<1xf32>
        %broadcast_in_dim3A_86 = vector.broadcast %squeeze3A : f32 to vector<16xf32>
        %sort3A_87 = arith.constant dense<true> : vector<16xi1>
        %sort3A_88, %sort3A_89, %sort3A_90 = tpu.sort %scan3A_81#1, %scan3A_81#1 masked %sort3A_87 : (vector<16xf32>, vector<16xf32>, vector<16xi1>) -> (vector<16xi1>, vector<16xf32>, vector<16xf32>)
        %slice3A_91 = vector.extract_strided_slice %sort3A_89 {offsets = [0], sizes = [1], strides = [1]} : vector<16xf32> to vector<1xf32>
        %squeeze3A_92 = vector.extract %slice3A_91[0] : f32 from vector<1xf32>
        %broadcast_in_dim3A_93 = vector.broadcast %squeeze3A_92 : f32 to vector<16xf32>
        %sort3A_94 = arith.constant dense<true> : vector<16xi1>
        %sort3A_95, %sort3A_96, %sort3A_97 = tpu.sort %scan3A_81#2, %scan3A_81#2 masked %sort3A_94 : (vector<16xf32>, vector<16xf32>, vector<16xi1>) -> (vector<16xi1>, vector<16xf32>, vector<16xf32>)
        %slice3A_98 = vector.extract_strided_slice %sort3A_96 {offsets = [0], sizes = [1], strides = [1]} : vector<16xf32> to vector<1xf32>
        %squeeze3A_99 = vector.extract %slice3A_98[0] : f32 from vector<1xf32>
        %broadcast_in_dim3A_100 = vector.broadcast %squeeze3A_99 : f32 to vector<16xf32>
        %sort3A_101 = arith.constant dense<true> : vector<16xi1>
        %sort3A_102, %sort3A_103, %sort3A_104 = tpu.sort %scan3A_81#3, %scan3A_81#3 masked %sort3A_101 : (vector<16xf32>, vector<16xf32>, vector<16xi1>) -> (vector<16xi1>, vector<16xf32>, vector<16xf32>)
        %slice3A_105 = vector.extract_strided_slice %sort3A_103 {offsets = [0], sizes = [1], strides = [1]} : vector<16xf32> to vector<1xf32>
        %squeeze3A_106 = vector.extract %slice3A_105[0] : f32 from vector<1xf32>
        %broadcast_in_dim3A_107 = vector.broadcast %squeeze3A_106 : f32 to vector<16xf32>
        %scan3A_108 = arith.constant 0 : i32
        %scan3A_109 = arith.constant 0 : i32
        %scan3A_110 = arith.constant 0 : i32
        %scan3A_111 = arith.constant 0 : i32
        %scan3A_112 = arith.constant 0 : i32
        %scan3A_113 = arith.constant 196 : i32
        %scan3A_114 = arith.addi %scan3A_112, %scan3A_113 : i32
        %scan3A_115 = arith.constant 7 : i32
        %scan3A_116:5 = scf.for %scan3A_247 = %scan3A_112 to %scan3A_114 step %scan3A_115 iter_args(%scan3A_248 = %scan3A_108, %scan3A_249 = %scan3A_109, %scan3A_250 = %scan3A_110, %scan3A_251 = %scan3A_111, %scan3A_252 = %iota3A) -> (i32, i32, i32, i32, vector<16xi32>)  : i32 {
          %mul3A_253 = arith.constant 16 : i32
          %mul3A_254 = arith.muli %scan3A_247, %mul3A_253 : i32
          %get3A = arith.index_cast %add3A_61 : i32 to index
          %get3A_255 = arith.index_cast %mul3A_254 : i32 to index
          %get3A_256 = tpu.vector_load %arg4[%get3A, %get3A_255] {strides = array<i32>} : memref<16x3136xf32, #tpu.memory_space<vmem>>, vector<16xf32>,
          %ge3A = arith.cmpf oge, %get3A_256, %broadcast_in_dim3A_86 : vector<16xf32>
          %mul3A_257 = arith.constant 16 : i32
          %mul3A_258 = arith.muli %scan3A_247, %mul3A_257 : i32
          %get3A_259 = arith.index_cast %add3A_66 : i32 to index
          %get3A_260 = arith.index_cast %mul3A_258 : i32 to index
          %get3A_261 = tpu.vector_load %arg4[%get3A_259, %get3A_260] {strides = array<i32>} : memref<16x3136xf32, #tpu.memory_space<vmem>>, vector<16xf32>,
          %ge3A_262 = arith.cmpf oge, %get3A_261, %broadcast_in_dim3A_93 : vector<16xf32>
          %mul3A_263 = arith.constant 16 : i32
          %mul3A_264 = arith.muli %scan3A_247, %mul3A_263 : i32
          %get3A_265 = arith.index_cast %add3A_71 : i32 to index
          %get3A_266 = arith.index_cast %mul3A_264 : i32 to index
          %get3A_267 = tpu.vector_load %arg4[%get3A_265, %get3A_266] {strides = array<i32>} : memref<16x3136xf32, #tpu.memory_space<vmem>>, vector<16xf32>,
          %ge3A_268 = arith.cmpf oge, %get3A_267, %broadcast_in_dim3A_100 : vector<16xf32>
          %mul3A_269 = arith.constant 16 : i32
          %mul3A_270 = arith.muli %scan3A_247, %mul3A_269 : i32
          %get3A_271 = arith.index_cast %add3A_76 : i32 to index
          %get3A_272 = arith.index_cast %mul3A_270 : i32 to index
          %get3A_273 = tpu.vector_load %arg4[%get3A_271, %get3A_272] {strides = array<i32>} : memref<16x3136xf32, #tpu.memory_space<vmem>>, vector<16xf32>,
          %ge3A_274 = arith.cmpf oge, %get3A_273, %broadcast_in_dim3A_107 : vector<16xf32>
          %swap3A_275 = arith.index_cast %scan3A_248 : i32 to index
          %swap3A_276 = tpu.vector_load %arg5[%swap3A_275] masked %ge3A {strides = array<i32>} : memref<3152xi32, #tpu.memory_space<vmem>>, vector<16xi32>, vector<16xi1>
          tpu.vector_store %arg5[%swap3A_275], %scan3A_252 masked %ge3A {strides = array<i32>} : memref<3152xi32, #tpu.memory_space<vmem>>, vector<16xi32>, vector<16xi1>
          %swap3A_277 = arith.index_cast %scan3A_249 : i32 to index
          %swap3A_278 = tpu.vector_load %arg6[%swap3A_277] masked %ge3A_262 {strides = array<i32>} : memref<3152xi32, #tpu.memory_space<vmem>>, vector<16xi32>, vector<16xi1>
          tpu.vector_store %arg6[%swap3A_277], %scan3A_252 masked %ge3A_262 {strides = array<i32>} : memref<3152xi32, #tpu.memory_space<vmem>>, vector<16xi32>, vector<16xi1>
          %swap3A_279 = arith.index_cast %scan3A_250 : i32 to index
          %swap3A_280 = tpu.vector_load %arg7[%swap3A_279] masked %ge3A_268 {strides = array<i32>} : memref<3152xi32, #tpu.memory_space<vmem>>, vector<16xi32>, vector<16xi1>
          tpu.vector_store %arg7[%swap3A_279], %scan3A_252 masked %ge3A_268 {strides = array<i32>} : memref<3152xi32, #tpu.memory_space<vmem>>, vector<16xi32>, vector<16xi1>
          %swap3A_281 = arith.index_cast %scan3A_251 : i32 to index
          %swap3A_282 = tpu.vector_load %arg8[%swap3A_281] masked %ge3A_274 {strides = array<i32>} : memref<3152xi32, #tpu.memory_space<vmem>>, vector<16xi32>, vector<16xi1>
          tpu.vector_store %arg8[%swap3A_281], %scan3A_252 masked %ge3A_274 {strides = array<i32>} : memref<3152xi32, #tpu.memory_space<vmem>>, vector<16xi32>, vector<16xi1>
          %all_reduce_population_count3A = tpu.all_reduce %ge3A {dim = 0 : i64, kind = #tpu.reduction_kind<sum>} : vector<16xi1> -> vector<16xi32>
          %slice3A_283 = vector.extract_strided_slice %all_reduce_population_count3A {offsets = [0], sizes = [1], strides = [1]} : vector<16xi32> to vector<1xi32>
          %squeeze3A_284 = vector.extract %slice3A_283[0] : i32 from vector<1xi32>
          %add3A_285 = arith.addi %scan3A_248, %squeeze3A_284 : i32
          %all_reduce_population_count3A_286 = tpu.all_reduce %ge3A_262 {dim = 0 : i64, kind = #tpu.reduction_kind<sum>} : vector<16xi1> -> vector<16xi32>
          %slice3A_287 = vector.extract_strided_slice %all_reduce_population_count3A_286 {offsets = [0], sizes = [1], strides = [1]} : vector<16xi32> to vector<1xi32>
          %squeeze3A_288 = vector.extract %slice3A_287[0] : i32 from vector<1xi32>
          %add3A_289 = arith.addi %scan3A_249, %squeeze3A_288 : i32
          %all_reduce_population_count3A_290 = tpu.all_reduce %ge3A_268 {dim = 0 : i64, kind = #tpu.reduction_kind<sum>} : vector<16xi1> -> vector<16xi32>
          %slice3A_291 = vector.extract_strided_slice %all_reduce_population_count3A_290 {offsets = [0], sizes = [1], strides = [1]} : vector<16xi32> to vector<1xi32>
          %squeeze3A_292 = vector.extract %slice3A_291[0] : i32 from vector<1xi32>
          %add3A_293 = arith.addi %scan3A_250, %squeeze3A_292 : i32
          %all_reduce_population_count3A_294 = tpu.all_reduce %ge3A_274 {dim = 0 : i64, kind = #tpu.reduction_kind<sum>} : vector<16xi1> -> vector<16xi32>
          %slice3A_295 = vector.extract_strided_slice %all_reduce_population_count3A_294 {offsets = [0], sizes = [1], strides = [1]} : vector<16xi32> to vector<1xi32>
          %squeeze3A_296 = vector.extract %slice3A_295[0] : i32 from vector<1xi32>
          %add3A_297 = arith.addi %scan3A_251, %squeeze3A_296 : i32
          %add3A_298 = arith.addi %scan3A_252, %broadcast_in_dim3A_7 : vector<16xi32>
          %scan3A_299 = arith.constant 1 : i32
          %scan3A_300 = arith.addi %scan3A_247, %scan3A_299 : i32
          %mul3A_301 = arith.constant 16 : i32
          %mul3A_302 = arith.muli %scan3A_300, %mul3A_301 : i32
          %get3A_303 = arith.index_cast %add3A_61 : i32 to index
          %get3A_304 = arith.index_cast %mul3A_302 : i32 to index
          %get3A_305 = tpu.vector_load %arg4[%get3A_303, %get3A_304] {strides = array<i32>} : memref<16x3136xf32, #tpu.memory_space<vmem>>, vector<16xf32>,
          %ge3A_306 = arith.cmpf oge, %get3A_305, %broadcast_in_dim3A_86 : vector<16xf32>
          %mul3A_307 = arith.constant 16 : i32
          %mul3A_308 = arith.muli %scan3A_300, %mul3A_307 : i32
          %get3A_309 = arith.index_cast %add3A_66 : i32 to index
          %get3A_310 = arith.index_cast %mul3A_308 : i32 to index
          %get3A_311 = tpu.vector_load %arg4[%get3A_309, %get3A_310] {strides = array<i32>} : memref<16x3136xf32, #tpu.memory_space<vmem>>, vector<16xf32>,
          %ge3A_312 = arith.cmpf oge, %get3A_311, %broadcast_in_dim3A_93 : vector<16xf32>
          %mul3A_313 = arith.constant 16 : i32
          %mul3A_314 = arith.muli %scan3A_300, %mul3A_313 : i32
          %get3A_315 = arith.index_cast %add3A_71 : i32 to index
          %get3A_316 = arith.index_cast %mul3A_314 : i32 to index
          %get3A_317 = tpu.vector_load %arg4[%get3A_315, %get3A_316] {strides = array<i32>} : memref<16x3136xf32, #tpu.memory_space<vmem>>, vector<16xf32>,
          %ge3A_318 = arith.cmpf oge, %get3A_317, %broadcast_in_dim3A_100 : vector<16xf32>
          %mul3A_319 = arith.constant 16 : i32
          %mul3A_320 = arith.muli %scan3A_300, %mul3A_319 : i32
          %get3A_321 = arith.index_cast %add3A_76 : i32 to index
          %get3A_322 = arith.index_cast %mul3A_320 : i32 to index
          %get3A_323 = tpu.vector_load %arg4[%get3A_321, %get3A_322] {strides = array<i32>} : memref<16x3136xf32, #tpu.memory_space<vmem>>, vector<16xf32>,
          %ge3A_324 = arith.cmpf oge, %get3A_323, %broadcast_in_dim3A_107 : vector<16xf32>
          %swap3A_325 = arith.index_cast %add3A_285 : i32 to index
          %swap3A_326 = tpu.vector_load %arg5[%swap3A_325] masked %ge3A_306 {strides = array<i32>} : memref<3152xi32, #tpu.memory_space<vmem>>, vector<16xi32>, vector<16xi1>
          tpu.vector_store %arg5[%swap3A_325], %add3A_298 masked %ge3A_306 {strides = array<i32>} : memref<3152xi32, #tpu.memory_space<vmem>>, vector<16xi32>, vector<16xi1>
          %swap3A_327 = arith.index_cast %add3A_289 : i32 to index
          %swap3A_328 = tpu.vector_load %arg6[%swap3A_327] masked %ge3A_312 {strides = array<i32>} : memref<3152xi32, #tpu.memory_space<vmem>>, vector<16xi32>, vector<16xi1>
          tpu.vector_store %arg6[%swap3A_327], %add3A_298 masked %ge3A_312 {strides = array<i32>} : memref<3152xi32, #tpu.memory_space<vmem>>, vector<16xi32>, vector<16xi1>
          %swap3A_329 = arith.index_cast %add3A_293 : i32 to index
          %swap3A_330 = tpu.vector_load %arg7[%swap3A_329] masked %ge3A_318 {strides = array<i32>} : memref<3152xi32, #tpu.memory_space<vmem>>, vector<16xi32>, vector<16xi1>
          tpu.vector_store %arg7[%swap3A_329], %add3A_298 masked %ge3A_318 {strides = array<i32>} : memref<3152xi32, #tpu.memory_space<vmem>>, vector<16xi32>, vector<16xi1>
          %swap3A_331 = arith.index_cast %add3A_297 : i32 to index
          %swap3A_332 = tpu.vector_load %arg8[%swap3A_331] masked %ge3A_324 {strides = array<i32>} : memref<3152xi32, #tpu.memory_space<vmem>>, vector<16xi32>, vector<16xi1>
          tpu.vector_store %arg8[%swap3A_331], %add3A_298 masked %ge3A_324 {strides = array<i32>} : memref<3152xi32, #tpu.memory_space<vmem>>, vector<16xi32>, vector<16xi1>
          %all_reduce_population_count3A_333 = tpu.all_reduce %ge3A_306 {dim = 0 : i64, kind = #tpu.reduction_kind<sum>} : vector<16xi1> -> vector<16xi32>
          %slice3A_334 = vector.extract_strided_slice %all_reduce_population_count3A_333 {offsets = [0], sizes = [1], strides = [1]} : vector<16xi32> to vector<1xi32>
          %squeeze3A_335 = vector.extract %slice3A_334[0] : i32 from vector<1xi32>
          %add3A_336 = arith.addi %add3A_285, %squeeze3A_335 : i32
          %all_reduce_population_count3A_337 = tpu.all_reduce %ge3A_312 {dim = 0 : i64, kind = #tpu.reduction_kind<sum>} : vector<16xi1> -> vector<16xi32>
          %slice3A_338 = vector.extract_strided_slice %all_reduce_population_count3A_337 {offsets = [0], sizes = [1], strides = [1]} : vector<16xi32> to vector<1xi32>
          %squeeze3A_339 = vector.extract %slice3A_338[0] : i32 from vector<1xi32>
          %add3A_340 = arith.addi %add3A_289, %squeeze3A_339 : i32
          %all_reduce_population_count3A_341 = tpu.all_reduce %ge3A_318 {dim = 0 : i64, kind = #tpu.reduction_kind<sum>} : vector<16xi1> -> vector<16xi32>
          %slice3A_342 = vector.extract_strided_slice %all_reduce_population_count3A_341 {offsets = [0], sizes = [1], strides = [1]} : vector<16xi32> to vector<1xi32>
          %squeeze3A_343 = vector.extract %slice3A_342[0] : i32 from vector<1xi32>
          %add3A_344 = arith.addi %add3A_293, %squeeze3A_343 : i32
          %all_reduce_population_count3A_345 = tpu.all_reduce %ge3A_324 {dim = 0 : i64, kind = #tpu.reduction_kind<sum>} : vector<16xi1> -> vector<16xi32>
          %slice3A_346 = vector.extract_strided_slice %all_reduce_population_count3A_345 {offsets = [0], sizes = [1], strides = [1]} : vector<16xi32> to vector<1xi32>
          %squeeze3A_347 = vector.extract %slice3A_346[0] : i32 from vector<1xi32>
          %add3A_348 = arith.addi %add3A_297, %squeeze3A_347 : i32
          %add3A_349 = arith.addi %add3A_298, %broadcast_in_dim3A_7 : vector<16xi32>
          %scan3A_350 = arith.constant 2 : i32
          %scan3A_351 = arith.addi %scan3A_247, %scan3A_350 : i32
          %mul3A_352 = arith.constant 16 : i32
          %mul3A_353 = arith.muli %scan3A_351, %mul3A_352 : i32
          %get3A_354 = arith.index_cast %add3A_61 : i32 to index
          %get3A_355 = arith.index_cast %mul3A_353 : i32 to index
          %get3A_356 = tpu.vector_load %arg4[%get3A_354, %get3A_355] {strides = array<i32>} : memref<16x3136xf32, #tpu.memory_space<vmem>>, vector<16xf32>,
          %ge3A_357 = arith.cmpf oge, %get3A_356, %broadcast_in_dim3A_86 : vector<16xf32>
          %mul3A_358 = arith.constant 16 : i32
          %mul3A_359 = arith.muli %scan3A_351, %mul3A_358 : i32
          %get3A_360 = arith.index_cast %add3A_66 : i32 to index
          %get3A_361 = arith.index_cast %mul3A_359 : i32 to index
          %get3A_362 = tpu.vector_load %arg4[%get3A_360, %get3A_361] {strides = array<i32>} : memref<16x3136xf32, #tpu.memory_space<vmem>>, vector<16xf32>,
          %ge3A_363 = arith.cmpf oge, %get3A_362, %broadcast_in_dim3A_93 : vector<16xf32>
          %mul3A_364 = arith.constant 16 : i32
          %mul3A_365 = arith.muli %scan3A_351, %mul3A_364 : i32
          %get3A_366 = arith.index_cast %add3A_71 : i32 to index
          %get3A_367 = arith.index_cast %mul3A_365 : i32 to index
          %get3A_368 = tpu.vector_load %arg4[%get3A_366, %get3A_367] {strides = array<i32>} : memref<16x3136xf32, #tpu.memory_space<vmem>>, vector<16xf32>,
          %ge3A_369 = arith.cmpf oge, %get3A_368, %broadcast_in_dim3A_100 : vector<16xf32>
          %mul3A_370 = arith.constant 16 : i32
          %mul3A_371 = arith.muli %scan3A_351, %mul3A_370 : i32
          %get3A_372 = arith.index_cast %add3A_76 : i32 to index
          %get3A_373 = arith.index_cast %mul3A_371 : i32 to index
          %get3A_374 = tpu.vector_load %arg4[%get3A_372, %get3A_373] {strides = array<i32>} : memref<16x3136xf32, #tpu.memory_space<vmem>>, vector<16xf32>,
          %ge3A_375 = arith.cmpf oge, %get3A_374, %broadcast_in_dim3A_107 : vector<16xf32>
          %swap3A_376 = arith.index_cast %add3A_336 : i32 to index
          %swap3A_377 = tpu.vector_load %arg5[%swap3A_376] masked %ge3A_357 {strides = array<i32>} : memref<3152xi32, #tpu.memory_space<vmem>>, vector<16xi32>, vector<16xi1>
          tpu.vector_store %arg5[%swap3A_376], %add3A_349 masked %ge3A_357 {strides = array<i32>} : memref<3152xi32, #tpu.memory_space<vmem>>, vector<16xi32>, vector<16xi1>
          %swap3A_378 = arith.index_cast %add3A_340 : i32 to index
          %swap3A_379 = tpu.vector_load %arg6[%swap3A_378] masked %ge3A_363 {strides = array<i32>} : memref<3152xi32, #tpu.memory_space<vmem>>, vector<16xi32>, vector<16xi1>
          tpu.vector_store %arg6[%swap3A_378], %add3A_349 masked %ge3A_363 {strides = array<i32>} : memref<3152xi32, #tpu.memory_space<vmem>>, vector<16xi32>, vector<16xi1>
          %swap3A_380 = arith.index_cast %add3A_344 : i32 to index
          %swap3A_381 = tpu.vector_load %arg7[%swap3A_380] masked %ge3A_369 {strides = array<i32>} : memref<3152xi32, #tpu.memory_space<vmem>>, vector<16xi32>, vector<16xi1>
          tpu.vector_store %arg7[%swap3A_380], %add3A_349 masked %ge3A_369 {strides = array<i32>} : memref<3152xi32, #tpu.memory_space<vmem>>, vector<16xi32>, vector<16xi1>
          %swap3A_382 = arith.index_cast %add3A_348 : i32 to index
          %swap3A_383 = tpu.vector_load %arg8[%swap3A_382] masked %ge3A_375 {strides = array<i32>} : memref<3152xi32, #tpu.memory_space<vmem>>, vector<16xi32>, vector<16xi1>
          tpu.vector_store %arg8[%swap3A_382], %add3A_349 masked %ge3A_375 {strides = array<i32>} : memref<3152xi32, #tpu.memory_space<vmem>>, vector<16xi32>, vector<16xi1>
          %all_reduce_population_count3A_384 = tpu.all_reduce %ge3A_357 {dim = 0 : i64, kind = #tpu.reduction_kind<sum>} : vector<16xi1> -> vector<16xi32>
          %slice3A_385 = vector.extract_strided_slice %all_reduce_population_count3A_384 {offsets = [0], sizes = [1], strides = [1]} : vector<16xi32> to vector<1xi32>
          %squeeze3A_386 = vector.extract %slice3A_385[0] : i32 from vector<1xi32>
          %add3A_387 = arith.addi %add3A_336, %squeeze3A_386 : i32
          %all_reduce_population_count3A_388 = tpu.all_reduce %ge3A_363 {dim = 0 : i64, kind = #tpu.reduction_kind<sum>} : vector<16xi1> -> vector<16xi32>
          %slice3A_389 = vector.extract_strided_slice %all_reduce_population_count3A_388 {offsets = [0], sizes = [1], strides = [1]} : vector<16xi32> to vector<1xi32>
          %squeeze3A_390 = vector.extract %slice3A_389[0] : i32 from vector<1xi32>
          %add3A_391 = arith.addi %add3A_340, %squeeze3A_390 : i32
          %all_reduce_population_count3A_392 = tpu.all_reduce %ge3A_369 {dim = 0 : i64, kind = #tpu.reduction_kind<sum>} : vector<16xi1> -> vector<16xi32>
          %slice3A_393 = vector.extract_strided_slice %all_reduce_population_count3A_392 {offsets = [0], sizes = [1], strides = [1]} : vector<16xi32> to vector<1xi32>
          %squeeze3A_394 = vector.extract %slice3A_393[0] : i32 from vector<1xi32>
          %add3A_395 = arith.addi %add3A_344, %squeeze3A_394 : i32
          %all_reduce_population_count3A_396 = tpu.all_reduce %ge3A_375 {dim = 0 : i64, kind = #tpu.reduction_kind<sum>} : vector<16xi1> -> vector<16xi32>
          %slice3A_397 = vector.extract_strided_slice %all_reduce_population_count3A_396 {offsets = [0], sizes = [1], strides = [1]} : vector<16xi32> to vector<1xi32>
          %squeeze3A_398 = vector.extract %slice3A_397[0] : i32 from vector<1xi32>
          %add3A_399 = arith.addi %add3A_348, %squeeze3A_398 : i32
          %add3A_400 = arith.addi %add3A_349, %broadcast_in_dim3A_7 : vector<16xi32>
          %scan3A_401 = arith.constant 3 : i32
          %scan3A_402 = arith.addi %scan3A_247, %scan3A_401 : i32
          %mul3A_403 = arith.constant 16 : i32
          %mul3A_404 = arith.muli %scan3A_402, %mul3A_403 : i32
          %get3A_405 = arith.index_cast %add3A_61 : i32 to index
          %get3A_406 = arith.index_cast %mul3A_404 : i32 to index
          %get3A_407 = tpu.vector_load %arg4[%get3A_405, %get3A_406] {strides = array<i32>} : memref<16x3136xf32, #tpu.memory_space<vmem>>, vector<16xf32>,
          %ge3A_408 = arith.cmpf oge, %get3A_407, %broadcast_in_dim3A_86 : vector<16xf32>
          %mul3A_409 = arith.constant 16 : i32
          %mul3A_410 = arith.muli %scan3A_402, %mul3A_409 : i32
          %get3A_411 = arith.index_cast %add3A_66 : i32 to index
          %get3A_412 = arith.index_cast %mul3A_410 : i32 to index
          %get3A_413 = tpu.vector_load %arg4[%get3A_411, %get3A_412] {strides = array<i32>} : memref<16x3136xf32, #tpu.memory_space<vmem>>, vector<16xf32>,
          %ge3A_414 = arith.cmpf oge, %get3A_413, %broadcast_in_dim3A_93 : vector<16xf32>
          %mul3A_415 = arith.constant 16 : i32
          %mul3A_416 = arith.muli %scan3A_402, %mul3A_415 : i32
          %get3A_417 = arith.index_cast %add3A_71 : i32 to index
          %get3A_418 = arith.index_cast %mul3A_416 : i32 to index
          %get3A_419 = tpu.vector_load %arg4[%get3A_417, %get3A_418] {strides = array<i32>} : memref<16x3136xf32, #tpu.memory_space<vmem>>, vector<16xf32>,
          %ge3A_420 = arith.cmpf oge, %get3A_419, %broadcast_in_dim3A_100 : vector<16xf32>
          %mul3A_421 = arith.constant 16 : i32
          %mul3A_422 = arith.muli %scan3A_402, %mul3A_421 : i32
          %get3A_423 = arith.index_cast %add3A_76 : i32 to index
          %get3A_424 = arith.index_cast %mul3A_422 : i32 to index
          %get3A_425 = tpu.vector_load %arg4[%get3A_423, %get3A_424] {strides = array<i32>} : memref<16x3136xf32, #tpu.memory_space<vmem>>, vector<16xf32>,
          %ge3A_426 = arith.cmpf oge, %get3A_425, %broadcast_in_dim3A_107 : vector<16xf32>
          %swap3A_427 = arith.index_cast %add3A_387 : i32 to index
          %swap3A_428 = tpu.vector_load %arg5[%swap3A_427] masked %ge3A_408 {strides = array<i32>} : memref<3152xi32, #tpu.memory_space<vmem>>, vector<16xi32>, vector<16xi1>
          tpu.vector_store %arg5[%swap3A_427], %add3A_400 masked %ge3A_408 {strides = array<i32>} : memref<3152xi32, #tpu.memory_space<vmem>>, vector<16xi32>, vector<16xi1>
          %swap3A_429 = arith.index_cast %add3A_391 : i32 to index
          %swap3A_430 = tpu.vector_load %arg6[%swap3A_429] masked %ge3A_414 {strides = array<i32>} : memref<3152xi32, #tpu.memory_space<vmem>>, vector<16xi32>, vector<16xi1>
          tpu.vector_store %arg6[%swap3A_429], %add3A_400 masked %ge3A_414 {strides = array<i32>} : memref<3152xi32, #tpu.memory_space<vmem>>, vector<16xi32>, vector<16xi1>
          %swap3A_431 = arith.index_cast %add3A_395 : i32 to index
          %swap3A_432 = tpu.vector_load %arg7[%swap3A_431] masked %ge3A_420 {strides = array<i32>} : memref<3152xi32, #tpu.memory_space<vmem>>, vector<16xi32>, vector<16xi1>
          tpu.vector_store %arg7[%swap3A_431], %add3A_400 masked %ge3A_420 {strides = array<i32>} : memref<3152xi32, #tpu.memory_space<vmem>>, vector<16xi32>, vector<16xi1>
          %swap3A_433 = arith.index_cast %add3A_399 : i32 to index
          %swap3A_434 = tpu.vector_load %arg8[%swap3A_433] masked %ge3A_426 {strides = array<i32>} : memref<3152xi32, #tpu.memory_space<vmem>>, vector<16xi32>, vector<16xi1>
          tpu.vector_store %arg8[%swap3A_433], %add3A_400 masked %ge3A_426 {strides = array<i32>} : memref<3152xi32, #tpu.memory_space<vmem>>, vector<16xi32>, vector<16xi1>
          %all_reduce_population_count3A_435 = tpu.all_reduce %ge3A_408 {dim = 0 : i64, kind = #tpu.reduction_kind<sum>} : vector<16xi1> -> vector<16xi32>
          %slice3A_436 = vector.extract_strided_slice %all_reduce_population_count3A_435 {offsets = [0], sizes = [1], strides = [1]} : vector<16xi32> to vector<1xi32>
          %squeeze3A_437 = vector.extract %slice3A_436[0] : i32 from vector<1xi32>
          %add3A_438 = arith.addi %add3A_387, %squeeze3A_437 : i32
          %all_reduce_population_count3A_439 = tpu.all_reduce %ge3A_414 {dim = 0 : i64, kind = #tpu.reduction_kind<sum>} : vector<16xi1> -> vector<16xi32>
          %slice3A_440 = vector.extract_strided_slice %all_reduce_population_count3A_439 {offsets = [0], sizes = [1], strides = [1]} : vector<16xi32> to vector<1xi32>
          %squeeze3A_441 = vector.extract %slice3A_440[0] : i32 from vector<1xi32>
          %add3A_442 = arith.addi %add3A_391, %squeeze3A_441 : i32
          %all_reduce_population_count3A_443 = tpu.all_reduce %ge3A_420 {dim = 0 : i64, kind = #tpu.reduction_kind<sum>} : vector<16xi1> -> vector<16xi32>
          %slice3A_444 = vector.extract_strided_slice %all_reduce_population_count3A_443 {offsets = [0], sizes = [1], strides = [1]} : vector<16xi32> to vector<1xi32>
          %squeeze3A_445 = vector.extract %slice3A_444[0] : i32 from vector<1xi32>
          %add3A_446 = arith.addi %add3A_395, %squeeze3A_445 : i32
          %all_reduce_population_count3A_447 = tpu.all_reduce %ge3A_426 {dim = 0 : i64, kind = #tpu.reduction_kind<sum>} : vector<16xi1> -> vector<16xi32>
          %slice3A_448 = vector.extract_strided_slice %all_reduce_population_count3A_447 {offsets = [0], sizes = [1], strides = [1]} : vector<16xi32> to vector<1xi32>
          %squeeze3A_449 = vector.extract %slice3A_448[0] : i32 from vector<1xi32>
          %add3A_450 = arith.addi %add3A_399, %squeeze3A_449 : i32
          %add3A_451 = arith.addi %add3A_400, %broadcast_in_dim3A_7 : vector<16xi32>
          %scan3A_452 = arith.constant 4 : i32
          %scan3A_453 = arith.addi %scan3A_247, %scan3A_452 : i32
          %mul3A_454 = arith.constant 16 : i32
          %mul3A_455 = arith.muli %scan3A_453, %mul3A_454 : i32
          %get3A_456 = arith.index_cast %add3A_61 : i32 to index
          %get3A_457 = arith.index_cast %mul3A_455 : i32 to index
          %get3A_458 = tpu.vector_load %arg4[%get3A_456, %get3A_457] {strides = array<i32>} : memref<16x3136xf32, #tpu.memory_space<vmem>>, vector<16xf32>,
          %ge3A_459 = arith.cmpf oge, %get3A_458, %broadcast_in_dim3A_86 : vector<16xf32>
          %mul3A_460 = arith.constant 16 : i32
          %mul3A_461 = arith.muli %scan3A_453, %mul3A_460 : i32
          %get3A_462 = arith.index_cast %add3A_66 : i32 to index
          %get3A_463 = arith.index_cast %mul3A_461 : i32 to index
          %get3A_464 = tpu.vector_load %arg4[%get3A_462, %get3A_463] {strides = array<i32>} : memref<16x3136xf32, #tpu.memory_space<vmem>>, vector<16xf32>,
          %ge3A_465 = arith.cmpf oge, %get3A_464, %broadcast_in_dim3A_93 : vector<16xf32>
          %mul3A_466 = arith.constant 16 : i32
          %mul3A_467 = arith.muli %scan3A_453, %mul3A_466 : i32
          %get3A_468 = arith.index_cast %add3A_71 : i32 to index
          %get3A_469 = arith.index_cast %mul3A_467 : i32 to index
          %get3A_470 = tpu.vector_load %arg4[%get3A_468, %get3A_469] {strides = array<i32>} : memref<16x3136xf32, #tpu.memory_space<vmem>>, vector<16xf32>,
          %ge3A_471 = arith.cmpf oge, %get3A_470, %broadcast_in_dim3A_100 : vector<16xf32>
          %mul3A_472 = arith.constant 16 : i32
          %mul3A_473 = arith.muli %scan3A_453, %mul3A_472 : i32
          %get3A_474 = arith.index_cast %add3A_76 : i32 to index
          %get3A_475 = arith.index_cast %mul3A_473 : i32 to index
          %get3A_476 = tpu.vector_load %arg4[%get3A_474, %get3A_475] {strides = array<i32>} : memref<16x3136xf32, #tpu.memory_space<vmem>>, vector<16xf32>,
          %ge3A_477 = arith.cmpf oge, %get3A_476, %broadcast_in_dim3A_107 : vector<16xf32>
          %swap3A_478 = arith.index_cast %add3A_438 : i32 to index
          %swap3A_479 = tpu.vector_load %arg5[%swap3A_478] masked %ge3A_459 {strides = array<i32>} : memref<3152xi32, #tpu.memory_space<vmem>>, vector<16xi32>, vector<16xi1>
          tpu.vector_store %arg5[%swap3A_478], %add3A_451 masked %ge3A_459 {strides = array<i32>} : memref<3152xi32, #tpu.memory_space<vmem>>, vector<16xi32>, vector<16xi1>
          %swap3A_480 = arith.index_cast %add3A_442 : i32 to index
          %swap3A_481 = tpu.vector_load %arg6[%swap3A_480] masked %ge3A_465 {strides = array<i32>} : memref<3152xi32, #tpu.memory_space<vmem>>, vector<16xi32>, vector<16xi1>
          tpu.vector_store %arg6[%swap3A_480], %add3A_451 masked %ge3A_465 {strides = array<i32>} : memref<3152xi32, #tpu.memory_space<vmem>>, vector<16xi32>, vector<16xi1>
          %swap3A_482 = arith.index_cast %add3A_446 : i32 to index
          %swap3A_483 = tpu.vector_load %arg7[%swap3A_482] masked %ge3A_471 {strides = array<i32>} : memref<3152xi32, #tpu.memory_space<vmem>>, vector<16xi32>, vector<16xi1>
          tpu.vector_store %arg7[%swap3A_482], %add3A_451 masked %ge3A_471 {strides = array<i32>} : memref<3152xi32, #tpu.memory_space<vmem>>, vector<16xi32>, vector<16xi1>
          %swap3A_484 = arith.index_cast %add3A_450 : i32 to index
          %swap3A_485 = tpu.vector_load %arg8[%swap3A_484] masked %ge3A_477 {strides = array<i32>} : memref<3152xi32, #tpu.memory_space<vmem>>, vector<16xi32>, vector<16xi1>
          tpu.vector_store %arg8[%swap3A_484], %add3A_451 masked %ge3A_477 {strides = array<i32>} : memref<3152xi32, #tpu.memory_space<vmem>>, vector<16xi32>, vector<16xi1>
          %all_reduce_population_count3A_486 = tpu.all_reduce %ge3A_459 {dim = 0 : i64, kind = #tpu.reduction_kind<sum>} : vector<16xi1> -> vector<16xi32>
          %slice3A_487 = vector.extract_strided_slice %all_reduce_population_count3A_486 {offsets = [0], sizes = [1], strides = [1]} : vector<16xi32> to vector<1xi32>
          %squeeze3A_488 = vector.extract %slice3A_487[0] : i32 from vector<1xi32>
          %add3A_489 = arith.addi %add3A_438, %squeeze3A_488 : i32
          %all_reduce_population_count3A_490 = tpu.all_reduce %ge3A_465 {dim = 0 : i64, kind = #tpu.reduction_kind<sum>} : vector<16xi1> -> vector<16xi32>
          %slice3A_491 = vector.extract_strided_slice %all_reduce_population_count3A_490 {offsets = [0], sizes = [1], strides = [1]} : vector<16xi32> to vector<1xi32>
          %squeeze3A_492 = vector.extract %slice3A_491[0] : i32 from vector<1xi32>
          %add3A_493 = arith.addi %add3A_442, %squeeze3A_492 : i32
          %all_reduce_population_count3A_494 = tpu.all_reduce %ge3A_471 {dim = 0 : i64, kind = #tpu.reduction_kind<sum>} : vector<16xi1> -> vector<16xi32>
          %slice3A_495 = vector.extract_strided_slice %all_reduce_population_count3A_494 {offsets = [0], sizes = [1], strides = [1]} : vector<16xi32> to vector<1xi32>
          %squeeze3A_496 = vector.extract %slice3A_495[0] : i32 from vector<1xi32>
          %add3A_497 = arith.addi %add3A_446, %squeeze3A_496 : i32
          %all_reduce_population_count3A_498 = tpu.all_reduce %ge3A_477 {dim = 0 : i64, kind = #tpu.reduction_kind<sum>} : vector<16xi1> -> vector<16xi32>
          %slice3A_499 = vector.extract_strided_slice %all_reduce_population_count3A_498 {offsets = [0], sizes = [1], strides = [1]} : vector<16xi32> to vector<1xi32>
          %squeeze3A_500 = vector.extract %slice3A_499[0] : i32 from vector<1xi32>
          %add3A_501 = arith.addi %add3A_450, %squeeze3A_500 : i32
          %add3A_502 = arith.addi %add3A_451, %broadcast_in_dim3A_7 : vector<16xi32>
          %scan3A_503 = arith.constant 5 : i32
          %scan3A_504 = arith.addi %scan3A_247, %scan3A_503 : i32
          %mul3A_505 = arith.constant 16 : i32
          %mul3A_506 = arith.muli %scan3A_504, %mul3A_505 : i32
          %get3A_507 = arith.index_cast %add3A_61 : i32 to index
          %get3A_508 = arith.index_cast %mul3A_506 : i32 to index
          %get3A_509 = tpu.vector_load %arg4[%get3A_507, %get3A_508] {strides = array<i32>} : memref<16x3136xf32, #tpu.memory_space<vmem>>, vector<16xf32>,
          %ge3A_510 = arith.cmpf oge, %get3A_509, %broadcast_in_dim3A_86 : vector<16xf32>
          %mul3A_511 = arith.constant 16 : i32
          %mul3A_512 = arith.muli %scan3A_504, %mul3A_511 : i32
          %get3A_513 = arith.index_cast %add3A_66 : i32 to index
          %get3A_514 = arith.index_cast %mul3A_512 : i32 to index
          %get3A_515 = tpu.vector_load %arg4[%get3A_513, %get3A_514] {strides = array<i32>} : memref<16x3136xf32, #tpu.memory_space<vmem>>, vector<16xf32>,
          %ge3A_516 = arith.cmpf oge, %get3A_515, %broadcast_in_dim3A_93 : vector<16xf32>
          %mul3A_517 = arith.constant 16 : i32
          %mul3A_518 = arith.muli %scan3A_504, %mul3A_517 : i32
          %get3A_519 = arith.index_cast %add3A_71 : i32 to index
          %get3A_520 = arith.index_cast %mul3A_518 : i32 to index
          %get3A_521 = tpu.vector_load %arg4[%get3A_519, %get3A_520] {strides = array<i32>} : memref<16x3136xf32, #tpu.memory_space<vmem>>, vector<16xf32>,
          %ge3A_522 = arith.cmpf oge, %get3A_521, %broadcast_in_dim3A_100 : vector<16xf32>
          %mul3A_523 = arith.constant 16 : i32
          %mul3A_524 = arith.muli %scan3A_504, %mul3A_523 : i32
          %get3A_525 = arith.index_cast %add3A_76 : i32 to index
          %get3A_526 = arith.index_cast %mul3A_524 : i32 to index
          %get3A_527 = tpu.vector_load %arg4[%get3A_525, %get3A_526] {strides = array<i32>} : memref<16x3136xf32, #tpu.memory_space<vmem>>, vector<16xf32>,
          %ge3A_528 = arith.cmpf oge, %get3A_527, %broadcast_in_dim3A_107 : vector<16xf32>
          %swap3A_529 = arith.index_cast %add3A_489 : i32 to index
          %swap3A_530 = tpu.vector_load %arg5[%swap3A_529] masked %ge3A_510 {strides = array<i32>} : memref<3152xi32, #tpu.memory_space<vmem>>, vector<16xi32>, vector<16xi1>
          tpu.vector_store %arg5[%swap3A_529], %add3A_502 masked %ge3A_510 {strides = array<i32>} : memref<3152xi32, #tpu.memory_space<vmem>>, vector<16xi32>, vector<16xi1>
          %swap3A_531 = arith.index_cast %add3A_493 : i32 to index
          %swap3A_532 = tpu.vector_load %arg6[%swap3A_531] masked %ge3A_516 {strides = array<i32>} : memref<3152xi32, #tpu.memory_space<vmem>>, vector<16xi32>, vector<16xi1>
          tpu.vector_store %arg6[%swap3A_531], %add3A_502 masked %ge3A_516 {strides = array<i32>} : memref<3152xi32, #tpu.memory_space<vmem>>, vector<16xi32>, vector<16xi1>
          %swap3A_533 = arith.index_cast %add3A_497 : i32 to index
          %swap3A_534 = tpu.vector_load %arg7[%swap3A_533] masked %ge3A_522 {strides = array<i32>} : memref<3152xi32, #tpu.memory_space<vmem>>, vector<16xi32>, vector<16xi1>
          tpu.vector_store %arg7[%swap3A_533], %add3A_502 masked %ge3A_522 {strides = array<i32>} : memref<3152xi32, #tpu.memory_space<vmem>>, vector<16xi32>, vector<16xi1>
          %swap3A_535 = arith.index_cast %add3A_501 : i32 to index
          %swap3A_536 = tpu.vector_load %arg8[%swap3A_535] masked %ge3A_528 {strides = array<i32>} : memref<3152xi32, #tpu.memory_space<vmem>>, vector<16xi32>, vector<16xi1>
          tpu.vector_store %arg8[%swap3A_535], %add3A_502 masked %ge3A_528 {strides = array<i32>} : memref<3152xi32, #tpu.memory_space<vmem>>, vector<16xi32>, vector<16xi1>
          %all_reduce_population_count3A_537 = tpu.all_reduce %ge3A_510 {dim = 0 : i64, kind = #tpu.reduction_kind<sum>} : vector<16xi1> -> vector<16xi32>
          %slice3A_538 = vector.extract_strided_slice %all_reduce_population_count3A_537 {offsets = [0], sizes = [1], strides = [1]} : vector<16xi32> to vector<1xi32>
          %squeeze3A_539 = vector.extract %slice3A_538[0] : i32 from vector<1xi32>
          %add3A_540 = arith.addi %add3A_489, %squeeze3A_539 : i32
          %all_reduce_population_count3A_541 = tpu.all_reduce %ge3A_516 {dim = 0 : i64, kind = #tpu.reduction_kind<sum>} : vector<16xi1> -> vector<16xi32>
          %slice3A_542 = vector.extract_strided_slice %all_reduce_population_count3A_541 {offsets = [0], sizes = [1], strides = [1]} : vector<16xi32> to vector<1xi32>
          %squeeze3A_543 = vector.extract %slice3A_542[0] : i32 from vector<1xi32>
          %add3A_544 = arith.addi %add3A_493, %squeeze3A_543 : i32
          %all_reduce_population_count3A_545 = tpu.all_reduce %ge3A_522 {dim = 0 : i64, kind = #tpu.reduction_kind<sum>} : vector<16xi1> -> vector<16xi32>
          %slice3A_546 = vector.extract_strided_slice %all_reduce_population_count3A_545 {offsets = [0], sizes = [1], strides = [1]} : vector<16xi32> to vector<1xi32>
          %squeeze3A_547 = vector.extract %slice3A_546[0] : i32 from vector<1xi32>
          %add3A_548 = arith.addi %add3A_497, %squeeze3A_547 : i32
          %all_reduce_population_count3A_549 = tpu.all_reduce %ge3A_528 {dim = 0 : i64, kind = #tpu.reduction_kind<sum>} : vector<16xi1> -> vector<16xi32>
          %slice3A_550 = vector.extract_strided_slice %all_reduce_population_count3A_549 {offsets = [0], sizes = [1], strides = [1]} : vector<16xi32> to vector<1xi32>
          %squeeze3A_551 = vector.extract %slice3A_550[0] : i32 from vector<1xi32>
          %add3A_552 = arith.addi %add3A_501, %squeeze3A_551 : i32
          %add3A_553 = arith.addi %add3A_502, %broadcast_in_dim3A_7 : vector<16xi32>
          %scan3A_554 = arith.constant 6 : i32
          %scan3A_555 = arith.addi %scan3A_247, %scan3A_554 : i32
          %mul3A_556 = arith.constant 16 : i32
          %mul3A_557 = arith.muli %scan3A_555, %mul3A_556 : i32
          %get3A_558 = arith.index_cast %add3A_61 : i32 to index
          %get3A_559 = arith.index_cast %mul3A_557 : i32 to index
          %get3A_560 = tpu.vector_load %arg4[%get3A_558, %get3A_559] {strides = array<i32>} : memref<16x3136xf32, #tpu.memory_space<vmem>>, vector<16xf32>,
          %ge3A_561 = arith.cmpf oge, %get3A_560, %broadcast_in_dim3A_86 : vector<16xf32>
          %mul3A_562 = arith.constant 16 : i32
          %mul3A_563 = arith.muli %scan3A_555, %mul3A_562 : i32
          %get3A_564 = arith.index_cast %add3A_66 : i32 to index
          %get3A_565 = arith.index_cast %mul3A_563 : i32 to index
          %get3A_566 = tpu.vector_load %arg4[%get3A_564, %get3A_565] {strides = array<i32>} : memref<16x3136xf32, #tpu.memory_space<vmem>>, vector<16xf32>,
          %ge3A_567 = arith.cmpf oge, %get3A_566, %broadcast_in_dim3A_93 : vector<16xf32>
          %mul3A_568 = arith.constant 16 : i32
          %mul3A_569 = arith.muli %scan3A_555, %mul3A_568 : i32
          %get3A_570 = arith.index_cast %add3A_71 : i32 to index
          %get3A_571 = arith.index_cast %mul3A_569 : i32 to index
          %get3A_572 = tpu.vector_load %arg4[%get3A_570, %get3A_571] {strides = array<i32>} : memref<16x3136xf32, #tpu.memory_space<vmem>>, vector<16xf32>,
          %ge3A_573 = arith.cmpf oge, %get3A_572, %broadcast_in_dim3A_100 : vector<16xf32>
          %mul3A_574 = arith.constant 16 : i32
          %mul3A_575 = arith.muli %scan3A_555, %mul3A_574 : i32
          %get3A_576 = arith.index_cast %add3A_76 : i32 to index
          %get3A_577 = arith.index_cast %mul3A_575 : i32 to index
          %get3A_578 = tpu.vector_load %arg4[%get3A_576, %get3A_577] {strides = array<i32>} : memref<16x3136xf32, #tpu.memory_space<vmem>>, vector<16xf32>,
          %ge3A_579 = arith.cmpf oge, %get3A_578, %broadcast_in_dim3A_107 : vector<16xf32>
          %swap3A_580 = arith.index_cast %add3A_540 : i32 to index
          %swap3A_581 = tpu.vector_load %arg5[%swap3A_580] masked %ge3A_561 {strides = array<i32>} : memref<3152xi32, #tpu.memory_space<vmem>>, vector<16xi32>, vector<16xi1>
          tpu.vector_store %arg5[%swap3A_580], %add3A_553 masked %ge3A_561 {strides = array<i32>} : memref<3152xi32, #tpu.memory_space<vmem>>, vector<16xi32>, vector<16xi1>
          %swap3A_582 = arith.index_cast %add3A_544 : i32 to index
          %swap3A_583 = tpu.vector_load %arg6[%swap3A_582] masked %ge3A_567 {strides = array<i32>} : memref<3152xi32, #tpu.memory_space<vmem>>, vector<16xi32>, vector<16xi1>
          tpu.vector_store %arg6[%swap3A_582], %add3A_553 masked %ge3A_567 {strides = array<i32>} : memref<3152xi32, #tpu.memory_space<vmem>>, vector<16xi32>, vector<16xi1>
          %swap3A_584 = arith.index_cast %add3A_548 : i32 to index
          %swap3A_585 = tpu.vector_load %arg7[%swap3A_584] masked %ge3A_573 {strides = array<i32>} : memref<3152xi32, #tpu.memory_space<vmem>>, vector<16xi32>, vector<16xi1>
          tpu.vector_store %arg7[%swap3A_584], %add3A_553 masked %ge3A_573 {strides = array<i32>} : memref<3152xi32, #tpu.memory_space<vmem>>, vector<16xi32>, vector<16xi1>
          %swap3A_586 = arith.index_cast %add3A_552 : i32 to index
          %swap3A_587 = tpu.vector_load %arg8[%swap3A_586] masked %ge3A_579 {strides = array<i32>} : memref<3152xi32, #tpu.memory_space<vmem>>, vector<16xi32>, vector<16xi1>
          tpu.vector_store %arg8[%swap3A_586], %add3A_553 masked %ge3A_579 {strides = array<i32>} : memref<3152xi32, #tpu.memory_space<vmem>>, vector<16xi32>, vector<16xi1>
          %all_reduce_population_count3A_588 = tpu.all_reduce %ge3A_561 {dim = 0 : i64, kind = #tpu.reduction_kind<sum>} : vector<16xi1> -> vector<16xi32>
          %slice3A_589 = vector.extract_strided_slice %all_reduce_population_count3A_588 {offsets = [0], sizes = [1], strides = [1]} : vector<16xi32> to vector<1xi32>
          %squeeze3A_590 = vector.extract %slice3A_589[0] : i32 from vector<1xi32>
          %add3A_591 = arith.addi %add3A_540, %squeeze3A_590 : i32
          %all_reduce_population_count3A_592 = tpu.all_reduce %ge3A_567 {dim = 0 : i64, kind = #tpu.reduction_kind<sum>} : vector<16xi1> -> vector<16xi32>
          %slice3A_593 = vector.extract_strided_slice %all_reduce_population_count3A_592 {offsets = [0], sizes = [1], strides = [1]} : vector<16xi32> to vector<1xi32>
          %squeeze3A_594 = vector.extract %slice3A_593[0] : i32 from vector<1xi32>
          %add3A_595 = arith.addi %add3A_544, %squeeze3A_594 : i32
          %all_reduce_population_count3A_596 = tpu.all_reduce %ge3A_573 {dim = 0 : i64, kind = #tpu.reduction_kind<sum>} : vector<16xi1> -> vector<16xi32>
          %slice3A_597 = vector.extract_strided_slice %all_reduce_population_count3A_596 {offsets = [0], sizes = [1], strides = [1]} : vector<16xi32> to vector<1xi32>
          %squeeze3A_598 = vector.extract %slice3A_597[0] : i32 from vector<1xi32>
          %add3A_599 = arith.addi %add3A_548, %squeeze3A_598 : i32
          %all_reduce_population_count3A_600 = tpu.all_reduce %ge3A_579 {dim = 0 : i64, kind = #tpu.reduction_kind<sum>} : vector<16xi1> -> vector<16xi32>
          %slice3A_601 = vector.extract_strided_slice %all_reduce_population_count3A_600 {offsets = [0], sizes = [1], strides = [1]} : vector<16xi32> to vector<1xi32>
          %squeeze3A_602 = vector.extract %slice3A_601[0] : i32 from vector<1xi32>
          %add3A_603 = arith.addi %add3A_552, %squeeze3A_602 : i32
          %add3A_604 = arith.addi %add3A_553, %broadcast_in_dim3A_7 : vector<16xi32>
          scf.yield %add3A_591, %add3A_595, %add3A_599, %add3A_603, %add3A_604 : i32, i32, i32, i32, vector<16xi32>
        }
        %scan3A_117 = arith.constant 196 : i32
        %swap3A = arith.index_cast %scan3A_116#0 : i32 to index
        %swap3A_118 = tpu.vector_load %arg5[%swap3A] {strides = array<i32>} : memref<3152xi32, #tpu.memory_space<vmem>>, vector<16xi32>,
        tpu.vector_store %arg5[%swap3A], %broadcast_in_dim3A_5 {strides = array<i32>} : memref<3152xi32, #tpu.memory_space<vmem>>, vector<16xi32>,
        %swap3A_119 = arith.index_cast %scan3A_116#1 : i32 to index
        %swap3A_120 = tpu.vector_load %arg6[%swap3A_119] {strides = array<i32>} : memref<3152xi32, #tpu.memory_space<vmem>>, vector<16xi32>,
        tpu.vector_store %arg6[%swap3A_119], %broadcast_in_dim3A_5 {strides = array<i32>} : memref<3152xi32, #tpu.memory_space<vmem>>, vector<16xi32>,
        %swap3A_121 = arith.index_cast %scan3A_116#2 : i32 to index
        %swap3A_122 = tpu.vector_load %arg7[%swap3A_121] {strides = array<i32>} : memref<3152xi32, #tpu.memory_space<vmem>>, vector<16xi32>,
        tpu.vector_store %arg7[%swap3A_121], %broadcast_in_dim3A_5 {strides = array<i32>} : memref<3152xi32, #tpu.memory_space<vmem>>, vector<16xi32>,
        %swap3A_123 = arith.index_cast %scan3A_116#3 : i32 to index
        %swap3A_124 = tpu.vector_load %arg8[%swap3A_123] {strides = array<i32>} : memref<3152xi32, #tpu.memory_space<vmem>>, vector<16xi32>,
        tpu.vector_store %arg8[%swap3A_123], %broadcast_in_dim3A_5 {strides = array<i32>} : memref<3152xi32, #tpu.memory_space<vmem>>, vector<16xi32>,
        %broadcast_in_dim3A_125 = vector.broadcast %add3A_61 : i32 to vector<16xi32>
        %add3A_126 = arith.constant 15 : i32
        %add3A_127 = arith.addi %scan3A_116#0, %add3A_126 : i32
        %shift_right_arithmetic3A = arith.constant 4 : i32
        %shift_right_arithmetic3A_128 = arith.shrsi %add3A_127, %shift_right_arithmetic3A : i32
        %while3A = arith.constant 0 : i32
        %while3A_129 = arith.subi %shift_right_arithmetic3A_128, %while3A : i32
        %while3A_130 = arith.addi %while3A, %while3A_129 : i32
        %while3A_131 = arith.constant 1 : i32
        %while3A_132 = arith.divsi %while3A_129, %while3A_131 : i32
        %while3A_133 = arith.muli %while3A_132, %while3A_131 : i32
        %while3A_134 = arith.addi %while3A, %while3A_133 : i32
        %while3A_135 = arith.constant 1 : i32
        %while3A_136:2 = scf.for %while3A_247 = %while3A to %while3A_134 step %while3A_135 iter_args(%while3A_248 = %broadcast_in_dim3A_3, %while3A_249 = %broadcast_in_dim3A_5) -> (vector<16xf32>, vector<16xi32>)  : i32 {
          %mul3A_250 = arith.constant 16 : i32
          %mul3A_251 = arith.muli %while3A_247, %mul3A_250 : i32
          %get3A = arith.index_cast %mul3A_251 : i32 to index
          %get3A_252 = tpu.vector_load %arg5[%get3A] {strides = array<i32>} : memref<3152xi32, #tpu.memory_space<vmem>>, vector<16xi32>,
          %mul3A_253 = arith.constant 16 : i32
          %mul3A_254 = arith.muli %while3A_247, %mul3A_253 : i32
          %broadcast_in_dim3A_255 = vector.broadcast %mul3A_254 : i32 to vector<16xi32>
          %add3A_256 = arith.addi %broadcast_in_dim3A_255, %iota3A : vector<16xi32>
          %lt3A_257 = vector.broadcast %scan3A_116#0 : i32 to vector<16xi32>
          %lt3A_258 = arith.cmpi slt, %add3A_256, %lt3A_257 : vector<16xi32>
          %gather3A = tpu.vector_load_idx %arg4[%broadcast_in_dim3A_125, %get3A_252] : memref<16x3136xf32, #tpu.memory_space<vmem>>[vector<16xi32>, vector<16xi32>], vector<16xf32>,
          %select_n3A = arith.select %lt3A_258, %gather3A, %broadcast_in_dim3A_3 : vector<16xi1>, vector<16xf32>
          %masked_sort3A = arith.constant dense<true> : vector<16xi1>
          %masked_sort3A_259, %masked_sort3A_260, %masked_sort3A_261 = tpu.sort %select_n3A, %get3A_252 masked %masked_sort3A {descending = true} : (vector<16xf32>, vector<16xi32>, vector<16xi1>) -> (vector<16xi1>, vector<16xf32>, vector<16xi32>)
          %ge3A = arith.cmpf oge, %while3A_248, %masked_sort3A_260 : vector<16xf32>
          %select_n3A_262 = arith.select %ge3A, %while3A_248, %masked_sort3A_260 : vector<16xi1>, vector<16xf32>
          %select_n3A_263 = arith.select %ge3A, %while3A_249, %masked_sort3A_261 : vector<16xi1>, vector<16xi32>
          %masked_sort3A_264 = arith.constant dense<true> : vector<16xi1>
          %masked_sort3A_265, %masked_sort3A_266, %masked_sort3A_267 = tpu.sort %select_n3A_262, %select_n3A_263 masked %masked_sort3A_264 : (vector<16xf32>, vector<16xi32>, vector<16xi1>) -> (vector<16xi1>, vector<16xf32>, vector<16xi32>)
          scf.yield %masked_sort3A_266, %masked_sort3A_267 : vector<16xf32>, vector<16xi32>
        }
        %while3A_137 = arith.constant 1 : i32
        %while3A_138:2 = scf.for %while3A_247 = %while3A_134 to %while3A_130 step %while3A_137 iter_args(%while3A_248 = %while3A_136#0, %while3A_249 = %while3A_136#1) -> (vector<16xf32>, vector<16xi32>)  : i32 {
          %mul3A_250 = arith.constant 16 : i32
          %mul3A_251 = arith.muli %while3A_247, %mul3A_250 : i32
          %get3A = arith.index_cast %mul3A_251 : i32 to index
          %get3A_252 = tpu.vector_load %arg5[%get3A] {strides = array<i32>} : memref<3152xi32, #tpu.memory_space<vmem>>, vector<16xi32>,
          %mul3A_253 = arith.constant 16 : i32
          %mul3A_254 = arith.muli %while3A_247, %mul3A_253 : i32
          %broadcast_in_dim3A_255 = vector.broadcast %mul3A_254 : i32 to vector<16xi32>
          %add3A_256 = arith.addi %broadcast_in_dim3A_255, %iota3A : vector<16xi32>
          %lt3A_257 = vector.broadcast %scan3A_116#0 : i32 to vector<16xi32>
          %lt3A_258 = arith.cmpi slt, %add3A_256, %lt3A_257 : vector<16xi32>
          %gather3A = tpu.vector_load_idx %arg4[%broadcast_in_dim3A_125, %get3A_252] : memref<16x3136xf32, #tpu.memory_space<vmem>>[vector<16xi32>, vector<16xi32>], vector<16xf32>,
          %select_n3A = arith.select %lt3A_258, %gather3A, %broadcast_in_dim3A_3 : vector<16xi1>, vector<16xf32>
          %masked_sort3A = arith.constant dense<true> : vector<16xi1>
          %masked_sort3A_259, %masked_sort3A_260, %masked_sort3A_261 = tpu.sort %select_n3A, %get3A_252 masked %masked_sort3A {descending = true} : (vector<16xf32>, vector<16xi32>, vector<16xi1>) -> (vector<16xi1>, vector<16xf32>, vector<16xi32>)
          %ge3A = arith.cmpf oge, %while3A_248, %masked_sort3A_260 : vector<16xf32>
          %select_n3A_262 = arith.select %ge3A, %while3A_248, %masked_sort3A_260 : vector<16xi1>, vector<16xf32>
          %select_n3A_263 = arith.select %ge3A, %while3A_249, %masked_sort3A_261 : vector<16xi1>, vector<16xi32>
          %masked_sort3A_264 = arith.constant dense<true> : vector<16xi1>
          %masked_sort3A_265, %masked_sort3A_266, %masked_sort3A_267 = tpu.sort %select_n3A_262, %select_n3A_263 masked %masked_sort3A_264 : (vector<16xf32>, vector<16xi32>, vector<16xi1>) -> (vector<16xi1>, vector<16xf32>, vector<16xi32>)
          scf.yield %masked_sort3A_266, %masked_sort3A_267 : vector<16xf32>, vector<16xi32>
        }
        %rev3A = arith.constant 15 : i32
        %rev3A_139 = vector.broadcast %rev3A : i32 to vector<16xi32>
        %rev3A_140 = tpu.iota {dimensions = array<i32: 0>} : vector<16xi32>
        %rev3A_141 = arith.subi %rev3A_139, %rev3A_140 : vector<16xi32>
        %rev3A_142 = tpu.dynamic_gather %while3A_138#1[%rev3A_141] in [0] : vector<16xi32>, vector<16xi32> -> vector<16xi32>
        %mul3A_143 = arith.constant 8 : i32
        %mul3A_144 = arith.muli %scan3A_26, %mul3A_143 : i32
        %mul3A_145 = arith.constant 4 : i32
        %mul3A_146 = arith.muli %mul3A_145, %scan3A_55 : i32
        %add3A_147 = arith.addi %mul3A_144, %mul3A_146 : i32
        %add3A_148 = arith.constant 0 : i32
        %add3A_149 = arith.addi %add3A_147, %add3A_148 : i32
        %swap3A_150 = arith.index_cast %add3A_149 : i32 to index
        %swap3A_151 = arith.constant 0 : index
        %swap3A_152 = tpu.vector_load %arg9[%swap3A_150, %swap3A_151] {strides = array<i32>} : memref<392x16xi32, #tpu.memory_space<vmem>>, vector<16xi32>,
        tpu.vector_store %arg9[%swap3A_150, %swap3A_151], %rev3A_142 {strides = array<i32>} : memref<392x16xi32, #tpu.memory_space<vmem>>, vector<16xi32>,
        %broadcast_in_dim3A_153 = vector.broadcast %add3A_66 : i32 to vector<16xi32>
        %add3A_154 = arith.constant 15 : i32
        %add3A_155 = arith.addi %scan3A_116#1, %add3A_154 : i32
        %shift_right_arithmetic3A_156 = arith.constant 4 : i32
        %shift_right_arithmetic3A_157 = arith.shrsi %add3A_155, %shift_right_arithmetic3A_156 : i32
        %while3A_158 = arith.constant 0 : i32
        %while3A_159 = arith.subi %shift_right_arithmetic3A_157, %while3A_158 : i32
        %while3A_160 = arith.addi %while3A_158, %while3A_159 : i32
        %while3A_161 = arith.constant 1 : i32
        %while3A_162 = arith.divsi %while3A_159, %while3A_161 : i32
        %while3A_163 = arith.muli %while3A_162, %while3A_161 : i32
        %while3A_164 = arith.addi %while3A_158, %while3A_163 : i32
        %while3A_165 = arith.constant 1 : i32
        %while3A_166:2 = scf.for %while3A_247 = %while3A_158 to %while3A_164 step %while3A_165 iter_args(%while3A_248 = %broadcast_in_dim3A_3, %while3A_249 = %broadcast_in_dim3A_5) -> (vector<16xf32>, vector<16xi32>)  : i32 {
          %mul3A_250 = arith.constant 16 : i32
          %mul3A_251 = arith.muli %while3A_247, %mul3A_250 : i32
          %get3A = arith.index_cast %mul3A_251 : i32 to index
          %get3A_252 = tpu.vector_load %arg6[%get3A] {strides = array<i32>} : memref<3152xi32, #tpu.memory_space<vmem>>, vector<16xi32>,
          %mul3A_253 = arith.constant 16 : i32
          %mul3A_254 = arith.muli %while3A_247, %mul3A_253 : i32
          %broadcast_in_dim3A_255 = vector.broadcast %mul3A_254 : i32 to vector<16xi32>
          %add3A_256 = arith.addi %broadcast_in_dim3A_255, %iota3A : vector<16xi32>
          %lt3A_257 = vector.broadcast %scan3A_116#1 : i32 to vector<16xi32>
          %lt3A_258 = arith.cmpi slt, %add3A_256, %lt3A_257 : vector<16xi32>
          %gather3A = tpu.vector_load_idx %arg4[%broadcast_in_dim3A_153, %get3A_252] : memref<16x3136xf32, #tpu.memory_space<vmem>>[vector<16xi32>, vector<16xi32>], vector<16xf32>,
          %select_n3A = arith.select %lt3A_258, %gather3A, %broadcast_in_dim3A_3 : vector<16xi1>, vector<16xf32>
          %masked_sort3A = arith.constant dense<true> : vector<16xi1>
          %masked_sort3A_259, %masked_sort3A_260, %masked_sort3A_261 = tpu.sort %select_n3A, %get3A_252 masked %masked_sort3A {descending = true} : (vector<16xf32>, vector<16xi32>, vector<16xi1>) -> (vector<16xi1>, vector<16xf32>, vector<16xi32>)
          %ge3A = arith.cmpf oge, %while3A_248, %masked_sort3A_260 : vector<16xf32>
          %select_n3A_262 = arith.select %ge3A, %while3A_248, %masked_sort3A_260 : vector<16xi1>, vector<16xf32>
          %select_n3A_263 = arith.select %ge3A, %while3A_249, %masked_sort3A_261 : vector<16xi1>, vector<16xi32>
          %masked_sort3A_264 = arith.constant dense<true> : vector<16xi1>
          %masked_sort3A_265, %masked_sort3A_266, %masked_sort3A_267 = tpu.sort %select_n3A_262, %select_n3A_263 masked %masked_sort3A_264 : (vector<16xf32>, vector<16xi32>, vector<16xi1>) -> (vector<16xi1>, vector<16xf32>, vector<16xi32>)
          scf.yield %masked_sort3A_266, %masked_sort3A_267 : vector<16xf32>, vector<16xi32>
        }
        %while3A_167 = arith.constant 1 : i32
        %while3A_168:2 = scf.for %while3A_247 = %while3A_164 to %while3A_160 step %while3A_167 iter_args(%while3A_248 = %while3A_166#0, %while3A_249 = %while3A_166#1) -> (vector<16xf32>, vector<16xi32>)  : i32 {
          %mul3A_250 = arith.constant 16 : i32
          %mul3A_251 = arith.muli %while3A_247, %mul3A_250 : i32
          %get3A = arith.index_cast %mul3A_251 : i32 to index
          %get3A_252 = tpu.vector_load %arg6[%get3A] {strides = array<i32>} : memref<3152xi32, #tpu.memory_space<vmem>>, vector<16xi32>,
          %mul3A_253 = arith.constant 16 : i32
          %mul3A_254 = arith.muli %while3A_247, %mul3A_253 : i32
          %broadcast_in_dim3A_255 = vector.broadcast %mul3A_254 : i32 to vector<16xi32>
          %add3A_256 = arith.addi %broadcast_in_dim3A_255, %iota3A : vector<16xi32>
          %lt3A_257 = vector.broadcast %scan3A_116#1 : i32 to vector<16xi32>
          %lt3A_258 = arith.cmpi slt, %add3A_256, %lt3A_257 : vector<16xi32>
          %gather3A = tpu.vector_load_idx %arg4[%broadcast_in_dim3A_153, %get3A_252] : memref<16x3136xf32, #tpu.memory_space<vmem>>[vector<16xi32>, vector<16xi32>], vector<16xf32>,
          %select_n3A = arith.select %lt3A_258, %gather3A, %broadcast_in_dim3A_3 : vector<16xi1>, vector<16xf32>
          %masked_sort3A = arith.constant dense<true> : vector<16xi1>
          %masked_sort3A_259, %masked_sort3A_260, %masked_sort3A_261 = tpu.sort %select_n3A, %get3A_252 masked %masked_sort3A {descending = true} : (vector<16xf32>, vector<16xi32>, vector<16xi1>) -> (vector<16xi1>, vector<16xf32>, vector<16xi32>)
          %ge3A = arith.cmpf oge, %while3A_248, %masked_sort3A_260 : vector<16xf32>
          %select_n3A_262 = arith.select %ge3A, %while3A_248, %masked_sort3A_260 : vector<16xi1>, vector<16xf32>
          %select_n3A_263 = arith.select %ge3A, %while3A_249, %masked_sort3A_261 : vector<16xi1>, vector<16xi32>
          %masked_sort3A_264 = arith.constant dense<true> : vector<16xi1>
          %masked_sort3A_265, %masked_sort3A_266, %masked_sort3A_267 = tpu.sort %select_n3A_262, %select_n3A_263 masked %masked_sort3A_264 : (vector<16xf32>, vector<16xi32>, vector<16xi1>) -> (vector<16xi1>, vector<16xf32>, vector<16xi32>)
          scf.yield %masked_sort3A_266, %masked_sort3A_267 : vector<16xf32>, vector<16xi32>
        }
        %rev3A_169 = arith.constant 15 : i32
        %rev3A_170 = vector.broadcast %rev3A_169 : i32 to vector<16xi32>
        %rev3A_171 = tpu.iota {dimensions = array<i32: 0>} : vector<16xi32>
        %rev3A_172 = arith.subi %rev3A_170, %rev3A_171 : vector<16xi32>
        %rev3A_173 = tpu.dynamic_gather %while3A_168#1[%rev3A_172] in [0] : vector<16xi32>, vector<16xi32> -> vector<16xi32>
        %mul3A_174 = arith.constant 8 : i32
        %mul3A_175 = arith.muli %scan3A_26, %mul3A_174 : i32
        %mul3A_176 = arith.constant 4 : i32
        %mul3A_177 = arith.muli %mul3A_176, %scan3A_55 : i32
        %add3A_178 = arith.addi %mul3A_175, %mul3A_177 : i32
        %add3A_179 = arith.constant 1 : i32
        %add3A_180 = arith.addi %add3A_178, %add3A_179 : i32
        %swap3A_181 = arith.index_cast %add3A_180 : i32 to index
        %swap3A_182 = arith.constant 0 : index
        %swap3A_183 = tpu.vector_load %arg9[%swap3A_181, %swap3A_182] {strides = array<i32>} : memref<392x16xi32, #tpu.memory_space<vmem>>, vector<16xi32>,
        tpu.vector_store %arg9[%swap3A_181, %swap3A_182], %rev3A_173 {strides = array<i32>} : memref<392x16xi32, #tpu.memory_space<vmem>>, vector<16xi32>,
        %broadcast_in_dim3A_184 = vector.broadcast %add3A_71 : i32 to vector<16xi32>
        %add3A_185 = arith.constant 15 : i32
        %add3A_186 = arith.addi %scan3A_116#2, %add3A_185 : i32
        %shift_right_arithmetic3A_187 = arith.constant 4 : i32
        %shift_right_arithmetic3A_188 = arith.shrsi %add3A_186, %shift_right_arithmetic3A_187 : i32
        %while3A_189 = arith.constant 0 : i32
        %while3A_190 = arith.subi %shift_right_arithmetic3A_188, %while3A_189 : i32
        %while3A_191 = arith.addi %while3A_189, %while3A_190 : i32
        %while3A_192 = arith.constant 1 : i32
        %while3A_193 = arith.divsi %while3A_190, %while3A_192 : i32
        %while3A_194 = arith.muli %while3A_193, %while3A_192 : i32
        %while3A_195 = arith.addi %while3A_189, %while3A_194 : i32
        %while3A_196 = arith.constant 1 : i32
        %while3A_197:2 = scf.for %while3A_247 = %while3A_189 to %while3A_195 step %while3A_196 iter_args(%while3A_248 = %broadcast_in_dim3A_3, %while3A_249 = %broadcast_in_dim3A_5) -> (vector<16xf32>, vector<16xi32>)  : i32 {
          %mul3A_250 = arith.constant 16 : i32
          %mul3A_251 = arith.muli %while3A_247, %mul3A_250 : i32
          %get3A = arith.index_cast %mul3A_251 : i32 to index
          %get3A_252 = tpu.vector_load %arg7[%get3A] {strides = array<i32>} : memref<3152xi32, #tpu.memory_space<vmem>>, vector<16xi32>,
          %mul3A_253 = arith.constant 16 : i32
          %mul3A_254 = arith.muli %while3A_247, %mul3A_253 : i32
          %broadcast_in_dim3A_255 = vector.broadcast %mul3A_254 : i32 to vector<16xi32>
          %add3A_256 = arith.addi %broadcast_in_dim3A_255, %iota3A : vector<16xi32>
          %lt3A_257 = vector.broadcast %scan3A_116#2 : i32 to vector<16xi32>
          %lt3A_258 = arith.cmpi slt, %add3A_256, %lt3A_257 : vector<16xi32>
          %gather3A = tpu.vector_load_idx %arg4[%broadcast_in_dim3A_184, %get3A_252] : memref<16x3136xf32, #tpu.memory_space<vmem>>[vector<16xi32>, vector<16xi32>], vector<16xf32>,
          %select_n3A = arith.select %lt3A_258, %gather3A, %broadcast_in_dim3A_3 : vector<16xi1>, vector<16xf32>
          %masked_sort3A = arith.constant dense<true> : vector<16xi1>
          %masked_sort3A_259, %masked_sort3A_260, %masked_sort3A_261 = tpu.sort %select_n3A, %get3A_252 masked %masked_sort3A {descending = true} : (vector<16xf32>, vector<16xi32>, vector<16xi1>) -> (vector<16xi1>, vector<16xf32>, vector<16xi32>)
          %ge3A = arith.cmpf oge, %while3A_248, %masked_sort3A_260 : vector<16xf32>
          %select_n3A_262 = arith.select %ge3A, %while3A_248, %masked_sort3A_260 : vector<16xi1>, vector<16xf32>
          %select_n3A_263 = arith.select %ge3A, %while3A_249, %masked_sort3A_261 : vector<16xi1>, vector<16xi32>
          %masked_sort3A_264 = arith.constant dense<true> : vector<16xi1>
          %masked_sort3A_265, %masked_sort3A_266, %masked_sort3A_267 = tpu.sort %select_n3A_262, %select_n3A_263 masked %masked_sort3A_264 : (vector<16xf32>, vector<16xi32>, vector<16xi1>) -> (vector<16xi1>, vector<16xf32>, vector<16xi32>)
          scf.yield %masked_sort3A_266, %masked_sort3A_267 : vector<16xf32>, vector<16xi32>
        }
        %while3A_198 = arith.constant 1 : i32
        %while3A_199:2 = scf.for %while3A_247 = %while3A_195 to %while3A_191 step %while3A_198 iter_args(%while3A_248 = %while3A_197#0, %while3A_249 = %while3A_197#1) -> (vector<16xf32>, vector<16xi32>)  : i32 {
          %mul3A_250 = arith.constant 16 : i32
          %mul3A_251 = arith.muli %while3A_247, %mul3A_250 : i32
          %get3A = arith.index_cast %mul3A_251 : i32 to index
          %get3A_252 = tpu.vector_load %arg7[%get3A] {strides = array<i32>} : memref<3152xi32, #tpu.memory_space<vmem>>, vector<16xi32>,
          %mul3A_253 = arith.constant 16 : i32
          %mul3A_254 = arith.muli %while3A_247, %mul3A_253 : i32
          %broadcast_in_dim3A_255 = vector.broadcast %mul3A_254 : i32 to vector<16xi32>
          %add3A_256 = arith.addi %broadcast_in_dim3A_255, %iota3A : vector<16xi32>
          %lt3A_257 = vector.broadcast %scan3A_116#2 : i32 to vector<16xi32>
          %lt3A_258 = arith.cmpi slt, %add3A_256, %lt3A_257 : vector<16xi32>
          %gather3A = tpu.vector_load_idx %arg4[%broadcast_in_dim3A_184, %get3A_252] : memref<16x3136xf32, #tpu.memory_space<vmem>>[vector<16xi32>, vector<16xi32>], vector<16xf32>,
          %select_n3A = arith.select %lt3A_258, %gather3A, %broadcast_in_dim3A_3 : vector<16xi1>, vector<16xf32>
          %masked_sort3A = arith.constant dense<true> : vector<16xi1>
          %masked_sort3A_259, %masked_sort3A_260, %masked_sort3A_261 = tpu.sort %select_n3A, %get3A_252 masked %masked_sort3A {descending = true} : (vector<16xf32>, vector<16xi32>, vector<16xi1>) -> (vector<16xi1>, vector<16xf32>, vector<16xi32>)
          %ge3A = arith.cmpf oge, %while3A_248, %masked_sort3A_260 : vector<16xf32>
          %select_n3A_262 = arith.select %ge3A, %while3A_248, %masked_sort3A_260 : vector<16xi1>, vector<16xf32>
          %select_n3A_263 = arith.select %ge3A, %while3A_249, %masked_sort3A_261 : vector<16xi1>, vector<16xi32>
          %masked_sort3A_264 = arith.constant dense<true> : vector<16xi1>
          %masked_sort3A_265, %masked_sort3A_266, %masked_sort3A_267 = tpu.sort %select_n3A_262, %select_n3A_263 masked %masked_sort3A_264 : (vector<16xf32>, vector<16xi32>, vector<16xi1>) -> (vector<16xi1>, vector<16xf32>, vector<16xi32>)
          scf.yield %masked_sort3A_266, %masked_sort3A_267 : vector<16xf32>, vector<16xi32>
        }
        %rev3A_200 = arith.constant 15 : i32
        %rev3A_201 = vector.broadcast %rev3A_200 : i32 to vector<16xi32>
        %rev3A_202 = tpu.iota {dimensions = array<i32: 0>} : vector<16xi32>
        %rev3A_203 = arith.subi %rev3A_201, %rev3A_202 : vector<16xi32>
        %rev3A_204 = tpu.dynamic_gather %while3A_199#1[%rev3A_203] in [0] : vector<16xi32>, vector<16xi32> -> vector<16xi32>
        %mul3A_205 = arith.constant 8 : i32
        %mul3A_206 = arith.muli %scan3A_26, %mul3A_205 : i32
        %mul3A_207 = arith.constant 4 : i32
        %mul3A_208 = arith.muli %mul3A_207, %scan3A_55 : i32
        %add3A_209 = arith.addi %mul3A_206, %mul3A_208 : i32
        %add3A_210 = arith.constant 2 : i32
        %add3A_211 = arith.addi %add3A_209, %add3A_210 : i32
        %swap3A_212 = arith.index_cast %add3A_211 : i32 to index
        %swap3A_213 = arith.constant 0 : index
        %swap3A_214 = tpu.vector_load %arg9[%swap3A_212, %swap3A_213] {strides = array<i32>} : memref<392x16xi32, #tpu.memory_space<vmem>>, vector<16xi32>,
        tpu.vector_store %arg9[%swap3A_212, %swap3A_213], %rev3A_204 {strides = array<i32>} : memref<392x16xi32, #tpu.memory_space<vmem>>, vector<16xi32>,
        %broadcast_in_dim3A_215 = vector.broadcast %add3A_76 : i32 to vector<16xi32>
        %add3A_216 = arith.constant 15 : i32
        %add3A_217 = arith.addi %scan3A_116#3, %add3A_216 : i32
        %shift_right_arithmetic3A_218 = arith.constant 4 : i32
        %shift_right_arithmetic3A_219 = arith.shrsi %add3A_217, %shift_right_arithmetic3A_218 : i32
        %while3A_220 = arith.constant 0 : i32
        %while3A_221 = arith.subi %shift_right_arithmetic3A_219, %while3A_220 : i32
        %while3A_222 = arith.addi %while3A_220, %while3A_221 : i32
        %while3A_223 = arith.constant 1 : i32
        %while3A_224 = arith.divsi %while3A_221, %while3A_223 : i32
        %while3A_225 = arith.muli %while3A_224, %while3A_223 : i32
        %while3A_226 = arith.addi %while3A_220, %while3A_225 : i32
        %while3A_227 = arith.constant 1 : i32
        %while3A_228:2 = scf.for %while3A_247 = %while3A_220 to %while3A_226 step %while3A_227 iter_args(%while3A_248 = %broadcast_in_dim3A_3, %while3A_249 = %broadcast_in_dim3A_5) -> (vector<16xf32>, vector<16xi32>)  : i32 {
          %mul3A_250 = arith.constant 16 : i32
          %mul3A_251 = arith.muli %while3A_247, %mul3A_250 : i32
          %get3A = arith.index_cast %mul3A_251 : i32 to index
          %get3A_252 = tpu.vector_load %arg8[%get3A] {strides = array<i32>} : memref<3152xi32, #tpu.memory_space<vmem>>, vector<16xi32>,
          %mul3A_253 = arith.constant 16 : i32
          %mul3A_254 = arith.muli %while3A_247, %mul3A_253 : i32
          %broadcast_in_dim3A_255 = vector.broadcast %mul3A_254 : i32 to vector<16xi32>
          %add3A_256 = arith.addi %broadcast_in_dim3A_255, %iota3A : vector<16xi32>
          %lt3A_257 = vector.broadcast %scan3A_116#3 : i32 to vector<16xi32>
          %lt3A_258 = arith.cmpi slt, %add3A_256, %lt3A_257 : vector<16xi32>
          %gather3A = tpu.vector_load_idx %arg4[%broadcast_in_dim3A_215, %get3A_252] : memref<16x3136xf32, #tpu.memory_space<vmem>>[vector<16xi32>, vector<16xi32>], vector<16xf32>,
          %select_n3A = arith.select %lt3A_258, %gather3A, %broadcast_in_dim3A_3 : vector<16xi1>, vector<16xf32>
          %masked_sort3A = arith.constant dense<true> : vector<16xi1>
          %masked_sort3A_259, %masked_sort3A_260, %masked_sort3A_261 = tpu.sort %select_n3A, %get3A_252 masked %masked_sort3A {descending = true} : (vector<16xf32>, vector<16xi32>, vector<16xi1>) -> (vector<16xi1>, vector<16xf32>, vector<16xi32>)
          %ge3A = arith.cmpf oge, %while3A_248, %masked_sort3A_260 : vector<16xf32>
          %select_n3A_262 = arith.select %ge3A, %while3A_248, %masked_sort3A_260 : vector<16xi1>, vector<16xf32>
          %select_n3A_263 = arith.select %ge3A, %while3A_249, %masked_sort3A_261 : vector<16xi1>, vector<16xi32>
          %masked_sort3A_264 = arith.constant dense<true> : vector<16xi1>
          %masked_sort3A_265, %masked_sort3A_266, %masked_sort3A_267 = tpu.sort %select_n3A_262, %select_n3A_263 masked %masked_sort3A_264 : (vector<16xf32>, vector<16xi32>, vector<16xi1>) -> (vector<16xi1>, vector<16xf32>, vector<16xi32>)
          scf.yield %masked_sort3A_266, %masked_sort3A_267 : vector<16xf32>, vector<16xi32>
        }
        %while3A_229 = arith.constant 1 : i32
        %while3A_230:2 = scf.for %while3A_247 = %while3A_226 to %while3A_222 step %while3A_229 iter_args(%while3A_248 = %while3A_228#0, %while3A_249 = %while3A_228#1) -> (vector<16xf32>, vector<16xi32>)  : i32 {
          %mul3A_250 = arith.constant 16 : i32
          %mul3A_251 = arith.muli %while3A_247, %mul3A_250 : i32
          %get3A = arith.index_cast %mul3A_251 : i32 to index
          %get3A_252 = tpu.vector_load %arg8[%get3A] {strides = array<i32>} : memref<3152xi32, #tpu.memory_space<vmem>>, vector<16xi32>,
          %mul3A_253 = arith.constant 16 : i32
          %mul3A_254 = arith.muli %while3A_247, %mul3A_253 : i32
          %broadcast_in_dim3A_255 = vector.broadcast %mul3A_254 : i32 to vector<16xi32>
          %add3A_256 = arith.addi %broadcast_in_dim3A_255, %iota3A : vector<16xi32>
          %lt3A_257 = vector.broadcast %scan3A_116#3 : i32 to vector<16xi32>
          %lt3A_258 = arith.cmpi slt, %add3A_256, %lt3A_257 : vector<16xi32>
          %gather3A = tpu.vector_load_idx %arg4[%broadcast_in_dim3A_215, %get3A_252] : memref<16x3136xf32, #tpu.memory_space<vmem>>[vector<16xi32>, vector<16xi32>], vector<16xf32>,
          %select_n3A = arith.select %lt3A_258, %gather3A, %broadcast_in_dim3A_3 : vector<16xi1>, vector<16xf32>
          %masked_sort3A = arith.constant dense<true> : vector<16xi1>
          %masked_sort3A_259, %masked_sort3A_260, %masked_sort3A_261 = tpu.sort %select_n3A, %get3A_252 masked %masked_sort3A {descending = true} : (vector<16xf32>, vector<16xi32>, vector<16xi1>) -> (vector<16xi1>, vector<16xf32>, vector<16xi32>)
          %ge3A = arith.cmpf oge, %while3A_248, %masked_sort3A_260 : vector<16xf32>
          %select_n3A_262 = arith.select %ge3A, %while3A_248, %masked_sort3A_260 : vector<16xi1>, vector<16xf32>
          %select_n3A_263 = arith.select %ge3A, %while3A_249, %masked_sort3A_261 : vector<16xi1>, vector<16xi32>
          %masked_sort3A_264 = arith.constant dense<true> : vector<16xi1>
          %masked_sort3A_265, %masked_sort3A_266, %masked_sort3A_267 = tpu.sort %select_n3A_262, %select_n3A_263 masked %masked_sort3A_264 : (vector<16xf32>, vector<16xi32>, vector<16xi1>) -> (vector<16xi1>, vector<16xf32>, vector<16xi32>)
          scf.yield %masked_sort3A_266, %masked_sort3A_267 : vector<16xf32>, vector<16xi32>
        }
        %rev3A_231 = arith.constant 15 : i32
        %rev3A_232 = vector.broadcast %rev3A_231 : i32 to vector<16xi32>
        %rev3A_233 = tpu.iota {dimensions = array<i32: 0>} : vector<16xi32>
        %rev3A_234 = arith.subi %rev3A_232, %rev3A_233 : vector<16xi32>
        %rev3A_235 = tpu.dynamic_gather %while3A_230#1[%rev3A_234] in [0] : vector<16xi32>, vector<16xi32> -> vector<16xi32>
        %mul3A_236 = arith.constant 8 : i32
        %mul3A_237 = arith.muli %scan3A_26, %mul3A_236 : i32
        %mul3A_238 = arith.constant 4 : i32
        %mul3A_239 = arith.muli %mul3A_238, %scan3A_55 : i32
        %add3A_240 = arith.addi %mul3A_237, %mul3A_239 : i32
        %add3A_241 = arith.constant 3 : i32
        %add3A_242 = arith.addi %add3A_240, %add3A_241 : i32
        %swap3A_243 = arith.index_cast %add3A_242 : i32 to index
        %swap3A_244 = arith.constant 0 : index
        %swap3A_245 = tpu.vector_load %arg9[%swap3A_243, %swap3A_244] {strides = array<i32>} : memref<392x16xi32, #tpu.memory_space<vmem>>, vector<16xi32>,
        tpu.vector_store %arg9[%swap3A_243, %swap3A_244], %rev3A_235 {strides = array<i32>} : memref<392x16xi32, #tpu.memory_space<vmem>>, vector<16xi32>,
        %scan3A_246 = arith.constant 0 : i32
        scf.yield %scan3A_246 : i32
      }
      %scan3A_53 = arith.constant 2 : i32
      %scan3A_54 = arith.constant 0 : i32
      scf.yield %scan3A_54 : i32
    }
    %scan3A_25 = arith.constant 49 : i32
    "tpu.region"() ({
      %run_scoped3A = tpu.sem_alloc : memref<!tpu.dma_semaphore, #tpu.memory_space<semaphore_mem>>
      %dma_start3A_26 = arith.constant 0 : i32
      %dma_start3A_27 = tpu.memref_slice %arg3[%mul3A_2, %dma_start3A_26] : memref<12544x16xi32, #tpu.memory_space<hbm>> -> memref<392x16xi32, #tpu.memory_space<hbm>>
      %dma_start3A_28 = arith.constant 0 : i32
      %dma_start3A_29 = tpu.memref_slice %arg3[%mul3A_2, %dma_start3A_28] : memref<12544x16xi32, #tpu.memory_space<hbm>> -> memref<392x16xi32, #tpu.memory_space<hbm>>
      tpu.enqueue_dma source(%arg9 : memref<392x16xi32, #tpu.memory_space<vmem>>) target(%dma_start3A_29 : memref<392x16xi32, #tpu.memory_space<hbm>>) target_semaphore(%run_scoped3A : memref<!tpu.dma_semaphore, #tpu.memory_space<semaphore_mem>>)
      %dma_wait3A = arith.constant 0 : i32
      %dma_wait3A_30 = tpu.memref_slice %arg3[%mul3A_2, %dma_wait3A] : memref<12544x16xi32, #tpu.memory_space<hbm>> -> memref<392x16xi32, #tpu.memory_space<hbm>>
      %dma_wait3A_31 = arith.constant 0 : i32
      %dma_wait3A_32 = tpu.memref_slice %arg3[%mul3A_2, %dma_wait3A_31] : memref<12544x16xi32, #tpu.memory_space<hbm>> -> memref<392x16xi32, #tpu.memory_space<hbm>>
      tpu.wait_dma2 semaphore(%run_scoped3A : memref<!tpu.dma_semaphore, #tpu.memory_space<semaphore_mem>>) src(%arg9 : memref<392x16xi32, #tpu.memory_space<vmem>>) dst(%dma_wait3A_32 : memref<392x16xi32, #tpu.memory_space<hbm>>)
      tpu.yield
    }) : () -> ()
    return
  }
}

module attributes {stable_mosaic.version = 14 : i64} {
  func.func @_normalize_body(%arg0: i32, %arg1: memref<1x384x3136xf32, #tpu.memory_space<vmem>>, %arg2: memref<1x384x3136xf32, #tpu.memory_space<vmem>>, %arg3: memref<1x3136x384xf32, #tpu.memory_space<vmem>>) attributes {dimension_semantics = [#tpu.dimension_semantics<arbitrary>], iteration_bounds = array<i64: 4>, scalar_prefetch = 0 : i64, scratch_operands = 0 : i64, tpu.core_type = #tpu.core_type<tc>, window_params = [{transform_indices = @transform_0, window_bounds = array<i64: 1, 384, 3136>}, {transform_indices = @transform_1, window_bounds = array<i64: 1, 384, 3136>}, {transform_indices = @transform_2, window_bounds = array<i64: 1, 3136, 384>}]} {
    %get3A = arith.constant 0 : index
    %get3A_0 = arith.constant 0 : index
    %get3A_1 = arith.constant 0 : index
    %get3A_2 = vector.load %arg1[%get3A, %get3A_0, %get3A_1] : memref<1x384x3136xf32, #tpu.memory_space<vmem>>, vector<1x384x3136xf32>
    %get3A_3 = vector.shape_cast %get3A_2 : vector<1x384x3136xf32> to vector<384x3136xf32>
    %mul3A = arith.mulf %get3A_3, %get3A_3 : vector<384x3136xf32>
    %reduce_sum3A = arith.constant dense<0.000000e+00> : vector<3136xf32>
    %reduce_sum3A_4 = vector.multi_reduction <add>, %mul3A, %reduce_sum3A [0] : vector<384x3136xf32> to vector<3136xf32>
    %broadcast_in_dim3A = vector.shape_cast %reduce_sum3A_4 : vector<3136xf32> to vector<1x3136xf32>
    %sqrt3A = math.sqrt %broadcast_in_dim3A : vector<1x3136xf32>
    %max3A = arith.constant 9.99999996E-13 : f32
    %max3A_5 = vector.broadcast %max3A : f32 to vector<1x3136xf32>
    %max3A_6 = arith.maximumf %sqrt3A, %max3A_5 : vector<1x3136xf32>
    %div3A = vector.broadcast %max3A_6 : vector<1x3136xf32> to vector<384x3136xf32>
    %div3A_7 = arith.divf %get3A_3, %div3A : vector<384x3136xf32>
    %swap3A = arith.constant 0 : index
    %swap3A_8 = arith.constant 0 : index
    %swap3A_9 = arith.constant 0 : index
    %swap3A_10 = vector.load %arg2[%swap3A, %swap3A_8, %swap3A_9] : memref<1x384x3136xf32, #tpu.memory_space<vmem>>, vector<1x384x3136xf32>
    %swap3A_11 = vector.shape_cast %swap3A_10 : vector<1x384x3136xf32> to vector<384x3136xf32>
    %swap3A_12 = vector.shape_cast %div3A_7 : vector<384x3136xf32> to vector<1x384x3136xf32>
    tpu.vector_store %arg2[%swap3A, %swap3A_8, %swap3A_9], %swap3A_12 {strides = array<i32>} : memref<1x384x3136xf32, #tpu.memory_space<vmem>>, vector<1x384x3136xf32>,
    %transpose3A = tpu.transpose %div3A_7, [1, 0] : vector<384x3136xf32> -> vector<3136x384xf32>
    %swap3A_13 = arith.constant 0 : index
    %swap3A_14 = arith.constant 0 : index
    %swap3A_15 = arith.constant 0 : index
    %swap3A_16 = vector.load %arg3[%swap3A_13, %swap3A_14, %swap3A_15] : memref<1x3136x384xf32, #tpu.memory_space<vmem>>, vector<1x3136x384xf32>
    %swap3A_17 = vector.shape_cast %swap3A_16 : vector<1x3136x384xf32> to vector<3136x384xf32>
    %swap3A_18 = vector.shape_cast %transpose3A : vector<3136x384xf32> to vector<1x3136x384xf32>
    tpu.vector_store %arg3[%swap3A_13, %swap3A_14, %swap3A_15], %swap3A_18 {strides = array<i32>} : memref<1x3136x384xf32, #tpu.memory_space<vmem>>, vector<1x3136x384xf32>,
    return
  }
  func.func @transform_0(%arg0: i32) -> (i32, i32, i32) {
    %c0_i32 = arith.constant 0 : i32
    %c0_i32_0 = arith.constant 0 : i32
    %c0_i32_1 = arith.constant 0 : i32
    return %arg0, %c0_i32, %c0_i32_0 : i32, i32, i32
  }
  func.func @transform_1(%arg0: i32) -> (i32, i32, i32) {
    %c0_i32 = arith.constant 0 : i32
    %c0_i32_0 = arith.constant 0 : i32
    %c0_i32_1 = arith.constant 0 : i32
    return %arg0, %c0_i32, %c0_i32_0 : i32, i32, i32
  }
  func.func @transform_2(%arg0: i32) -> (i32, i32, i32) {
    %c0_i32 = arith.constant 0 : i32
    %c0_i32_0 = arith.constant 0 : i32
    %c0_i32_1 = arith.constant 0 : i32
    return %arg0, %c0_i32, %c0_i32_0 : i32, i32, i32
  }
}

module attributes {stable_mosaic.version = 14 : i64} {
  func.func @_dist_body(%arg0: i32, %arg1: i32, %arg2: memref<1x392x384xf32, #tpu.memory_space<vmem>>, %arg3: memref<1x384x3136xf32, #tpu.memory_space<vmem>>, %arg4: memref<1x392x3136xf32, #tpu.memory_space<vmem>>) attributes {dimension_semantics = [#tpu.dimension_semantics<arbitrary>, #tpu.dimension_semantics<arbitrary>], iteration_bounds = array<i64: 4, 8>, scalar_prefetch = 0 : i64, scratch_operands = 0 : i64, tpu.core_type = #tpu.core_type<tc>, window_params = [{transform_indices = @transform_0, window_bounds = array<i64: 1, 392, 384>}, {transform_indices = @transform_1, window_bounds = array<i64: 1, 384, 3136>}, {transform_indices = @transform_2, window_bounds = array<i64: 1, 392, 3136>}]} {
    %get3A = arith.constant 0 : index
    %get3A_0 = arith.constant 0 : index
    %get3A_1 = arith.constant 0 : index
    %get3A_2 = vector.load %arg2[%get3A, %get3A_0, %get3A_1] : memref<1x392x384xf32, #tpu.memory_space<vmem>>, vector<1x392x384xf32>
    %get3A_3 = vector.shape_cast %get3A_2 : vector<1x392x384xf32> to vector<392x384xf32>
    %get3A_4 = arith.constant 0 : index
    %get3A_5 = arith.constant 0 : index
    %get3A_6 = arith.constant 0 : index
    %get3A_7 = vector.load %arg3[%get3A_4, %get3A_5, %get3A_6] : memref<1x384x3136xf32, #tpu.memory_space<vmem>>, vector<1x384x3136xf32>
    %get3A_8 = vector.shape_cast %get3A_7 : vector<1x384x3136xf32> to vector<384x3136xf32>
    %mul3A = arith.mulf %get3A_3, %get3A_3 : vector<392x384xf32>
    %reduce_sum3A = arith.constant dense<0.000000e+00> : vector<392xf32>
    %reduce_sum3A_9 = vector.multi_reduction <add>, %mul3A, %reduce_sum3A [1] : vector<392x384xf32> to vector<392xf32>
    %broadcast_in_dim3A = vector.shape_cast %reduce_sum3A_9 : vector<392xf32> to vector<392x1xf32>
    %mul3A_10 = arith.mulf %get3A_8, %get3A_8 : vector<384x3136xf32>
    %reduce_sum3A_11 = arith.constant dense<0.000000e+00> : vector<3136xf32>
    %reduce_sum3A_12 = vector.multi_reduction <add>, %mul3A_10, %reduce_sum3A_11 [0] : vector<384x3136xf32> to vector<3136xf32>
    %broadcast_in_dim3A_13 = vector.shape_cast %reduce_sum3A_12 : vector<3136xf32> to vector<1x3136xf32>
    %dot_general3A = arith.constant dense<0.000000e+00> : vector<392x3136xf32>
    %dot_general3A_14 = tpu.matmul %get3A_3, %get3A_8, %dot_general3A {dimension_numbers = #tpu.dot_dimension_numbers<[1], [0], [0], [1], [0, 0, 1, 1], [], []>, transpose_lhs_hint = false} : vector<392x384xf32>, vector<384x3136xf32>, vector<392x3136xf32> -> vector<392x3136xf32>
    %mul3A_15 = arith.constant -2.000000e+00 : f32
    %mul3A_16 = vector.broadcast %mul3A_15 : f32 to vector<392x3136xf32>
    %mul3A_17 = arith.mulf %mul3A_16, %dot_general3A_14 : vector<392x3136xf32>
    %add3A = vector.broadcast %broadcast_in_dim3A : vector<392x1xf32> to vector<392x3136xf32>
    %add3A_18 = arith.addf %add3A, %mul3A_17 : vector<392x3136xf32>
    %add3A_19 = vector.broadcast %broadcast_in_dim3A_13 : vector<1x3136xf32> to vector<392x3136xf32>
    %add3A_20 = arith.addf %add3A_18, %add3A_19 : vector<392x3136xf32>
    %neg3A = arith.constant 0.000000e+00 : f32
    %neg3A_21 = vector.broadcast %neg3A : f32 to vector<392x3136xf32>
    %neg3A_22 = arith.subf %neg3A_21, %add3A_20 : vector<392x3136xf32>
    %swap3A = arith.constant 0 : index
    %swap3A_23 = arith.constant 0 : index
    %swap3A_24 = arith.constant 0 : index
    %swap3A_25 = vector.load %arg4[%swap3A, %swap3A_23, %swap3A_24] : memref<1x392x3136xf32, #tpu.memory_space<vmem>>, vector<1x392x3136xf32>
    %swap3A_26 = vector.shape_cast %swap3A_25 : vector<1x392x3136xf32> to vector<392x3136xf32>
    %swap3A_27 = vector.shape_cast %neg3A_22 : vector<392x3136xf32> to vector<1x392x3136xf32>
    tpu.vector_store %arg4[%swap3A, %swap3A_23, %swap3A_24], %swap3A_27 {strides = array<i32>} : memref<1x392x3136xf32, #tpu.memory_space<vmem>>, vector<1x392x3136xf32>,
    return
  }
  func.func @transform_0(%arg0: i32, %arg1: i32) -> (i32, i32, i32) {
    %c0_i32 = arith.constant 0 : i32
    %c0_i32_0 = arith.constant 0 : i32
    return %arg0, %arg1, %c0_i32 : i32, i32, i32
  }
  func.func @transform_1(%arg0: i32, %arg1: i32) -> (i32, i32, i32) {
    %c0_i32 = arith.constant 0 : i32
    %c0_i32_0 = arith.constant 0 : i32
    %c0_i32_1 = arith.constant 0 : i32
    return %arg0, %c0_i32, %c0_i32_0 : i32, i32, i32
  }
  func.func @transform_2(%arg0: i32, %arg1: i32) -> (i32, i32, i32) {
    %c0_i32 = arith.constant 0 : i32
    %c0_i32_0 = arith.constant 0 : i32
    return %arg0, %arg1, %c0_i32 : i32, i32, i32
  }
}

</mosaic_0001>

<sc_bundles>
// kernel: kernel.5.cloned.1.call-start
scs
__scs_entry_jumppad:
0x0: {  	(pc) =	sbr.rel $0x88, $3  }
0x1: {  	(tag) =	ssettag $0x0;
	lr =	simm.s32 $0x1  }
0x2: {  	[smem:$0x3FA0] =	sst lr;
	_ =	strace $0xD0000000  }
0x3: {  	_ = 	snop  }
0x4: {  	_ = 	snop  }
0x5: {  	_ = 	snop  }
0x6: {  	_ = 	snop  }
0x7: {  	_ = 	snop  }
__scs_overlays_trampoline_lowered:
0x8: {  	[smem:$0x3FAF] =	sst s0  }
0x9: {  	[smem:$0x3FB0] =	sst s1  }
0xa: {  	[smem:$0x3FB1] =	sst s2  }
0xb: {  	[smem:$0x3FB2] =	sst s3  }
0xc: {  	[smem:$0x3FB3] =	sst s4  }
0xd: {  	[smem:$0x3FB4] =	sst s5  }
0xe: {  	[smem:$0x3FB5] =	sst s6  }
0xf: {  	[smem:$0x3FB6] =	sst s7  }
0x10: {  	[smem:$0x3FB7] =	sst s8  }
0x11: {  	[smem:$0x3FB8] =	sst s9;
	s0 =	simm.s32 @!p0 $0x0  }
0x12: {  	s1 =	sld [smem:$0x3F9E];
	s0 =	simm.s32 @p0 $0x1  }
0x13: {  	[smem:$0x3FB9] =	sst s0;
	s0 =	simm.s32 @!p1 $0x0  }
0x14: {  	s2 =	sld [smem:$0x3F9D];
	s0 =	simm.s32 @p1 $0x1  }
0x15: {  	[smem:$0x3FBA] =	sst s0;
	s0 =	simm.s32 @!p2 $0x0  }
0x16: {  	s3 =	sld [smem:$0x3FDB];
	s0 =	simm.s32 @p2 $0x1  }
0x17: {  	s4 =	simm.s32 $0x1BF5;
	[smem:$0x3FBC] =	sst s0  }
0x18: {  	s0 =	sld [smem:$0x3F9F];
	_ =	swait.ge [sflag:s4], $0x0  }
0x19: {  	s7 =	sld [smem:$0x3FA0]  }
0x1a: {  	s8 =	sadd.s32 $0xFFFFE003, lr  }
0x1b: {  	s9 =	sadd.s32 $0xFFFFFEF7, lr;
	s5 =	simm.s32 $0xFFFFFFFF;
	p2 =	slt.u32 s8, $0xFFFFF086  }
0x1c: {  	p1 =	slt.u32 s9, $0xF7A;
	s5 =	simm.s32 @!p2 $0x0  }
0x1d: {  	s5 =	simm.s32 @p1 $0x1;
	p0 =	seq.s32 s7, s2  }
0x1e: {  	s7 =	smul.u32 @!p0 $0xF7A, s2;
	p2 =	seq.s32 @!p0 s5, $0x0  }
0x1f: {  	s9 =	smul.u32 $0xF7A, s1;
	s8 =	simm.s32 @!p0 $0x1BF5;
	p2 =	por !p2, p0  }
0x20: {  	[sflag:s8] =	ssyncset.s32 @!p0 $0xFFFFF086;
	s6 =	sadd.s32 @!p0 s3, s7;
	s7 =	simm.s32 @!p0 $0x108  }
0x21: {  	s3 =	sadd.s32 s3, s9;
	s6 =	sadd.s32 @!p0 $0x88, s6;
	s7 =	simm.s32 @p2 $0x1082  }
0x22: {  	[simem:s7], [sflag:s8] =	dma.local @!p0 [hbm:s6], $0xF7A  }
0x23: {  	s9 =	sor.u32 $0xD0000000, s2;
	s6 =	simm.s32 $0x108;
	_ =	swait.ge @!p0 [sflag:s8], $0x0  }
0x24: {  	s3 =	sadd.s32 $0x88, s3;
	s6 =	simm.s32 @!p1 $0x1082;
	[sflag:s4] =	ssyncset.s32 $0xFFFFF086  }
0x25: {  	[simem:s6], [sflag:s4] =	dma.local [hbm:s3], $0xF7A  }
0x26: {  	[smem:$0x3FA0] =	sst s1;
	(tag) =	ssettag s2;
	_ =	strace s9  }
0x27: {  	s1 =	sld [smem:$0x3FB0]  }
0x28: {  	s2 =	sld [smem:$0x3FB1]  }
0x29: {  	s4 =	sld [smem:$0x3FB3]  }
0x2a: {  	p0 =	seq.s32 s5, $0x0;
	s5 =	sld [smem:$0x3FB4]  }
0x2b: {  	s6 =	sld [smem:$0x3FB5]  }
0x2c: {  	s7 =	sld [smem:$0x3FB6]  }
0x2d: {  	s3 =	simm.s32 $0x108;
	s8 =	sld [smem:$0x3FB7]  }
0x2e: {  	s3 =	simm.s32 @!p0 $0x1082;
	s9 =	sld [smem:$0x3FB8]  }
0x2f: {  	lr =	sadd.s32 s0, s3;
	s0 =	sld [smem:$0x3FAF]  }
0x30: {  	s3 =	sld [smem:$0x3FB2]  }
0x31: {  	[smem:$0x3FBB] =	sst s10  }
0x32: {  	s10 =	sld [smem:$0x3FB9];
	_ =	sdelay $0x3  }
0x33: {  	p0 =	seq.s32 s10, $0x1;
	s10 =	sld [smem:$0x3FBB];
	_ =	sdelay $0x3  }
0x34: {  	[smem:$0x3FBB] =	sst s10  }
0x35: {  	s10 =	sld [smem:$0x3FBA];
	_ =	sdelay $0x3  }
0x36: {  	p1 =	seq.s32 s10, $0x1;
	s10 =	sld [smem:$0x3FBB];
	_ =	sdelay $0x3  }
0x37: {  	[smem:$0x3FBB] =	sst s10  }
0x38: {  	s10 =	sld [smem:$0x3FBC]  }
0x39: {  	_ = 	snop;
	(pc) =	sbr.ind lr, $3  }
0x3a: {  	_ = 	snop  }
0x3b: {  	_ = 	snop  }
0x3c: {  	p2 =	seq.s32 s10, $0x1;
	s10 =	sld [smem:$0x3FBB]  }
0x3d: {  	_ =	shalt  }
0x3e: {  	_ =	shalt  }
0x3f: {  	_ =	shalt  }
0x40: {  	_ =	shalt  }
0x41: {  	_ =	shalt  }
0x42: {  	_ =	shalt  }
0x43: {  	_ =	shalt  }
0x44: {  	_ =	shalt  }
0x45: {  	_ =	shalt  }
0x46: {  	_ =	shalt  }
0x47: {  	_ =	shalt  }
0x48: {  	_ =	shalt  }
0x49: {  	_ =	shalt  }
0x4a: {  	_ =	shalt  }
0x4b: {  	_ =	shalt  }
0x4c: {  	_ =	shalt  }
0x4d: {  	_ =	shalt  }
0x4e: {  	_ =	shalt  }
0x4f: {  	_ =	shalt  }
0x50: {  	_ =	shalt  }
0x51: {  	_ =	shalt  }
0x52: {  	_ =	shalt  }
0x53: {  	_ =	shalt  }
0x54: {  	_ =	shalt  }
0x55: {  	_ =	shalt  }
0x56: {  	_ =	shalt  }
0x57: {  	_ =	shalt  }
0x58: {  	_ =	shalt  }
0x59: {  	_ =	shalt  }
0x5a: {  	_ =	shalt  }
0x5b: {  	_ =	shalt  }
0x5c: {  	_ =	shalt  }
0x5d: {  	_ =	shalt  }
0x5e: {  	_ =	shalt  }
0x5f: {  	_ =	shalt  }
0x60: {  	_ =	shalt  }
0x61: {  	_ =	shalt  }
0x62: {  	_ =	shalt  }
0x63: {  	_ =	shalt  }
0x64: {  	_ =	shalt  }
0x65: {  	_ =	shalt  }
0x66: {  	_ =	shalt  }
0x67: {  	_ =	shalt  }
0x68: {  	_ =	shalt  }
0x69: {  	_ =	shalt  }
0x6a: {  	_ =	shalt  }
0x6b: {  	_ =	shalt  }
0x6c: {  	_ =	shalt  }
0x6d: {  	_ =	shalt  }
0x6e: {  	_ =	shalt  }
0x6f: {  	_ =	shalt  }
0x70: {  	_ =	shalt  }
0x71: {  	_ =	shalt  }
0x72: {  	_ =	shalt  }
0x73: {  	_ =	shalt  }
0x74: {  	_ =	shalt  }
0x75: {  	_ =	shalt  }
0x76: {  	_ =	shalt  }
0x77: {  	_ =	shalt  }
0x78: {  	_ =	shalt  }
0x79: {  	_ =	shalt  }
0x7a: {  	_ =	shalt  }
0x7b: {  	_ =	shalt  }
0x7c: {  	_ =	shalt  }
0x7d: {  	_ =	shalt  }
0x7e: {  	_ =	shalt  }
0x7f: {  	_ =	shalt  }
0x80: {  	_ =	shalt  }
0x81: {  	_ =	shalt  }
0x82: {  	_ =	shalt  }
0x83: {  	_ =	shalt  }
0x84: {  	_ =	shalt  }
0x85: {  	_ =	shalt  }
0x86: {  	_ =	shalt  }
0x87: {  	_ =	shalt  }
.Lfunc_end0:
.L_simem_size_0:
called_computation_lowered:
.L_overlay_start_0:
0x88: {  	s2 =	sld [smem:$0x3FD9]  }
0x89: {  	s3 =	sld [smem:$0x3FFE];
	_ =	sdelay $0x1  }
0x8a: {  	s1 =	srdreg.scid  }
0x8b: {  	s0 =	sand.u32 $0x1, s1  }
0x8c: {  	s16 =	sshll.u32 s0, $0xA;
	s2 =	sadd.s32 s3, s2  }
0x8d: {  	s2 =	sadd.s32 s2, s16  }
0x8e: {  	[smem:$0x3FC7] =	sst s2  }
0x8f: {  	_ = 	snop  }
0x90: {  	(tm) =	ssettm $0x1  }
0x91: {  	s17 =	sld [smem:$0x3FFB];
	_ =	sdelay $0x3  }
0x92: {  	_ =	strace s17  }
0x93: {  	s2 =	sld [smem:$0x3FFC];
	_ =	sdelay $0x3  }
0x94: {  	_ =	strace s2  }
0x95: {  	s2 =	sld [smem:$0x3FFD];
	_ =	sdelay $0x3  }
0x96: {  	_ =	strace s2  }
0x97: {  	_ =	strace $0x8FFFFFFF  }
0x98: {  	s18 =	sld [smem:$0x3FDB];
	_ =	sdelay $0x1  }
0x99: {  	s19 =	simm.s32 $_scs_section_size  }
0x9a: {  	s4 =	simm.s32 $_size__tile_overlayer_lowered;
	s5 =	simm.s32 $_tile_overlayer_lowered  }
0x9b: {  	s22 =	simm.s32 $0x1BFF;
	s21 =	sshll.u32 s5, $0x1;
	s2 =	sadd.s32 s19, s18  }
0x9c: {  	s6 =	simm.s32 $0x0;
	s20 =	sshll.u32 s4, $0x1;
	s4 =	sadd.s32 s21, s2  }
0x9d: {  	[timem:s6], [sflag:s22] =	dma.local [hbm:s4], s20  }
0x9e: {  	_ =	swait.ge [sflag:s22], s20  }
0x9f: {  	s3 =	ssub.s32 $0x0, s20;
	[sflag:s22] =	ssyncset.done $0x0  }
0xa0: {  	[sflag:s22] =	ssyncadd.s32 s3;
	_ =	sdelay $0x1  }
0xa1: {  	s23 =	simm.s32 $0x1B8B  }
0xa2: {  	_ =	swait.ge [sflag:s23], $0x1  }
0xa3: {  	[sflag:s23] =	ssyncset.done $0x0  }
0xa4: {  	s25 =	simm.s32 $0x1B8E;
	s24 =	sld [smem:$0x3FFE];
	[sflag:s23] =	ssyncadd.s32 $0xFFFFFFFF  }
0xa5: {  	s26 =	simm.s32 $execute0_lowered;
	[smem:$0x3FD2] =	sst s25  }
0xa6: {  	s4 =	sshll.u32 s26, $0x1;
	_ =	strace $0x80000046;
	[dreg:$0x1] =	wrdreg $0xFFFFFFFF  }
0xa7: {  	s28 =	simm.s32 $_size_execute0_lowered;
	s2 =	sadd.s32 s2, s4;
	[dreg:$0x0] =	wrdreg $0x0  }
0xa8: {  	s4 =	sshll.u32 s28, $0x1;
	[dreg:$0x2] =	wrdreg s2  }
0xa9: {  	[dreg:$0x3] =	wrdreg s4  }
0xaa: {  	[dreg:$0x4] =	wrdreg $0xC0  }
0xab: {  	_ =	task [dreg:s6], $0x5FFFF  }
0xac: {  	[dreg:$0x1] =	wrdreg $0xFFFFFFFF  }
0xad: {  	[dreg:$0x0] =	wrdreg $0x60  }
0xae: {  	[dreg:$0x2] =	wrdreg s24  }
0xaf: {  	[dreg:$0x3] =	wrdreg $0x9  }
0xb0: {  	_ =	task.clear_ibuf [dreg:s6], $0x4FFFF;
	_ =	strace $0x90000046  }
0xb1: {  	s29 =	simm.s32 $0x9;
	_ =	strace $0x80000048  }
0xb2: {  	_ =	swait.ge [sflag:s29], $0x1  }
0xb3: {  	[sflag:s29] =	ssyncadd.s32 $0xFFFFFFFF  }
0xb4: {  	_ =	strace $0x90000048  }
0xb5: {  	_ =	sfence  }
0xb6: {  	s30 =	sld [smem:$0x0];
	_ =	sdelay $0x2  }
0xb7: {  	s31 =	sshll.u32 s1, $0xD;
	s1 =	sshrl.u32 s1, $0x2  }
0xb8: {  	s3 =	sand.u32 $0x4000, s31;
	s1 =	sadd.s32 s1, s30  }
0xb9: {  	s0 =	sor.u32 s3, s0;
	s1 =	sshll.u32 s1, $0x11  }
0xba: {  	s0 =	sor.u32 s1, s0  }
0xbb: {  	s0 =	sadd.s32 $0x8F2B, s0  }
0xbc: {  	[sflag:s0] =	ssyncadd.remote.s32 $0x1  }
0xbd: {  	_ =	sfence.sel $0xFFFF  }
0xbe: {  	[dreg:$0x0] =	wrdreg $0xFFFFFFFF;
	(pc) =	sbr.abs _section_cstart, $3  }
0xbf: {  	[dreg:$0x1] =	wrdreg $0xFFFFFFFF  }
0xc0: {  	_ =	task.clear_ibuf [dreg:s6], $0x2FFFF;
	_ =	strace $0x9FFFFFFF  }
0xc1: {  	(tm) =	ssettm $0x7FFFFFFF  }
tec
execute0_lowered:
.L_overlay_start_1:
0x0: {  	(tag) =	ssettag $0x1  }
0x1: {  	s1 =	srdreg.scid;
	s2 =	stileid.u32  }
0x2: {  	s1 =	sand.u32 $0x1, s1;
	s2 =	sshll.u32 s2, $0x1  }
0x3: {  	s2 =	sor.u32 s1, s2  }
0x4: {  	s0 =	rddreg [dreg:$0x0];
	s6 =	simm.s32 $0x0;
	s3 =	smul.u32 $0x1880, s2  }
0x5: {  	[smem:$0x7FF] =	sst s6;
	s7 =	sadd.s32 $0x12C600, s0;
	s5 =	smul.u32 $0x26480, s2  }
0x6: {  	_ =	strace $0x80000047;
	s1 =	ssub.s32 $0x2, s1;
	s2 =	smul.u32 $0x31, s2  }
.Ltmp0:
0x7: {  	[dreg:$0x10] =	wrdreg s7;
	s4 =	sshrl.u32 s1, $0x1;
	(pc) =	sbr.rel .LBB2_1-.Ltmp0, $4  }
0x8: {  	v0 =	vlaneseq.u32;
	s1 =	ssub.s32 s1, s4;
	[dreg:$0x11] =	wrdreg s2;
	s30 =	sadd.s32 s7, s5  }
0x9: {  	v1 =	vmul.u32 $0xFFFFFFFF, v0;
	s0 =	sadd.s32 s3, s0;
	s31 =	smax.u32 s1, $0x1;
	[dreg:$0x12] =	wrdreg s30  }
0xa: {  	s0 =	sadd.s32 $0x600, s0;
	[dreg:$0x14] =	wrdreg s31  }
0xb: {  	v1 =	vadd.s32 $0xF, v1;
	s2 =	simm.s32 $0x0;
	[dreg:$0x13] =	wrdreg s0  }
.LBB2_49:
0xc: {  	s0 =	rddreg [dreg:$0x13];
	s1 =	simm.s32 $0xFA00;
	s30 =	simm.s32 $0x3  }
0xd: {  	[hbm4b:s0+s6] =	stream.linear.scatter [tilespmem:s1], [sflag:$0x3], $0xC400, $0x38;
	[tilespmem:$0x1BE00] =	vst v63  }
0xe: {  	_ =	swait.ge [sflag:s30], $0xC400  }
0xf: {  	s2 =	rddreg [dreg:$0x15]  }
0x10: {  	s31 =	rddreg [dreg:$0x14];
	s2 =	sadd.s32 $0x1, s2  }
0x11: {  	p0 =	sne.s32 s2, s31  }
.Ltmp1:
0x12: {  	_ = 	snop;
	(pc) =	sbr.rel @!p0 .LBB2_50-.Ltmp1, $3  }
0x13: {  	_ =	sdelay $0x1  }
0x14: {  	[sflag:s30] =	ssyncset.done $0x0  }
0x15: {  	[sflag:s30] =	ssyncadd.s32 $0xFFFF3C00  }
.LBB2_1:
.Ltmp2:
0x16: {  	(pc) =	sbr.rel .LBB2_3-.Ltmp2, $4  }
0x17: {  	_ = 	snop  }
0x18: {  	s0 =	rddreg [dreg:$0x12]  }
0x19: {  	[tilespmem:s6], [sflag:$0x1] =	stream.linear.gather [hbm4b:s0+s6], $0x6400, $0x38;
	[tilespmem:$0x1BE00] =	vst v63  }
0x1a: {  	[dreg:$0x15] =	wrdreg s2;
	s0 =	simm.s32 $0x0  }
.LBB2_2:
0x1b: {  	s0 =	rddreg [dreg:$0x16]  }
0x1c: {  	p0 =	seq.s32 s0, $0x31  }
.Ltmp3:
0x1d: {  	_ = 	snop;
	(pc) =	sbr.rel @p0 .LBB2_49-.Ltmp3, $1  }
0x1e: {  	_ =	sdelay $0x3  }
.LBB2_3:
0x1f: {  	s1 =	sand.u32 $0x1, s0;
	s4 =	sadd.s32 $0x1, s0;
	p0 =	seq.s32 s0, $0x30  }
0x20: {  	s3 =	rddreg [dreg:$0x11];
	s31 =	sshll.u32 s0, $0xA;
	s2 =	sadd.s32 $0x1, s1  }
0x21: {  	[dreg:$0x16] =	wrdreg s4;
	s3 =	sadd.s32 @!p0 s3, s4;
	s30 =	smul.u32 $0x19000, s1  }
0x22: {  	s4 =	sxor.u32 @!p0 $0x1, s1;
	s0 =	sand.u32 $0x3FFFFC00, s31;
	s3 =	smul.u32 @!p0 $0xC80, s3  }
0x23: {  	s1 =	sshll.u32 s1, $0x3;
	_ =	swait.ge [sflag:s2], $0x6400;
	s5 =	smul.u32 @!p0 $0x19000, s4  }
0x24: {  	[dreg:$0x17] =	wrdreg s1;
	s0 =	sadd.s32 $0xFA00, s0;
	[sflag:s2] =	ssyncset.done $0x0  }
.Ltmp4:
0x25: {  	s22 =	sshrl.u32 s30, $0x2;
	[dreg:$0x18] =	wrdreg s0;
	(pc) =	sbr.rel .LBB2_4-.Ltmp4, $4  }
0x26: {  	[sflag:s2] =	ssyncadd.s32 $0xFFFF9C00;
	s2 =	sadd.s32 @!p0 $0x1, s4;
	s4 =	rddreg [dreg:$0x10]  }
0x27: {  	p1 =	por $0x1, $0x1;
	v2 =	vmov s0;
	s0 =	simm.s32 $0x0;
	[dreg:$0x5] =	wrdreg s22  }
0x28: {  	s3 =	sadd.s32 @!p0 s4, s3;
	s4 =	sshrl.u32 @!p0 s5, $0x2;
	s5 =	simm.s32 @!p0 $0x0  }
0x29: {  	[tilespmem:s4], [sflag:s2] =	stream.linear.gather @!p0 [hbm4b:s3+s5], $0x6400, $0x38;
	[tilespmem:$0x1BE00] =	vst v63  }
.LBB2_40:
0x2a: {  	v12 =	vimm.f32 $-Inf;
	v14 =	vimm.s32 $0x0;
	v7 =	vmov v9;
	s1 =	simm.s32 $0x0  }
.LBB2_47:
0x2b: {  	v8 =	vnsel @p1 vm0, $0xFF800000, v8;
	vm0 =	vge.f32 @p2 v12, v10  }
0x2c: {  	(xrf1) =	vsort.dscd.msk.f32 @p1 $0xffff, v8, v9;
	v8 =	vsel @p2 vm0, v12, v10;
	v9 =	vsel @p2 vm0, v14, v11  }
0x2d: {  	(xrf1) =	vsort.ascd.msk.f32 @p2 $0xffff, v8, v9;
	_ =	sdelay $0x1  }
0x2e: {  	v61 =	vshll.u32 v7, $0x3  }
0x2f: {  	v8 =	vand.u32 $0xFFFFFC00, v61  }
0x30: {  	v62 =	vand.u32 $0x7F, v7;
	v6 =	vadd.s32 v6, v8  }
0x31: {  	v6 =	vor.u32 v62, v6;
	_ =	sdelay $0x4  }
0x32: {  	v6 =	vld.idx.msk [tilespmem:v6+s6+$0x0], $0xffff  }
0x33: {  	s1 =	sadd.s32 @p1 $0x10, s1  }
0x34: {  	s0 =	smov.u32 @p1 s1  }
0x35: {  	v63 =	vor.u32 s0, v0;
	v9, v10, _ =	vpop @p1 (xrf1)  }
0x36: {  	vm14 =	vlt.s32 v63, v5;
	v5, v8, _ =	vpop @p2 (xrf1)  }
0x37: {  	v6 =	vnsel vm14, $0xFF800000, v6;
	v9 =	vpsel p1, v9, v0;
	v5 =	vpsel p2, v5, v4  }
0x38: {  	v10 =	vpsel p1, v10, v0;
	v8 =	vpsel p2, v8, v3;
	vm0 =	vge.f32 @p1 v5, v9  }
0x39: {  	(xrf1) =	vsort.dscd.msk.f32 $0xffff, v6, v7;
	v5 =	vsel @p1 vm0, v5, v9;
	v6 =	vsel @p1 vm0, v8, v10  }
0x3a: {  	(xrf1) =	vsort.ascd.msk.f32 @p1 $0xffff, v5, v6;
	_ =	sdelay $0xc  }
0x3b: {  	v5, v6, _ =	vpop (xrf1)  }
0x3c: {  	v7, v8, _ =	vpop @p1 (xrf1)  }
0x3d: {  	v4 =	vpsel p1, v7, v4  }
0x3e: {  	v3 =	vpsel p1, v8, v3;
	vm15 =	vge.f32 v4, v5  }
0x3f: {  	v4 =	vsel vm15, v4, v5;
	v3 =	vsel vm15, v3, v6  }
0x40: {  	(xrf1) =	vsort.ascd.msk.f32 $0xffff, v4, v3;
	_ =	sdelay $0xd  }
0x41: {  	v4, v3, _ =	vpop (xrf1)  }
.LBB2_48:
.Ltmp5:
0x42: {  	(pc) =	sbr.rel @!p0 .LBB2_2-.Ltmp5, $3  }
0x43: {  	_ = 	snop  }
0x44: {  	v3 =	vperm.xlane v3, v1;
	_ =	sdelay $0x1  }
0x45: {  	s0 =	simm.s32 $0x1;
	p1 =	por $0x0, $0x0;
	[tilespmem:s19+$0x180] =	vst v3  }
.LBB2_4:
0x46: {  	s1 =	sshll.u32 s0, $0x2;
	s2 =	rddreg [dreg:$0x17];
	s19 =	sshll.u32 s0, $0x9  }
0x47: {  	s17 =	simm.s32 $0xD0;
	s18 =	simm.s32 $0xC0;
	s20 =	simm.s32 $0xB0  }
0x48: {  	s24 =	simm.s32 $0x680;
	s4 =	simm.s32 $0xA0;
	s5 =	simm.s32 $0x600  }
0x49: {  	s6 =	simm.s32 $0x90;
	s26 =	simm.s32 $0x0;
	s7 =	simm.s32 $0x0  }
0x4a: {  	s8 =	simm.s32 $0x580;
	s1 =	sor.u32 s2, s1;
	s17 =	sand.u32 $0x70, s17  }
0x4b: {  	s7 =	sand.u32 $0x7C00, s7;
	s25 =	sand.u32 $0x60, s26;
	s29 =	sand.u32 $0x60, s18  }
0x4c: {  	s18 =	sand.u32 $0x70, s20;
	s20 =	simm.s32 $0x500;
	s26 =	simm.s32 $0x70  }
0x4d: {  	s30 =	sand.u32 $0x70, s6;
	s6 =	simm.s32 $0x480;
	[dreg:$0x1c] =	wrdreg s1  }
0x4e: {  	s3 =	sor.u32 $0x1, s1;
	s2 =	sor.u32 $0x2, s1;
	[dreg:$0x8] =	wrdreg s17  }
0x4f: {  	s1 =	sor.u32 $0x3, s1;
	s9 =	sor.u32 $0x10, s25;
	[dreg:$0x1b] =	wrdreg s3  }
0x50: {  	s31 =	smov.u32 s18;
	s15 =	sshll.u32 s3, $0x7;
	[dreg:$0x1a] =	wrdreg s2  }
0x51: {  	s16 =	sshll.u32 s2, $0x7;
	[dreg:$0x19] =	wrdreg s1;
	s1 =	sshll.u32 s1, $0x7  }
0x52: {  	s21 =	sand.u32 $0x280, s15;
	s13 =	sand.u32 $0x380, s1;
	s1 =	sadd.s32 s7, s22  }
0x53: {  	s23 =	sand.u32 $0x300, s16;
	s16 =	sand.u32 $0x60, s4;
	s7 =	sadd.s32 s19, s1  }
0x54: {  	s10 =	sadd.s32 s21, s1;
	s12 =	sadd.s32 s23, s1;
	[dreg:$0x2] =	wrdreg s13  }
0x55: {  	s13 =	sadd.s32 s13, s1;
	[dreg:$0x6] =	wrdreg s16;
	s11 =	sadd.s32 s9, s7  }
0x56: {  	s14 =	sadd.s32 s9, s10;
	s15 =	sadd.s32 s9, s12;
	s9 =	sadd.s32 s9, s13  }
0x57: {  	s0 =	sadd.s32 s25, s7;
	s7 =	sand.u32 $0xFC00, s24;
	s3 =	sadd.s32 s25, s10;
	v27 =	vld [tilespmem:s11+$0x0]  }
0x58: {  	s24 =	sand.u32 $0xFC00, s5;
	s10 =	sadd.s32 s25, s12;
	s2 =	sadd.s32 s25, s13;
	v8 =	vld [tilespmem:s14+$0x0]  }
0x59: {  	s12 =	sand.u32 $0xFC00, s8;
	v10 =	vld [tilespmem:s15+$0x0];
	s14 =	sadd.s32 s7, s22;
	s11 =	simm.s32 $0x60  }
0x5a: {  	s7 =	sand.u32 $0xFC00, s20;
	s24 =	sadd.s32 s24, s22;
	v15 =	vld [tilespmem:s10+$0x0];
	s10 =	sand.u32 $0xFC00, s6  }
0x5b: {  	v28 =	vld [tilespmem:s0+$0x0];
	s0 =	sadd.s32 s12, s22;
	s15 =	sadd.s32 s19, s14;
	s8 =	sadd.s32 s21, s14  }
0x5c: {  	v11 =	vld [tilespmem:s9+$0x0];
	s6 =	sand.u32 $0x60, s11;
	s12 =	sadd.s32 s23, s24;
	s5 =	sadd.s32 s7, s22  }
0x5d: {  	v14 =	vld [tilespmem:s3+$0x0];
	s20 =	sadd.s32 s17, s15;
	s13 =	sadd.s32 s17, s8;
	s8 =	sand.u32 $0x70, s26  }
0x5e: {  	v16 =	vld [tilespmem:s2+$0x0];
	s26 =	smov.u32 s14;
	s14 =	sadd.s32 s23, s14;
	s15 =	sadd.s32 s19, s24  }
0x5f: {  	s3 =	sadd.s32 s29, s12;
	s12 =	sadd.s32 s23, s0;
	s4 =	sadd.s32 s17, s14;
	v19 =	vld [tilespmem:s20+$0x0]  }
0x60: {  	s2 =	sadd.s32 s29, s15;
	s17 =	sadd.s32 s21, s24;
	v3 =	vld [tilespmem:s13+$0x0];
	s13 =	simm.s32 $0x380  }
0x61: {  	s14 =	sadd.s32 s19, s0;
	s15 =	sadd.s32 s21, s0;
	v6 =	vld [tilespmem:s3+$0x0];
	s9 =	sadd.s32 s18, s12  }
0x62: {  	s3 =	sadd.s32 s10, s22;
	s20 =	sadd.s32 s29, s17;
	v4 =	vld [tilespmem:s4+$0x0];
	s13 =	sand.u32 $0xFC00, s13  }
0x63: {  	s11 =	sadd.s32 s18, s14;
	v22 =	vld [tilespmem:s2+$0x0];
	s2 =	sadd.s32 s18, s15;
	s17 =	simm.s32 $0x40  }
0x64: {  	s14 =	sadd.s32 s19, s5;
	s15 =	simm.s32 $0x30;
	v5 =	vld [tilespmem:s20+$0x0];
	s4 =	sand.u32 $0x60, s17  }
0x65: {  	s20 =	simm.s32 $0x300;
	v25 =	vld [tilespmem:s11+$0x0];
	s11 =	sadd.s32 s16, s14;
	s17 =	sadd.s32 s21, s5  }
0x66: {  	v9 =	vld [tilespmem:s9+$0x0];
	s12 =	sand.u32 $0x70, s15;
	s14 =	sadd.s32 s23, s5;
	s15 =	sadd.s32 s19, s3  }
0x67: {  	v7 =	vld [tilespmem:s2+$0x0];
	s7 =	sand.u32 $0xFC00, s20;
	s18 =	sadd.s32 s16, s17;
	s20 =	simm.s32 $0x280  }
0x68: {  	v30 =	vld [tilespmem:s11+$0x0];
	s10 =	sadd.s32 s16, s14;
	s17 =	sadd.s32 s30, s15;
	s15 =	sadd.s32 $0x400, s1  }
0x69: {  	s14 =	sadd.s32 s23, s3;
	s16 =	simm.s32 $0x200;
	s9 =	sand.u32 $0xFC00, s20;
	v12 =	vld [tilespmem:s18+$0x0]  }
0x6a: {  	s18 =	simm.s32 $0x20;
	s20 =	sadd.s32 s21, s3;
	v13 =	vld [tilespmem:s10+$0x0];
	s1 =	sadd.s32 s30, s14  }
0x6b: {  	v31 =	vld [tilespmem:s17+$0x0];
	s17 =	sadd.s32 s19, s15;
	s10 =	sand.u32 $0xFC00, s16;
	s14 =	sadd.s32 s13, s22  }
0x6c: {  	s2 =	sadd.s32 s30, s20;
	s28 =	sand.u32 $0x60, s18;
	s20 =	sadd.s32 s21, s15;
	v18 =	vld [tilespmem:s1+$0x0]  }
0x6d: {  	s18 =	sadd.s32 s25, s17;
	s17 =	simm.s32 $0x180;
	v17 =	vld [tilespmem:s2+$0x0];
	s16 =	sadd.s32 s25, s20  }
0x6e: {  	v35 =	vld [tilespmem:s18+$0x0];
	s2 =	sand.u32 $0xFC00, s17;
	s18 =	simm.s32 $0x100;
	s20 =	sadd.s32 s23, s15  }
0x6f: {  	v20 =	vld [tilespmem:s16+$0x0];
	s13 =	sadd.s32 s25, s20;
	s11 =	sand.u32 $0xFC00, s18;
	s16 =	sadd.s32 s19, s14  }
0x70: {  	s18 =	sadd.s32 s7, s22;
	s20 =	sadd.s32 s21, s14;
	v21 =	vld [tilespmem:s13+$0x0];
	s17 =	sadd.s32 s8, s16  }
0x71: {  	s2 =	sadd.s32 s2, s22;
	s7 =	sadd.s32 s8, s20;
	s13 =	sadd.s32 s23, s14;
	v29 =	vld [tilespmem:s17+$0x0]  }
0x72: {  	s20 =	sadd.s32 s11, s22;
	v24 =	vld [tilespmem:s7+$0x0];
	s16 =	sadd.s32 s8, s13;
	s17 =	sadd.s32 s19, s18  }
0x73: {  	s13 =	sadd.s32 s19, s20;
	v26 =	vld [tilespmem:s16+$0x0];
	s11 =	sadd.s32 s6, s17;
	s16 =	sadd.s32 s19, s2  }
0x74: {  	s7 =	sadd.s32 s28, s13;
	s17 =	sadd.s32 s10, s22;
	s13 =	sadd.s32 s9, s22;
	v39 =	vld [tilespmem:s11+$0x0]  }
0x75: {  	s11 =	sadd.s32 s12, s16;
	v34 =	vld [tilespmem:s7+$0x0];
	s16 =	simm.s32 $0x50;
	s22 =	sadd.s32 s19, s17  }
0x76: {  	s10 =	sadd.s32 s19, s13;
	v36 =	vld [tilespmem:s11+$0x0];
	s9 =	sadd.s32 s4, s22;
	s1 =	sand.u32 $0x70, s16  }
0x77: {  	v23 =	vimm.f32 $-Inf;
	s16 =	sadd.s32 s21, s18;
	v37 =	vld [tilespmem:s9+$0x0];
	s11 =	sadd.s32 s1, s10  }
0x78: {  	[dreg:$0x4] =	wrdreg s19;
	v28 =	vmax.f32 v23, v28;
	s22 =	sadd.s32 s23, s18;
	s19 =	sadd.s32 s6, s16;
	v38 =	vld [tilespmem:s11+$0x0]  }
0x79: {  	v27 =	vmax.f32 v28, v27;
	s9 =	sadd.s32 s6, s22;
	s10 =	sadd.s32 s21, s13;
	v32 =	vld [tilespmem:s19+$0x0]  }
0x7a: {  	s16 =	sadd.s32 s23, s13;
	v33 =	vld [tilespmem:s9+$0x0];
	s11 =	sadd.s32 s1, s10;
	v27 =	vmax.f32 v27, v34  }
0x7b: {  	p0 =	por p1, p1;
	s22 =	sadd.s32 s21, s17;
	s19 =	sadd.s32 s1, s16;
	v34 =	vld [tilespmem:s11+$0x0];
	v27 =	vmax.f32 v27, v36  }
0x7c: {  	[dreg:$0x3] =	wrdreg s21;
	s10 =	sadd.s32 s4, s22;
	s11 =	sadd.s32 s23, s17;
	v36 =	vld [tilespmem:s19+$0x0];
	v27 =	vmax.f32 v27, v37  }
0x7d: {  	s7 =	simm.s32 $0x700;
	s16 =	sadd.s32 s4, s11;
	s19 =	sadd.s32 s21, s2;
	v37 =	vld [tilespmem:s10+$0x0];
	v27 =	vmax.f32 v27, v38  }
0x7e: {  	s22 =	sadd.s32 s23, s2;
	s21 =	sadd.s32 s21, s20;
	s9 =	sadd.s32 s12, s19;
	v38 =	vld [tilespmem:s16+$0x0];
	v27 =	vmax.f32 v27, v39  }
0x7f: {  	v28 =	vimm.f32 $-Inf;
	s19 =	sadd.s32 s12, s22;
	s10 =	simm.s32 $0x1B0;
	v39 =	vld [tilespmem:s9+$0x0];
	s9 =	simm.s32 $0x0;
	v29 =	vmax.f32 v27, v29;
	v27 =	vimm.f32 $-Inf  }
.LBB2_5:
0x80: {  	[dreg:$0x7] =	wrdreg s9  }
0x81: {  	s16 =	sand.u32 $0x70, s10;
	s21 =	sadd.s32 s28, s21;
	s22 =	sadd.s32 s23, s20  }
0x82: {  	s11 =	sadd.s32 $0xFFFFFFF0, s10;
	s9 =	smov.u32 s24;
	s24 =	rddreg [dreg:$0x2]  }
0x83: {  	[dreg:$0xa] =	wrdreg s16;
	v55 =	vld [tilespmem:s21+$0x0];
	s21 =	sadd.s32 s28, s22;
	s22 =	sadd.s32 s24, s20  }
0x84: {  	s16 =	sadd.s32 $0xFFFFFFE0, s10;
	s2 =	sadd.s32 s24, s2;
	s20 =	sadd.s32 $0x680, s7  }
0x85: {  	v40 =	vld [tilespmem:s19+$0x0];
	v29 =	vmax.f32 v29, v35;
	s13 =	sadd.s32 s24, s13;
	s0 =	sadd.s32 s24, s0;
	[dreg:$0xb] =	wrdreg s16  }
0x86: {  	v29 =	vmax.f32 v29, v31;
	v31 =	vld [tilespmem:s21+$0x0];
	s19 =	sadd.s32 s28, s22;
	s2 =	sadd.s32 s12, s2;
	s21 =	sadd.s32 s24, s17  }
0x87: {  	s12 =	sadd.s32 $0xFFFFFFD0, s10;
	s1 =	sadd.s32 s1, s13;
	s16 =	sadd.s32 s24, s18  }
0x88: {  	s13 =	sadd.s32 $0xFFFFFFC0, s10;
	s18 =	sadd.s32 s24, s14;
	s14 =	sadd.s32 s24, s5  }
0x89: {  	s5 =	sadd.s32 $0x480, s7;
	s0 =	sadd.s32 s31, s0;
	s31 =	rddreg [dreg:$0x4]  }
0x8a: {  	s20 =	sand.u32 $0xFC00, s20;
	s22 =	sadd.s32 s4, s21;
	s4 =	sadd.s32 $0x600, s7  }
0x8b: {  	v29 =	vmax.f32 v29, v30;
	v30 =	vld [tilespmem:s19+$0x0];
	s17 =	sadd.s32 s6, s16;
	s6 =	sadd.s32 $0x580, s7;
	s19 =	sadd.s32 s8, s18  }
0x8c: {  	v25 =	vmax.f32 v29, v25;
	s21 =	sadd.s32 s24, s15;
	s8 =	sadd.s32 $0x500, s7;
	s15 =	rddreg [dreg:$0x6]  }
0x8d: {  	s16 =	sadd.s32 $0xFFFFFF90, s10;
	s18 =	sadd.s32 $0xFFFFFF80, s10;
	v22 =	vmax.f32 v25, v22;
	v25 =	vld [tilespmem:s22+$0x0];
	s22 =	sadd.s32 s25, s21  }
0x8e: {  	v14 =	vmax.f32 v23, v14;
	v41 =	vld [tilespmem:s2+$0x0];
	s25 =	sadd.s32 s24, s3;
	s3 =	sadd.s32 $0xFFFFFFA0, s10;
	[dreg:$0xd] =	wrdreg s16  }
0x8f: {  	v8 =	vmax.f32 v14, v8;
	v14 =	vld [tilespmem:s17+$0x0];
	s17 =	sadd.s32 s24, s9;
	[dreg:$0x9] =	wrdreg s18;
	s21 =	sadd.s32 s24, s26  }
0x90: {  	v15 =	vmax.f32 v27, v15;
	v16 =	vmax.f32 v28, v16;
	s26 =	sand.u32 $0x7C00, s7;
	s9 =	rddreg [dreg:$0x5];
	s18 =	sadd.s32 $0x180, s7;
	v29 =	vmax.f32 v22, v19;
	v19 =	vld [tilespmem:s1+$0x0]  }
0x91: {  	v10 =	vmax.f32 v15, v10;
	v11 =	vmax.f32 v16, v11;
	s4 =	sand.u32 $0xFC00, s4;
	s6 =	sand.u32 $0xFC00, s6;
	s2 =	sadd.s32 s30, s25  }
0x92: {  	v15 =	vld [tilespmem:s19+$0x0];
	s1 =	sadd.s32 s15, s14;
	s19 =	sadd.s32 s29, s17;
	s14 =	sadd.s32 $0xFFFFFF70, s10;
	v8 =	vmax.f32 v8, v55;
	v10 =	vmax.f32 v10, v31;
	v11 =	vmax.f32 v11, v30  }
0x93: {  	v16 =	vld [tilespmem:s22+$0x0];
	s22 =	rddreg [dreg:$0x8];
	s25 =	sadd.s32 $0xFFFFFF30, s10;
	s17 =	sadd.s32 $0x300, s7;
	v8 =	vmax.f32 v8, v39;
	v10 =	vmax.f32 v10, v40;
	v11 =	vmax.f32 v11, v41  }
0x94: {  	s15 =	sadd.s32 $0xFFFFFF60, s10;
	s29 =	rddreg [dreg:$0x3];
	v22 =	vld [tilespmem:s2+$0x0];
	s2 =	sadd.s32 $0x380, s7;
	v8 =	vmax.f32 v8, v37;
	v10 =	vmax.f32 v10, v38;
	v11 =	vmax.f32 v11, v25  }
0x95: {  	s25 =	sand.u32 $0x60, s25;
	[dreg:$0xf] =	wrdreg s15;
	s2 =	sand.u32 $0xFC00, s2;
	v8 =	vmax.f32 v8, v34;
	v10 =	vmax.f32 v10, v36;
	v11 =	vmax.f32 v11, v19;
	v19 =	vld [tilespmem:s1+$0x0]  }
0x96: {  	v8 =	vmax.f32 v8, v32;
	v10 =	vmax.f32 v10, v33;
	s1 =	sadd.s32 s26, s9;
	v11 =	vmax.f32 v11, v14;
	v14 =	vld [tilespmem:s0+$0x0];
	s0 =	sadd.s32 s22, s21;
	s21 =	sor.u32 $0x10, s25  }
0x97: {  	v8 =	vmax.f32 v8, v24;
	v10 =	vmax.f32 v10, v26;
	s22 =	sadd.s32 $0x280, s7;
	s28 =	sadd.s32 s29, s1;
	s30 =	sadd.s32 s23, s1;
	v11 =	vmax.f32 v11, v15;
	v15 =	vld [tilespmem:s19+$0x0]  }
0x98: {  	v8 =	vmax.f32 v8, v20;
	s24 =	sadd.s32 s24, s1;
	v10 =	vmax.f32 v10, v21;
	s19 =	sadd.s32 $0xFFFFFF50, s10;
	v11 =	vmax.f32 v11, v16;
	v16 =	vld [tilespmem:s0+$0x0];
	s0 =	sadd.s32 s31, s1  }
0x99: {  	v8 =	vmax.f32 v8, v17;
	s26 =	sadd.s32 s21, s28;
	s15 =	sadd.s32 s21, s30;
	v10 =	vmax.f32 v10, v18;
	s16 =	sadd.s32 s21, s0  }
0x9a: {  	s22 =	sand.u32 $0xFC00, s22;
	v8 =	vmax.f32 v8, v12;
	[dreg:$0xe] =	wrdreg s19;
	s19 =	sadd.s32 $0x200, s7;
	v10 =	vmax.f32 v10, v13;
	v56 =	vld [tilespmem:s16+$0x0]  }
0x9b: {  	v7 =	vmax.f32 v8, v7;
	s0 =	sadd.s32 s25, s0;
	v8 =	vmax.f32 v10, v9;
	v10 =	vld [tilespmem:s15+$0x0];
	s15 =	sand.u32 $0x60, s11;
	s11 =	sadd.s32 s25, s28  }
0x9c: {  	v11 =	vmax.f32 v11, v22;
	v57 =	vld [tilespmem:s0+$0x0];
	s28 =	sand.u32 $0x60, s12;
	s12 =	sadd.s32 s25, s30;
	s30 =	rddreg [dreg:$0xa]  }
0x9d: {  	v11 =	vmax.f32 v11, v19;
	s16 =	sadd.s32 s21, s24;
	s0 =	sadd.s32 s6, s9;
	s6 =	rddreg [dreg:$0xd];
	v6 =	vmax.f32 v8, v6;
	v8 =	vld [tilespmem:s26+$0x0]  }
0x9e: {  	s19 =	sand.u32 $0xFC00, s19;
	s21 =	sadd.s32 $0x100, s7;
	v9 =	vmax.f32 v11, v14;
	v11 =	vld [tilespmem:s16+$0x0];
	s26 =	rddreg [dreg:$0xb]  }
0x9f: {  	v14 =	vld [tilespmem:s11+$0x0];
	s11 =	sand.u32 $0x70, s13;
	s16 =	sand.u32 $0x70, s26;
	s26 =	sadd.s32 s20, s9  }
0xa0: {  	v5 =	vmax.f32 v7, v5;
	s13 =	sand.u32 $0xFC00, s8;
	v7 =	vmax.f32 v9, v15;
	v15 =	vld [tilespmem:s12+$0x0];
	s20 =	sadd.s32 s25, s24;
	s24 =	sadd.s32 s31, s26  }
0xa1: {  	s8 =	sand.u32 $0x70, s3;
	v28 =	vmax.f32 v7, v16;
	v16 =	vld [tilespmem:s20+$0x0];
	s20 =	sadd.s32 s29, s26;
	s12 =	sadd.s32 s30, s24  }
0xa2: {  	s24 =	sadd.s32 s4, s9;
	s4 =	sadd.s32 s30, s20;
	v19 =	vld [tilespmem:s12+$0x0];
	s12 =	sadd.s32 s23, s26  }
0xa3: {  	v23 =	vmax.f32 v5, v3;
	[dreg:$0xc] =	wrdreg s15;
	s20 =	sadd.s32 s31, s24;
	v3 =	vld [tilespmem:s4+$0x0];
	s4 =	sadd.s32 s30, s12  }
0xa4: {  	v27 =	vmax.f32 v6, v4;
	s12 =	sand.u32 $0xFC00, s5;
	s3 =	sadd.s32 s15, s20;
	s5 =	sadd.s32 s29, s24;
	v4 =	vld [tilespmem:s4+$0x0]  }
0xa5: {  	s6 =	sand.u32 $0x60, s6;
	v22 =	vld [tilespmem:s3+$0x0];
	s3 =	sadd.s32 s15, s5;
	s4 =	sadd.s32 s23, s24  }
0xa6: {  	[dreg:$0x6] =	wrdreg s28;
	s20 =	sadd.s32 s31, s0;
	v5 =	vld [tilespmem:s3+$0x0];
	s4 =	sadd.s32 s15, s4  }
0xa7: {  	s5 =	sadd.s32 s13, s9;
	s15 =	sadd.s32 s16, s20;
	s20 =	sadd.s32 s29, s0;
	v6 =	vld [tilespmem:s4+$0x0]  }
0xa8: {  	s3 =	sadd.s32 s12, s9;
	v25 =	vld [tilespmem:s15+$0x0];
	s13 =	sadd.s32 s16, s20;
	s15 =	sadd.s32 s23, s0  }
0xa9: {  	s4 =	sand.u32 $0x60, s14;
	s20 =	sadd.s32 s31, s5;
	v7 =	vld [tilespmem:s13+$0x0];
	s15 =	sadd.s32 s16, s15  }
0xaa: {  	s13 =	sand.u32 $0xFC00, s17;
	s14 =	sadd.s32 s28, s20;
	s20 =	sadd.s32 s29, s5;
	v9 =	vld [tilespmem:s15+$0x0]  }
0xab: {  	s17 =	rddreg [dreg:$0xf];
	v30 =	vld [tilespmem:s14+$0x0];
	s14 =	sadd.s32 s28, s20;
	s15 =	sadd.s32 s23, s5  }
0xac: {  	s12 =	sand.u32 $0x70, s17;
	s20 =	sadd.s32 s31, s3;
	v12 =	vld [tilespmem:s14+$0x0];
	s15 =	sadd.s32 s28, s15  }
0xad: {  	s17 =	sadd.s32 s11, s20;
	s20 =	sadd.s32 s29, s3;
	s14 =	sadd.s32 s23, s3;
	v13 =	vld [tilespmem:s15+$0x0]  }
0xae: {  	s15 =	sadd.s32 $0x400, s1;
	v31 =	vld [tilespmem:s17+$0x0];
	s1 =	sadd.s32 s11, s20;
	s20 =	rddreg [dreg:$0xe]  }
0xaf: {  	s14 =	sadd.s32 s11, s14;
	s28 =	sand.u32 $0x60, s20;
	s20 =	sadd.s32 s31, s15;
	v17 =	vld [tilespmem:s1+$0x0]  }
0xb0: {  	v18 =	vld [tilespmem:s14+$0x0];
	s14 =	sadd.s32 s2, s9;
	s17 =	sadd.s32 s25, s20;
	s20 =	sadd.s32 s29, s15  }
0xb1: {  	s2 =	sadd.s32 s23, s15;
	v35 =	vld [tilespmem:s17+$0x0];
	s1 =	sadd.s32 s25, s20;
	s17 =	sand.u32 $0xFC00, s18  }
0xb2: {  	s20 =	sadd.s32 s31, s14;
	s18 =	sadd.s32 s13, s9;
	v20 =	vld [tilespmem:s1+$0x0];
	s1 =	sadd.s32 s25, s2  }
0xb3: {  	s2 =	sand.u32 $0xFC00, s21;
	s20 =	sadd.s32 s8, s20;
	s21 =	sadd.s32 s29, s14;
	v21 =	vld [tilespmem:s1+$0x0]  }
0xb4: {  	s13 =	sadd.s32 s23, s14;
	v58 =	vld [tilespmem:s20+$0x0];
	s1 =	sadd.s32 s8, s21;
	s20 =	sadd.s32 s2, s9  }
0xb5: {  	s21 =	sadd.s32 s31, s18;
	s2 =	sadd.s32 s17, s9;
	v24 =	vld [tilespmem:s1+$0x0];
	s1 =	sadd.s32 s8, s13  }
0xb6: {  	s17 =	sadd.s32 s19, s9;
	s13 =	sadd.s32 s31, s20;
	s21 =	sadd.s32 s6, s21;
	v26 =	vld [tilespmem:s1+$0x0]  }
0xb7: {  	s19 =	sadd.s32 s31, s17;
	s1 =	sadd.s32 s28, s13;
	s13 =	sadd.s32 s31, s2;
	v59 =	vld [tilespmem:s21+$0x0]  }
0xb8: {  	v60 =	vld [tilespmem:s1+$0x0];
	s21 =	sadd.s32 s12, s13;
	s13 =	sadd.s32 s22, s9;
	s9 =	rddreg [dreg:$0x7]  }
0xb9: {  	s19 =	sadd.s32 s4, s19;
	v61 =	vld [tilespmem:s21+$0x0];
	s21 =	rddreg [dreg:$0x9];
	s22 =	sadd.s32 s31, s13  }
0xba: {  	s31 =	smov.u32 s16;
	s16 =	sadd.s32 s29, s13;
	s1 =	sand.u32 $0x70, s21  }
0xbb: {  	v62 =	vld [tilespmem:s19+$0x0];
	s9 =	sadd.s32 $0xE, s9;
	s21 =	sadd.s32 s29, s18;
	s19 =	sadd.s32 s1, s22  }
0xbc: {  	v29 =	vmax.f32 v29, v57;
	p1 =	slt.u32 s9, $0xB6;
	s22 =	smov.u32 s30;
	s21 =	sadd.s32 s6, s21;
	v63 =	vld [tilespmem:s19+$0x0]  }
0xbd: {  	v29 =	vmax.f32 v29, v56;
	[dreg:$0x8] =	wrdreg s22;
	s22 =	sadd.s32 s23, s18;
	v32 =	vld [tilespmem:s21+$0x0];
	s21 =	sadd.s32 s1, s16  }
0xbe: {  	s30 =	smov.u32 s11;
	s16 =	sadd.s32 s29, s17;
	s19 =	sadd.s32 s6, s22;
	v29 =	vmax.f32 v29, v60;
	v34 =	vld [tilespmem:s21+$0x0]  }
.Ltmp6:
0xbf: {  	s22 =	sadd.s32 s23, s13;
	s11 =	sadd.s32 s4, s16;
	v33 =	vld [tilespmem:s19+$0x0];
	v29 =	vmax.f32 v29, v61;
	(pc) =	sbr.rel @p1 .LBB2_5-.Ltmp6, $4  }
0xc0: {  	s16 =	sadd.s32 s29, s2;
	s21 =	sadd.s32 s1, s22;
	v37 =	vld [tilespmem:s11+$0x0];
	v29 =	vmax.f32 v29, v62  }
0xc1: {  	s10 =	sadd.s32 $0xE0, s10;
	s22 =	sadd.s32 s23, s17;
	s19 =	sadd.s32 s12, s16;
	v36 =	vld [tilespmem:s21+$0x0];
	v29 =	vmax.f32 v29, v63  }
0xc2: {  	s7 =	sadd.s32 $0x700, s7;
	s16 =	sadd.s32 s23, s2;
	s22 =	sadd.s32 s4, s22;
	v39 =	vld [tilespmem:s19+$0x0];
	v29 =	vmax.f32 v29, v59  }
0xc3: {  	s21 =	sadd.s32 s29, s20;
	s29 =	rddreg [dreg:$0xc];
	s19 =	sadd.s32 s12, s16;
	v38 =	vld [tilespmem:s22+$0x0];
	v29 =	vmax.f32 v29, v58  }
0xc4: {  	s7 =	sadd.s32 s28, s21;
	v40 =	vld [tilespmem:s19+$0x0];
	s9 =	sadd.s32 s23, s20;
	s19 =	rddreg [dreg:$0x2]  }
0xc5: {  	v29 =	vmax.f32 v29, v35;
	v49 =	vld [tilespmem:s7+$0x0];
	s21 =	sadd.s32 s28, s9;
	s22 =	sadd.s32 s19, s20  }
0xc6: {  	v29 =	vmax.f32 v29, v31;
	s2 =	sadd.s32 s19, s2;
	v50 =	vld [tilespmem:s21+$0x0];
	s10 =	sadd.s32 s28, s22  }
0xc7: {  	v14 =	vmax.f32 v23, v14;
	s11 =	sadd.s32 s19, s17;
	v29 =	vmax.f32 v29, v30;
	s2 =	sadd.s32 s12, s2;
	v51 =	vld [tilespmem:s10+$0x0]  }
0xc8: {  	v15 =	vmax.f32 v27, v15;
	v16 =	vmax.f32 v28, v16;
	s16 =	sadd.s32 s19, s13;
	s12 =	sadd.s32 s4, s11;
	v25 =	vmax.f32 v29, v25;
	v52 =	vld [tilespmem:s2+$0x0]  }
0xc9: {  	s17 =	sadd.s32 s19, s18;
	v8 =	vmax.f32 v14, v8;
	v10 =	vmax.f32 v15, v10;
	s1 =	sadd.s32 s1, s16;
	v53 =	vld [tilespmem:s12+$0x0];
	v22 =	vmax.f32 v25, v22  }
0xca: {  	s20 =	sadd.s32 s19, s14;
	v11 =	vmax.f32 v16, v11;
	s18 =	sadd.s32 s6, s17;
	v54 =	vld [tilespmem:s1+$0x0];
	v19 =	vmax.f32 v22, v19;
	v8 =	vmax.f32 v8, v49  }
0xcb: {  	s21 =	sadd.s32 s8, s20;
	s22 =	sadd.s32 s19, s15;
	v55 =	vld [tilespmem:s18+$0x0];
	(xrf1) =	vsort.ascd.msk.f32 $0xffff, v19, v19;
	v10 =	vmax.f32 v10, v50;
	v8 =	vmax.f32 v8, v39  }
0xcc: {  	s3 =	sadd.s32 s19, s3;
	v56 =	vld [tilespmem:s21+$0x0];
	s2 =	sadd.s32 s25, s22;
	v11 =	vmax.f32 v11, v51;
	v10 =	vmax.f32 v10, v40;
	v8 =	vmax.f32 v8, v37  }
0xcd: {  	s5 =	sadd.s32 s19, s5;
	s4 =	sadd.s32 s30, s3;
	s6 =	rddreg [dreg:$0x6];
	v57 =	vld [tilespmem:s2+$0x0];
	v11 =	vmax.f32 v11, v52;
	v10 =	vmax.f32 v10, v38;
	v8 =	vmax.f32 v8, v34  }
0xce: {  	s0 =	sadd.s32 s19, s0;
	v58 =	vld [tilespmem:s4+$0x0];
	s1 =	sadd.s32 s6, s5;
	v11 =	vmax.f32 v11, v53;
	v10 =	vmax.f32 v10, v36;
	v8 =	vmax.f32 v8, v32  }
0xcf: {  	s7 =	sadd.s32 s19, s24;
	s0 =	sadd.s32 s31, s0;
	v59 =	vld [tilespmem:s1+$0x0];
	v11 =	vmax.f32 v11, v54;
	v10 =	vmax.f32 v10, v33;
	v8 =	vmax.f32 v8, v24  }
0xd0: {  	s9 =	sadd.s32 s19, s26;
	s8 =	sadd.s32 s29, s7;
	v60 =	vld [tilespmem:s0+$0x0];
	s10 =	rddreg [dreg:$0x8];
	v11 =	vmax.f32 v11, v55;
	v10 =	vmax.f32 v10, v26;
	v8 =	vmax.f32 v8, v20  }
0xd1: {  	v61 =	vld [tilespmem:s8+$0x0];
	s0 =	sadd.s32 s10, s9;
	v11 =	vmax.f32 v11, v56;
	v10 =	vmax.f32 v10, v21;
	v8 =	vmax.f32 v8, v17  }
0xd2: {  	v62 =	vld [tilespmem:s0+$0x0];
	v11 =	vmax.f32 v11, v57;
	v10 =	vmax.f32 v10, v18;
	v8 =	vmax.f32 v8, v12  }
0xd3: {  	v11 =	vmax.f32 v11, v58;
	v10 =	vmax.f32 v10, v13;
	v7 =	vmax.f32 v8, v7  }
0xd4: {  	v11 =	vmax.f32 v11, v59;
	v8 =	vmax.f32 v10, v9;
	v5 =	vmax.f32 v7, v5  }
0xd5: {  	v9 =	vmax.f32 v11, v60;
	v6 =	vmax.f32 v8, v6;
	v3 =	vmax.f32 v5, v3  }
0xd6: {  	v5 =	vmax.f32 v9, v61;
	v4 =	vmax.f32 v6, v4;
	(xrf1) =	vsort.ascd.msk.f32 $0xffff, v3, v3  }
0xd7: {  	v3 =	vmax.f32 v5, v62;
	(xrf1) =	vsort.ascd.msk.f32 $0xffff, v4, v4  }
0xd8: {  	(xrf1) =	vsort.ascd.msk.f32 $0xffff, v3, v3;
	_ =	sdelay $0x3  }
0xd9: {  	s11 =	simm.s32 $0x0  }
0xda: {  	s14 =	sand.u32 $0x7C00, s11;
	s22 =	rddreg [dreg:$0x5]  }
0xdb: {  	s13 =	rddreg [dreg:$0x4];
	s15 =	simm.s32 $0x0;
	s1 =	sadd.s32 s14, s22  }
0xdc: {  	s12 =	rddreg [dreg:$0x3];
	s2 =	sand.u32 $0x70, s15;
	s16 =	sadd.s32 s13, s1  }
0xdd: {  	s17 =	sadd.s32 s12, s1;
	s3 =	sadd.s32 s2, s16  }
0xde: {  	s18 =	sadd.s32 s23, s1;
	s4 =	sadd.s32 s2, s17;
	v4 =	vld [tilespmem:s3+$0x0]  }
0xdf: {  	s1 =	sadd.s32 s19, s1;
	s20 =	sadd.s32 s2, s18;
	v7 =	vld [tilespmem:s4+$0x0]  }
0xe0: {  	s1 =	sadd.s32 s2, s1;
	v8 =	vld [tilespmem:s20+$0x0];
	v3, _, _ =	vpop (xrf1)  }
0xe1: {  	v9 =	vld [tilespmem:s1+$0x0];
	v6 =	vbroadcast v3, $0x0;
	v5, _, _ =	vpop (xrf1)  }
0xe2: {  	v3, _, _ =	vpop (xrf1);
	v5 =	vbroadcast v5, $0x0  }
0xe3: {  	vm0 =	vge.f32 v4, v6;
	v3 =	vbroadcast v3, $0x0;
	v10, _, _ =	vpop (xrf1)  }
0xe4: {  	v4 =	vbroadcast v10, $0x0;
	vm1 =	vge.f32 v7, v5;
	v7 =	vmpcnt.ones.xlane vm0  }
0xe5: {  	vm2 =	vge.f32 v8, v3;
	v8 =	vmpcnt.ones.xlane vm1  }
0xe6: {  	vm3 =	vge.f32 v9, v4;
	v9 =	vmpcnt.ones.xlane vm2;
	(v2sf) =	vpush v7, $0x0  }
0xe7: {  	v10 =	vmpcnt.ones.xlane vm3;
	(v2sf) =	vpush v8, $0x0  }
0xe8: {  	s21 =	simm.s32 $0x80;
	v7 =	vlaneseq.u32;
	(v2sf) =	vpush v9, $0x0  }
0xe9: {  	s1 =	sand.u32 $0xFC00, s21;
	[tilespmem:s11+$0xC800] =	vst.msk vm0, v7;
	(v2sf) =	vpush v10, $0x0  }
0xea: {  	s24 =	simm.s32 $0x10;
	s1 =	sadd.s32 s1, s22;
	[tilespmem:s11+$0xD480] =	vst.msk vm1, v7  }
0xeb: {  	s2 =	sand.u32 $0x70, s24;
	s25 =	sadd.s32 s13, s1;
	[tilespmem:s11+$0xE100] =	vst.msk vm2, v7  }
0xec: {  	s26 =	sadd.s32 s12, s1;
	s30 =	sadd.s32 s2, s25;
	[tilespmem:s11+$0xED80] =	vst.msk vm3, v7  }
0xed: {  	s31 =	sadd.s32 s23, s1;
	s5 =	sadd.s32 s2, s26;
	v8 =	vld [tilespmem:s30+$0x0]  }
0xee: {  	s6 =	sadd.s32 s19, s1;
	s3 =	sadd.s32 s2, s31;
	v9 =	vld [tilespmem:s5+$0x0]  }
0xef: {  	s0 =	sadd.s32 s2, s6;
	v10 =	vld [tilespmem:s3+$0x0]  }
0xf0: {  	v11 =	vld [tilespmem:s0+$0x0];
	_ =	sdelay $0x1  }
0xf1: {  	vm0 =	vge.f32 v8, v6  }
0xf2: {  	vm1 =	vge.f32 v9, v5;
	v8 =	vmpcnt.ones.xlane vm0  }
0xf3: {  	vm2 =	vge.f32 v10, v3;
	v9 =	vmpcnt.ones.xlane vm1  }
0xf4: {  	s7 =	simm.s32 $0x20;
	vm3 =	vge.f32 v11, v4;
	v10 =	vmpcnt.ones.xlane vm2;
	(v2sf) =	vpush v8, $0x0;
	s8 =	spop (v2sf)  }
0xf5: {  	s9 =	simm.s32 $0x100;
	v8 =	vmpcnt.ones.xlane vm3;
	(v2sf) =	vpush v9, $0x0;
	v9 =	vadd.s32 $0x10, v7;
	s1 =	sadd.s32 $0x0, s8;
	s10 =	spop (v2sf)  }
0xf6: {  	s2 =	sand.u32 $0xFC00, s9;
	(v2sf) =	vpush v10, $0x0;
	s3 =	sadd.s32 $0x0, s10;
	[tilespmem:s1+$0xC800] =	vst.msk vm0, v9;
	s11 =	spop (v2sf)  }
0xf7: {  	s2 =	sadd.s32 s2, s22;
	(v2sf) =	vpush v8, $0x0;
	s4 =	sadd.s32 $0x0, s11;
	[tilespmem:s3+$0xD480] =	vst.msk vm1, v9;
	s14 =	spop (v2sf)  }
0xf8: {  	s15 =	sadd.s32 s13, s2;
	s0 =	sand.u32 $0x70, s7;
	s5 =	sadd.s32 $0x0, s14;
	[tilespmem:s4+$0xE100] =	vst.msk vm2, v9  }
0xf9: {  	s16 =	sadd.s32 s12, s2;
	s6 =	sadd.s32 s0, s15;
	[tilespmem:s5+$0xED80] =	vst.msk vm3, v9  }
0xfa: {  	s17 =	sadd.s32 s23, s2;
	s18 =	sadd.s32 s0, s16;
	v8 =	vld [tilespmem:s6+$0x0]  }
0xfb: {  	s2 =	sadd.s32 s19, s2;
	s20 =	sadd.s32 s0, s17;
	v9 =	vld [tilespmem:s18+$0x0]  }
0xfc: {  	s0 =	sadd.s32 s0, s2;
	v10 =	vld [tilespmem:s20+$0x0]  }
0xfd: {  	v11 =	vld [tilespmem:s0+$0x0];
	_ =	sdelay $0x1  }
0xfe: {  	vm0 =	vge.f32 v8, v6  }
0xff: {  	vm1 =	vge.f32 v9, v5;
	v8 =	vmpcnt.ones.xlane vm0  }
0x100: {  	vm2 =	vge.f32 v10, v3;
	v9 =	vmpcnt.ones.xlane vm1  }
0x101: {  	vm3 =	vge.f32 v11, v4;
	v10 =	vmpcnt.ones.xlane vm2;
	(v2sf) =	vpush v8, $0x0  }
0x102: {  	s21 =	simm.s32 $0x30;
	s24 =	spop (v2sf);
	v8 =	vmpcnt.ones.xlane vm3;
	(v2sf) =	vpush v9, $0x0  }
0x103: {  	s25 =	simm.s32 $0x180;
	s1 =	sadd.s32 s1, s24;
	s26 =	spop (v2sf);
	v9 =	vadd.s32 $0x20, v7;
	(v2sf) =	vpush v10, $0x0  }
0x104: {  	s30 =	sand.u32 $0xFC00, s25;
	s2 =	sadd.s32 s3, s26;
	[tilespmem:s1+$0xC800] =	vst.msk vm0, v9;
	s31 =	spop (v2sf);
	(v2sf) =	vpush v8, $0x0  }
0x105: {  	s3 =	sadd.s32 s30, s22;
	s4 =	sadd.s32 s4, s31;
	[tilespmem:s2+$0xD480] =	vst.msk vm1, v9;
	s7 =	spop (v2sf)  }
0x106: {  	s0 =	sand.u32 $0x70, s21;
	s8 =	sadd.s32 s13, s3;
	s5 =	sadd.s32 s5, s7;
	[tilespmem:s4+$0xE100] =	vst.msk vm2, v9  }
0x107: {  	s9 =	sadd.s32 s12, s3;
	s6 =	sadd.s32 s0, s8;
	[tilespmem:s5+$0xED80] =	vst.msk vm3, v9  }
0x108: {  	s10 =	sadd.s32 s23, s3;
	s11 =	sadd.s32 s0, s9;
	v8 =	vld [tilespmem:s6+$0x0]  }
0x109: {  	s3 =	sadd.s32 s19, s3;
	s14 =	sadd.s32 s0, s10;
	v9 =	vld [tilespmem:s11+$0x0]  }
0x10a: {  	s0 =	sadd.s32 s0, s3;
	v10 =	vld [tilespmem:s14+$0x0]  }
0x10b: {  	v11 =	vld [tilespmem:s0+$0x0];
	_ =	sdelay $0x1  }
0x10c: {  	vm0 =	vge.f32 v8, v6  }
0x10d: {  	vm1 =	vge.f32 v9, v5;
	v8 =	vmpcnt.ones.xlane vm0  }
0x10e: {  	vm2 =	vge.f32 v10, v3;
	v9 =	vmpcnt.ones.xlane vm1  }
0x10f: {  	s15 =	simm.s32 $0x40;
	vm3 =	vge.f32 v11, v4;
	v10 =	vmpcnt.ones.xlane vm2;
	(v2sf) =	vpush v8, $0x0;
	s16 =	spop (v2sf)  }
0x110: {  	s17 =	simm.s32 $0x200;
	v8 =	vmpcnt.ones.xlane vm3;
	(v2sf) =	vpush v9, $0x0;
	v9 =	vadd.s32 $0x30, v7;
	s1 =	sadd.s32 s1, s16;
	s18 =	spop (v2sf)  }
0x111: {  	s20 =	sand.u32 $0xFC00, s17;
	(v2sf) =	vpush v10, $0x0;
	s2 =	sadd.s32 s2, s18;
	[tilespmem:s1+$0xC800] =	vst.msk vm0, v9;
	s21 =	spop (v2sf)  }
0x112: {  	s3 =	sadd.s32 s20, s22;
	(v2sf) =	vpush v8, $0x0;
	s4 =	sadd.s32 s4, s21;
	[tilespmem:s2+$0xD480] =	vst.msk vm1, v9;
	s24 =	spop (v2sf)  }
0x113: {  	s25 =	sadd.s32 s13, s3;
	s0 =	sand.u32 $0x70, s15;
	s5 =	sadd.s32 s5, s24;
	[tilespmem:s4+$0xE100] =	vst.msk vm2, v9  }
0x114: {  	s6 =	sadd.s32 s0, s25;
	[tilespmem:s5+$0xED80] =	vst.msk vm3, v9  }
0x115: {  	s26 =	sadd.s32 s12, s3;
	v8 =	vld [tilespmem:s6+$0x0]  }
0x116: {  	s30 =	sadd.s32 s23, s3;
	s31 =	sadd.s32 s0, s26  }
0x117: {  	s3 =	sadd.s32 s19, s3;
	s7 =	sadd.s32 s0, s30;
	v9 =	vld [tilespmem:s31+$0x0]  }
0x118: {  	s0 =	sadd.s32 s0, s3;
	v10 =	vld [tilespmem:s7+$0x0]  }
0x119: {  	v11 =	vld [tilespmem:s0+$0x0]  }
0x11a: {  	vm0 =	vge.f32 v8, v6  }
0x11b: {  	v8 =	vmpcnt.ones.xlane vm0  }
0x11c: {  	vm1 =	vge.f32 v9, v5  }
0x11d: {  	v9 =	vmpcnt.ones.xlane vm1;
	(v2sf) =	vpush v8, $0x0  }
0x11e: {  	s8 =	simm.s32 $0x50;
	vm2 =	vge.f32 v10, v3;
	vm3 =	vge.f32 v11, v4;
	s9 =	spop (v2sf)  }
0x11f: {  	s10 =	simm.s32 $0x280;
	v10 =	vmpcnt.ones.xlane vm2;
	(v2sf) =	vpush v9, $0x0;
	s1 =	sadd.s32 s1, s9;
	v9 =	vadd.s32 $0x40, v7;
	s11 =	spop (v2sf)  }
0x120: {  	s14 =	sand.u32 $0xFC00, s10;
	v8 =	vmpcnt.ones.xlane vm3;
	s2 =	sadd.s32 s2, s11;
	[tilespmem:s1+$0xC800] =	vst.msk vm0, v9;
	s15 =	spop (v2sf)  }
0x121: {  	s3 =	sadd.s32 s14, s22;
	(v2sf) =	vpush v10, $0x0;
	s4 =	sadd.s32 s4, s15;
	[tilespmem:s2+$0xD480] =	vst.msk vm1, v9;
	s16 =	spop (v2sf)  }
0x122: {  	s17 =	sadd.s32 s13, s3;
	s0 =	sand.u32 $0x70, s8;
	(v2sf) =	vpush v8, $0x0;
	s5 =	sadd.s32 s5, s16;
	[tilespmem:s4+$0xE100] =	vst.msk vm2, v9  }
0x123: {  	s18 =	sadd.s32 s12, s3;
	s6 =	sadd.s32 s0, s17;
	[tilespmem:s5+$0xED80] =	vst.msk vm3, v9  }
0x124: {  	s20 =	sadd.s32 s0, s18;
	v8 =	vld [tilespmem:s6+$0x0]  }
0x125: {  	v9 =	vld [tilespmem:s20+$0x0]  }
0x126: {  	s21 =	sadd.s32 s23, s3  }
0x127: {  	s3 =	sadd.s32 s19, s3;
	s24 =	sadd.s32 s0, s21  }
0x128: {  	s0 =	sadd.s32 s0, s3;
	v10 =	vld [tilespmem:s24+$0x0]  }
0x129: {  	v11 =	vld [tilespmem:s0+$0x0];
	vm0 =	vge.f32 v8, v6  }
0x12a: {  	vm1 =	vge.f32 v9, v5;
	v8 =	vmpcnt.ones.xlane vm0  }
0x12b: {  	v9 =	vmpcnt.ones.xlane vm1  }
0x12c: {  	(v2sf) =	vpush v8, $0x0;
	s26 =	spop (v2sf)  }
0x12d: {  	vm2 =	vge.f32 v10, v3;
	(v2sf) =	vpush v9, $0x0;
	v9 =	vadd.s32 $0x50, v7;
	s9 =	sadd.s32 s1, s26  }
0x12e: {  	v8 =	vmpcnt.ones.xlane vm2;
	[tilespmem:s9+$0xC800] =	vst.msk vm0, v9;
	vm0 =	vge.f32 v11, v4  }
0x12f: {  	s25 =	simm.s32 $0x60;
	s30 =	simm.s32 $0x300;
	s31 =	spop (v2sf);
	v63 =	vmpcnt.ones.xlane vm0  }
0x130: {  	s6 =	sand.u32 $0xFC00, s30;
	s10 =	sadd.s32 s2, s31;
	s7 =	spop (v2sf);
	(v2sf) =	vpush v8, $0x0  }
0x131: {  	s8 =	sadd.s32 s6, s22;
	s0 =	sadd.s32 s4, s7;
	[tilespmem:s10+$0xD480] =	vst.msk vm1, v9;
	s11 =	spop (v2sf);
	(v2sf) =	vpush v63, $0x0  }
0x132: {  	s3 =	sand.u32 $0x70, s25;
	s14 =	sadd.s32 s13, s8;
	s1 =	sadd.s32 s5, s11;
	[tilespmem:s0+$0xE100] =	vst.msk vm2, v9  }
0x133: {  	s15 =	sadd.s32 s12, s8;
	s4 =	sadd.s32 s3, s14;
	[tilespmem:s1+$0xED80] =	vst.msk vm0, v9  }
0x134: {  	s16 =	sadd.s32 s23, s8;
	s17 =	sadd.s32 s3, s15;
	v8 =	vld [tilespmem:s4+$0x0]  }
0x135: {  	s18 =	sadd.s32 s3, s16;
	s2 =	sadd.s32 s19, s8;
	v9 =	vld [tilespmem:s17+$0x0]  }
0x136: {  	s2 =	sadd.s32 s3, s2;
	v10 =	vld [tilespmem:s18+$0x0]  }
0x137: {  	v11 =	vld [tilespmem:s2+$0x0]  }
0x138: {  	s24 =	simm.s32 $0x380  }
0x139: {  	s20 =	sand.u32 $0x7C00, s24;
	vm3 =	vge.f32 v8, v6  }
0x13a: {  	s29 =	simm.s32 $0x7;
	s28 =	simm.s32 $0x380;
	s3 =	sadd.s32 s20, s22;
	vm0 =	vge.f32 v9, v5;
	v8 =	vmpcnt.ones.xlane vm3  }
0x13b: {  	s21 =	simm.s32 $0x70;
	s25 =	simm.s32 $0xD0;
	s26 =	sadd.s32 s13, s3;
	vm1 =	vge.f32 v10, v3;
	v9 =	vmpcnt.ones.xlane vm0  }
0x13c: {  	s30 =	sadd.s32 s12, s3;
	s6 =	sadd.s32 s19, s3;
	s2 =	sand.u32 $0x70, s21;
	vm2 =	vge.f32 v11, v4;
	v10 =	vmpcnt.ones.xlane vm1;
	(v2sf) =	vpush v8, $0x0  }
0x13d: {  	s7 =	sadd.s32 s2, s26;
	s8 =	sadd.s32 s2, s30;
	v11 =	vmpcnt.ones.xlane vm2;
	s11 =	spop (v2sf);
	(v2sf) =	vpush v9, $0x0  }
0x13e: {  	s26 =	simm.s32 $0xD0;
	v8 =	vadd.s32 $0x60, v7;
	s31 =	spop (v2sf);
	s5 =	sadd.s32 s9, s11;
	(v2sf) =	vpush v10, $0x0  }
0x13f: {  	s11 =	smov.u32 s13;
	s4 =	sadd.s32 s10, s31;
	[tilespmem:s5+$0xC800] =	vst.msk vm3, v8;
	s9 =	spop (v2sf);
	(v2sf) =	vpush v11, $0x0  }
.LBB2_7:
0x140: {  	s29 =	sadd.s32 $0x7, s29;
	s0 =	sadd.s32 s0, s9;
	[tilespmem:s4+$0xD480] =	vst.msk vm0, v8;
	v7 =	vadd.s32 $0x70, v7;
	s9 =	spop (v2sf)  }
0x141: {  	p1 =	slt.u32 s29, $0xBD;
	s1 =	sadd.s32 s1, s9;
	[tilespmem:s0+$0xE100] =	vst.msk vm1, v8  }
0x142: {  	[tilespmem:s1+$0xED80] =	vst.msk vm2, v8  }
0x143: {  	s3 =	sadd.s32 s23, s3;
	v8 =	vld [tilespmem:s8+$0x0]  }
0x144: {  	s3 =	sadd.s32 s2, s3;
	v9 =	vld [tilespmem:s7+$0x0]  }
0x145: {  	v10 =	vld [tilespmem:s3+$0x0]  }
0x146: {  	s2 =	sadd.s32 s2, s6  }
0x147: {  	v11 =	vld [tilespmem:s2+$0x0];
	_ =	sdelay $0x1  }
0x148: {  	vm0 =	vge.f32 v9, v6  }
0x149: {  	vm1 =	vge.f32 v8, v5;
	v8 =	vmpcnt.ones.xlane vm0  }
0x14a: {  	v9 =	vmpcnt.ones.xlane vm1;
	vm2 =	vge.f32 v10, v3;
	s2 =	spop (v2sf)  }
0x14b: {  	v10 =	vmpcnt.ones.xlane vm2;
	vm3 =	vge.f32 v11, v4;
	(v2sf) =	vpush v8, $0x0;
	s2 =	sadd.s32 s5, s2;
	s3 =	spop (v2sf)  }
0x14c: {  	[tilespmem:s2+$0xC800] =	vst.msk vm0, v7;
	v8 =	vmpcnt.ones.xlane vm3;
	(v2sf) =	vpush v9, $0x0;
	s3 =	sadd.s32 s4, s3;
	s4 =	spop (v2sf)  }
0x14d: {  	s5 =	sadd.s32 $0x80, s24;
	[tilespmem:s3+$0xD480] =	vst.msk vm1, v7;
	(v2sf) =	vpush v10, $0x0;
	s0 =	sadd.s32 s0, s4;
	s4 =	spop (v2sf)  }
0x14e: {  	s5 =	sand.u32 $0xFC00, s5;
	[tilespmem:s0+$0xE100] =	vst.msk vm2, v7;
	(v2sf) =	vpush v8, $0x0;
	s1 =	sadd.s32 s1, s4  }
0x14f: {  	s5 =	sadd.s32 s5, s22;
	s4 =	sadd.s32 $0xFFFFFFB0, s25  }
0x150: {  	s6 =	sadd.s32 s11, s5;
	s7 =	sadd.s32 s12, s5;
	s4 =	sand.u32 $0x70, s4  }
0x151: {  	s8 =	sadd.s32 s23, s5;
	s6 =	sadd.s32 s4, s6;
	[tilespmem:s1+$0xED80] =	vst.msk vm3, v7  }
0x152: {  	v8 =	vld [tilespmem:s6+$0x0];
	s6 =	sadd.s32 s4, s7;
	s7 =	sadd.s32 s4, s8  }
0x153: {  	s5 =	sadd.s32 s19, s5;
	v9 =	vld [tilespmem:s6+$0x0]  }
0x154: {  	s4 =	sadd.s32 s4, s5;
	v10 =	vld [tilespmem:s7+$0x0]  }
0x155: {  	v11 =	vld [tilespmem:s4+$0x0];
	_ =	sdelay $0x1  }
0x156: {  	vm0 =	vge.f32 v8, v6  }
0x157: {  	vm1 =	vge.f32 v9, v5;
	v8 =	vmpcnt.ones.xlane vm0  }
0x158: {  	vm2 =	vge.f32 v10, v3;
	v9 =	vmpcnt.ones.xlane vm1  }
0x159: {  	s5 =	sadd.s32 $0x100, s24;
	s4 =	sadd.s32 $0xFFFFFFC0, s25;
	vm3 =	vge.f32 v11, v4;
	v10 =	vmpcnt.ones.xlane vm2;
	s6 =	spop (v2sf);
	(v2sf) =	vpush v8, $0x0  }
0x15a: {  	s4 =	sand.u32 $0x70, s4;
	v8 =	vadd.s32 $0x10, v7;
	s2 =	sadd.s32 s2, s6;
	v11 =	vmpcnt.ones.xlane vm3;
	s6 =	spop (v2sf);
	(v2sf) =	vpush v9, $0x0  }
0x15b: {  	s5 =	sand.u32 $0xFC00, s5;
	s3 =	sadd.s32 s3, s6;
	[tilespmem:s2+$0xC800] =	vst.msk vm0, v8;
	s6 =	spop (v2sf);
	(v2sf) =	vpush v10, $0x0  }
0x15c: {  	s5 =	sadd.s32 s5, s22;
	s0 =	sadd.s32 s0, s6;
	[tilespmem:s3+$0xD480] =	vst.msk vm1, v8;
	s6 =	spop (v2sf);
	(v2sf) =	vpush v11, $0x0  }
0x15d: {  	s7 =	sadd.s32 s12, s5;
	s1 =	sadd.s32 s1, s6;
	[tilespmem:s0+$0xE100] =	vst.msk vm2, v8;
	s6 =	sadd.s32 s11, s5  }
0x15e: {  	s8 =	sadd.s32 s23, s5;
	s5 =	sadd.s32 s19, s5;
	[tilespmem:s1+$0xED80] =	vst.msk vm3, v8;
	s6 =	sadd.s32 s4, s6  }
0x15f: {  	v8 =	vld [tilespmem:s6+$0x0];
	s6 =	sadd.s32 s4, s7  }
0x160: {  	v9 =	vld [tilespmem:s6+$0x0];
	s6 =	sadd.s32 s4, s8  }
0x161: {  	s4 =	sadd.s32 s4, s5;
	v10 =	vld [tilespmem:s6+$0x0]  }
0x162: {  	v11 =	vld [tilespmem:s4+$0x0];
	_ =	sdelay $0x1  }
0x163: {  	vm0 =	vge.f32 v8, v6  }
0x164: {  	vm1 =	vge.f32 v9, v5;
	v8 =	vmpcnt.ones.xlane vm0  }
0x165: {  	vm2 =	vge.f32 v10, v3;
	v9 =	vmpcnt.ones.xlane vm1  }
0x166: {  	vm3 =	vge.f32 v11, v4;
	v10 =	vmpcnt.ones.xlane vm2;
	(v2sf) =	vpush v8, $0x0  }
0x167: {  	s5 =	sadd.s32 $0x180, s24;
	s4 =	sadd.s32 $0xFFFFFFD0, s25;
	v8 =	vmpcnt.ones.xlane vm3;
	s6 =	spop (v2sf);
	(v2sf) =	vpush v9, $0x0  }
0x168: {  	s4 =	sand.u32 $0x70, s4;
	v9 =	vadd.s32 $0x20, v7;
	s2 =	sadd.s32 s2, s6;
	s6 =	spop (v2sf);
	(v2sf) =	vpush v10, $0x0  }
0x169: {  	s5 =	sand.u32 $0xFC00, s5;
	s3 =	sadd.s32 s3, s6;
	[tilespmem:s2+$0xC800] =	vst.msk vm0, v9;
	s6 =	spop (v2sf);
	(v2sf) =	vpush v8, $0x0  }
0x16a: {  	s5 =	sadd.s32 s5, s22;
	s0 =	sadd.s32 s0, s6;
	[tilespmem:s3+$0xD480] =	vst.msk vm1, v9;
	s6 =	spop (v2sf)  }
0x16b: {  	s7 =	sadd.s32 s12, s5;
	s1 =	sadd.s32 s1, s6;
	[tilespmem:s0+$0xE100] =	vst.msk vm2, v9;
	s6 =	sadd.s32 s11, s5  }
0x16c: {  	s8 =	sadd.s32 s23, s5;
	s5 =	sadd.s32 s19, s5;
	[tilespmem:s1+$0xED80] =	vst.msk vm3, v9;
	s6 =	sadd.s32 s4, s6  }
0x16d: {  	v8 =	vld [tilespmem:s6+$0x0];
	s6 =	sadd.s32 s4, s7  }
0x16e: {  	v9 =	vld [tilespmem:s6+$0x0];
	s6 =	sadd.s32 s4, s8  }
0x16f: {  	s4 =	sadd.s32 s4, s5;
	v10 =	vld [tilespmem:s6+$0x0]  }
0x170: {  	v11 =	vld [tilespmem:s4+$0x0];
	_ =	sdelay $0x1  }
0x171: {  	vm0 =	vge.f32 v8, v6  }
0x172: {  	vm1 =	vge.f32 v9, v5;
	v8 =	vmpcnt.ones.xlane vm0  }
0x173: {  	vm2 =	vge.f32 v10, v3;
	v9 =	vmpcnt.ones.xlane vm1  }
0x174: {  	s5 =	sadd.s32 $0x200, s24;
	s4 =	sadd.s32 $0xFFFFFFE0, s25;
	vm3 =	vge.f32 v11, v4;
	v10 =	vmpcnt.ones.xlane vm2;
	s6 =	spop (v2sf);
	(v2sf) =	vpush v8, $0x0  }
0x175: {  	s4 =	sand.u32 $0x70, s4;
	v8 =	vadd.s32 $0x30, v7;
	s2 =	sadd.s32 s2, s6;
	v11 =	vmpcnt.ones.xlane vm3;
	s6 =	spop (v2sf);
	(v2sf) =	vpush v9, $0x0  }
0x176: {  	s5 =	sand.u32 $0xFC00, s5;
	s3 =	sadd.s32 s3, s6;
	[tilespmem:s2+$0xC800] =	vst.msk vm0, v8;
	s6 =	spop (v2sf);
	(v2sf) =	vpush v10, $0x0  }
0x177: {  	s5 =	sadd.s32 s5, s22;
	s0 =	sadd.s32 s0, s6;
	[tilespmem:s3+$0xD480] =	vst.msk vm1, v8;
	s6 =	spop (v2sf);
	(v2sf) =	vpush v11, $0x0  }
0x178: {  	s7 =	sadd.s32 s12, s5;
	s1 =	sadd.s32 s1, s6;
	[tilespmem:s0+$0xE100] =	vst.msk vm2, v8;
	s6 =	sadd.s32 s11, s5  }
0x179: {  	s8 =	sadd.s32 s23, s5;
	s5 =	sadd.s32 s19, s5;
	[tilespmem:s1+$0xED80] =	vst.msk vm3, v8;
	s6 =	sadd.s32 s4, s6  }
0x17a: {  	v8 =	vld [tilespmem:s6+$0x0];
	s6 =	sadd.s32 s4, s7  }
0x17b: {  	v9 =	vld [tilespmem:s6+$0x0];
	s6 =	sadd.s32 s4, s8  }
0x17c: {  	s4 =	sadd.s32 s4, s5;
	v10 =	vld [tilespmem:s6+$0x0]  }
0x17d: {  	v11 =	vld [tilespmem:s4+$0x0];
	_ =	sdelay $0x1  }
0x17e: {  	vm0 =	vge.f32 v8, v6  }
0x17f: {  	vm1 =	vge.f32 v9, v5;
	v8 =	vmpcnt.ones.xlane vm0  }
0x180: {  	vm2 =	vge.f32 v10, v3;
	v9 =	vmpcnt.ones.xlane vm1  }
0x181: {  	vm3 =	vge.f32 v11, v4;
	v10 =	vmpcnt.ones.xlane vm2;
	(v2sf) =	vpush v8, $0x0  }
0x182: {  	s5 =	sadd.s32 $0x280, s24;
	s4 =	sadd.s32 $0xFFFFFFF0, s25;
	v8 =	vmpcnt.ones.xlane vm3;
	s6 =	spop (v2sf);
	(v2sf) =	vpush v9, $0x0  }
0x183: {  	s4 =	sand.u32 $0x70, s4;
	v9 =	vadd.s32 $0x40, v7;
	s2 =	sadd.s32 s2, s6;
	s6 =	spop (v2sf);
	(v2sf) =	vpush v10, $0x0  }
0x184: {  	s5 =	sand.u32 $0xFC00, s5;
	s3 =	sadd.s32 s3, s6;
	[tilespmem:s2+$0xC800] =	vst.msk vm0, v9;
	s6 =	spop (v2sf);
	(v2sf) =	vpush v8, $0x0  }
0x185: {  	s5 =	sadd.s32 s5, s22;
	s0 =	sadd.s32 s0, s6;
	[tilespmem:s3+$0xD480] =	vst.msk vm1, v9;
	s6 =	spop (v2sf)  }
0x186: {  	s7 =	sadd.s32 s12, s5;
	s1 =	sadd.s32 s1, s6;
	[tilespmem:s0+$0xE100] =	vst.msk vm2, v9;
	s6 =	sadd.s32 s11, s5  }
0x187: {  	s8 =	sadd.s32 s23, s5;
	s5 =	sadd.s32 s19, s5;
	[tilespmem:s1+$0xED80] =	vst.msk vm3, v9;
	s6 =	sadd.s32 s4, s6  }
0x188: {  	v8 =	vld [tilespmem:s6+$0x0];
	s6 =	sadd.s32 s4, s7  }
0x189: {  	v9 =	vld [tilespmem:s6+$0x0];
	s6 =	sadd.s32 s4, s8  }
0x18a: {  	s4 =	sadd.s32 s4, s5;
	v10 =	vld [tilespmem:s6+$0x0]  }
0x18b: {  	v11 =	vld [tilespmem:s4+$0x0];
	_ =	sdelay $0x1  }
0x18c: {  	vm0 =	vge.f32 v8, v6  }
0x18d: {  	vm1 =	vge.f32 v9, v5;
	v8 =	vmpcnt.ones.xlane vm0  }
0x18e: {  	s25 =	sadd.s32 $0x70, s25;
	vm2 =	vge.f32 v10, v3;
	v9 =	vmpcnt.ones.xlane vm1  }
0x18f: {  	s24 =	sadd.s32 $0x380, s24;
	s5 =	sand.u32 $0x70, s26;
	vm3 =	vge.f32 v11, v4;
	v10 =	vmpcnt.ones.xlane vm2;
	s4 =	spop (v2sf);
	(v2sf) =	vpush v8, $0x0  }
0x190: {  	v8 =	vadd.s32 $0x50, v7;
	s4 =	sadd.s32 s2, s4;
	v11 =	vmpcnt.ones.xlane vm3;
	s2 =	sadd.s32 $0x300, s28;
	s6 =	spop (v2sf);
	(v2sf) =	vpush v9, $0x0  }
0x191: {  	s9 =	sadd.s32 s3, s6;
	[tilespmem:s4+$0xC800] =	vst.msk vm0, v8;
	s2 =	sand.u32 $0xFC00, s2;
	s3 =	spop (v2sf);
	(v2sf) =	vpush v10, $0x0  }
0x192: {  	s0 =	sadd.s32 s0, s3;
	[tilespmem:s9+$0xD480] =	vst.msk vm1, v8;
	s2 =	sadd.s32 s2, s22;
	s3 =	spop (v2sf);
	(v2sf) =	vpush v11, $0x0  }
0x193: {  	s1 =	sadd.s32 s1, s3;
	[tilespmem:s0+$0xE100] =	vst.msk vm2, v8;
	s3 =	sadd.s32 s11, s2;
	s6 =	sadd.s32 s12, s2  }
0x194: {  	s7 =	sadd.s32 s23, s2;
	s2 =	sadd.s32 s19, s2;
	[tilespmem:s1+$0xED80] =	vst.msk vm3, v8;
	s3 =	sadd.s32 s5, s3  }
0x195: {  	s8 =	sand.u32 $0x7C00, s24;
	s6 =	sadd.s32 s5, s6;
	s10 =	sadd.s32 s5, s2;
	v8 =	vld [tilespmem:s3+$0x0]  }
0x196: {  	s2 =	sadd.s32 $0xFFFFFFA0, s25;
	s5 =	sadd.s32 s5, s7;
	s3 =	sadd.s32 s8, s22;
	v9 =	vld [tilespmem:s6+$0x0]  }
0x197: {  	s2 =	sand.u32 $0x70, s2;
	s6 =	sadd.s32 s11, s3;
	s8 =	sadd.s32 s12, s3;
	v10 =	vld [tilespmem:s5+$0x0]  }
0x198: {  	s7 =	sadd.s32 s2, s6;
	s8 =	sadd.s32 s2, s8;
	s6 =	sadd.s32 s19, s3;
	v11 =	vld [tilespmem:s10+$0x0]  }
0x199: {  	s26 =	smov.u32 s25;
	s28 =	smov.u32 s24  }
0x19a: {  	vm3 =	vge.f32 v8, v6  }
0x19b: {  	vm0 =	vge.f32 v9, v5;
	v8 =	vmpcnt.ones.xlane vm3  }
.Ltmp7:
0x19c: {  	vm1 =	vge.f32 v10, v3;
	v9 =	vmpcnt.ones.xlane vm0;
	(pc) =	sbr.rel @p1 .LBB2_7-.Ltmp7, $4  }
0x19d: {  	vm2 =	vge.f32 v11, v4;
	v10 =	vmpcnt.ones.xlane vm1;
	(v2sf) =	vpush v8, $0x0  }
0x19e: {  	v8 =	vadd.s32 $0x60, v7;
	v11 =	vmpcnt.ones.xlane vm2;
	s5 =	spop (v2sf);
	(v2sf) =	vpush v9, $0x0  }
0x19f: {  	s5 =	sadd.s32 s4, s5;
	s4 =	spop (v2sf);
	(v2sf) =	vpush v10, $0x0  }
0x1a0: {  	s4 =	sadd.s32 s9, s4;
	[tilespmem:s5+$0xC800] =	vst.msk vm3, v8;
	s9 =	spop (v2sf);
	(v2sf) =	vpush v11, $0x0  }
0x1a1: {  	s0 =	sadd.s32 s0, s9;
	[tilespmem:s4+$0xD480] =	vst.msk vm0, v8;
	s31 =	spop (v2sf)  }
0x1a2: {  	s1 =	sadd.s32 s1, s31;
	[tilespmem:s0+$0xE100] =	vst.msk vm1, v8  }
0x1a3: {  	[tilespmem:s1+$0xED80] =	vst.msk vm2, v8  }
0x1a4: {  	s3 =	sadd.s32 s23, s3;
	v8 =	vld [tilespmem:s7+$0x0]  }
0x1a5: {  	s3 =	sadd.s32 s2, s3;
	v9 =	vld [tilespmem:s8+$0x0]  }
0x1a6: {  	v10 =	vld [tilespmem:s3+$0x0];
	s7 =	sadd.s32 s2, s6  }
0x1a7: {  	v11 =	vld [tilespmem:s7+$0x0];
	_ =	sdelay $0x1  }
0x1a8: {  	vm11 =	vge.f32 v8, v6  }
0x1a9: {  	vm12 =	vge.f32 v9, v5;
	v8 =	vmpcnt.ones.xlane vm11  }
0x1aa: {  	vm13 =	vge.f32 v10, v3;
	v9 =	vmpcnt.ones.xlane vm12  }
0x1ab: {  	vm3 =	vge.f32 v11, v4;
	v10 =	vmpcnt.ones.xlane vm13;
	(v2sf) =	vpush v8, $0x0  }
0x1ac: {  	v28 =	vmpcnt.ones.xlane vm3;
	(v2sf) =	vpush v9, $0x0  }
0x1ad: {  	(v2sf) =	vpush v10, $0x0  }
0x1ae: {  	(v2sf) =	vpush v28, $0x0;
	_ =	sdelay $0x1  }
0x1af: {  	s13 =	sadd.s32 $0x80, s24;
	s8 =	spop (v2sf)  }
0x1b0: {  	v7 =	vadd.s32 $0x70, v7;
	s16 =	sadd.s32 $0xFFFFFFB0, s25;
	s9 =	spop (v2sf);
	s2 =	sadd.s32 s5, s8  }
0x1b1: {  	s14 =	sand.u32 $0xFC00, s13;
	s10 =	spop (v2sf);
	[tilespmem:s2+$0xC800] =	vst.msk vm11, v7;
	s3 =	sadd.s32 s4, s9  }
0x1b2: {  	s4 =	sadd.s32 s14, s22;
	s0 =	sadd.s32 s0, s10;
	[tilespmem:s3+$0xD480] =	vst.msk vm12, v7;
	s15 =	spop (v2sf)  }
0x1b3: {  	s17 =	sand.u32 $0x70, s16;
	s18 =	sadd.s32 s11, s4;
	[tilespmem:s0+$0xE100] =	vst.msk vm13, v7;
	s1 =	sadd.s32 s1, s15  }
0x1b4: {  	s20 =	sadd.s32 s12, s4;
	s6 =	sadd.s32 s17, s18;
	[tilespmem:s1+$0xED80] =	vst.msk vm3, v7  }
0x1b5: {  	s21 =	sadd.s32 s23, s4;
	s29 =	sadd.s32 s17, s20;
	v29 =	vld [tilespmem:s6+$0x0]  }
0x1b6: {  	s4 =	sadd.s32 s19, s4;
	s30 =	sadd.s32 s17, s21;
	v30 =	vld [tilespmem:s29+$0x0]  }
0x1b7: {  	s4 =	sadd.s32 s17, s4;
	v31 =	vld [tilespmem:s30+$0x0]  }
0x1b8: {  	v32 =	vld [tilespmem:s4+$0x0]  }
0x1b9: {  	s31 =	sadd.s32 $0xFFFFFFC0, s25;
	s7 =	spop (v2sf)  }
0x1ba: {  	v33 =	vadd.s32 $0x10, v7;
	s8 =	sadd.s32 $0x100, s24;
	vm14 =	vge.f32 v29, v6;
	s2 =	sadd.s32 s2, s7;
	s9 =	spop (v2sf)  }
0x1bb: {  	s10 =	sand.u32 $0xFC00, s8;
	vm15 =	vge.f32 v30, v5;
	v34 =	vmpcnt.ones.xlane vm14;
	s3 =	sadd.s32 s3, s9;
	[tilespmem:s2+$0xC800] =	vst.msk vm14, v33;
	s13 =	spop (v2sf)  }
0x1bc: {  	s5 =	sadd.s32 s10, s22;
	vm4 =	vge.f32 v31, v3;
	v35 =	vmpcnt.ones.xlane vm15;
	s0 =	sadd.s32 s0, s13;
	[tilespmem:s3+$0xD480] =	vst.msk vm15, v33;
	s14 =	spop (v2sf)  }
0x1bd: {  	s15 =	sadd.s32 s11, s5;
	s4 =	sand.u32 $0x70, s31;
	vm5 =	vge.f32 v32, v4;
	v36 =	vmpcnt.ones.xlane vm4;
	(v2sf) =	vpush v34, $0x0;
	s1 =	sadd.s32 s1, s14;
	[tilespmem:s0+$0xE100] =	vst.msk vm4, v33  }
0x1be: {  	s16 =	sadd.s32 s12, s5;
	s6 =	sadd.s32 s4, s15;
	v37 =	vmpcnt.ones.xlane vm5;
	(v2sf) =	vpush v35, $0x0;
	[tilespmem:s1+$0xED80] =	vst.msk vm5, v33  }
0x1bf: {  	s17 =	sadd.s32 s23, s5;
	s18 =	sadd.s32 s4, s16;
	(v2sf) =	vpush v36, $0x0;
	v8 =	vld [tilespmem:s6+$0x0]  }
0x1c0: {  	s5 =	sadd.s32 s19, s5;
	s20 =	sadd.s32 s4, s17;
	(v2sf) =	vpush v37, $0x0;
	v38 =	vld [tilespmem:s18+$0x0]  }
0x1c1: {  	s4 =	sadd.s32 s4, s5;
	v39 =	vld [tilespmem:s20+$0x0]  }
0x1c2: {  	v40 =	vld [tilespmem:s4+$0x0];
	_ =	sdelay $0x1  }
0x1c3: {  	vm6 =	vge.f32 v8, v6  }
0x1c4: {  	vm7 =	vge.f32 v38, v5;
	v8 =	vmpcnt.ones.xlane vm6  }
0x1c5: {  	vm8 =	vge.f32 v39, v3;
	v9 =	vmpcnt.ones.xlane vm7  }
0x1c6: {  	vm9 =	vge.f32 v40, v4;
	v10 =	vmpcnt.ones.xlane vm8;
	(v2sf) =	vpush v8, $0x0  }
0x1c7: {  	v41 =	vmpcnt.ones.xlane vm9;
	(v2sf) =	vpush v9, $0x0  }
0x1c8: {  	(v2sf) =	vpush v10, $0x0  }
0x1c9: {  	(v2sf) =	vpush v41, $0x0;
	_ =	sdelay $0x1  }
0x1ca: {  	s21 =	sadd.s32 $0xFFFFFFD0, s25;
	s29 =	spop (v2sf)  }
0x1cb: {  	v42 =	vadd.s32 $0x20, v7;
	s30 =	sadd.s32 $0x180, s24;
	s2 =	sadd.s32 s2, s29;
	s31 =	spop (v2sf)  }
0x1cc: {  	s7 =	sand.u32 $0xFC00, s30;
	s3 =	sadd.s32 s3, s31;
	[tilespmem:s2+$0xC800] =	vst.msk vm6, v42;
	s8 =	spop (v2sf)  }
0x1cd: {  	s5 =	sadd.s32 s7, s22;
	s0 =	sadd.s32 s0, s8;
	[tilespmem:s3+$0xD480] =	vst.msk vm7, v42;
	s9 =	spop (v2sf)  }
0x1ce: {  	s10 =	sadd.s32 s11, s5;
	s4 =	sand.u32 $0x70, s21;
	s1 =	sadd.s32 s1, s9;
	[tilespmem:s0+$0xE100] =	vst.msk vm8, v42  }
0x1cf: {  	s13 =	sadd.s32 s12, s5;
	s6 =	sadd.s32 s4, s10;
	[tilespmem:s1+$0xED80] =	vst.msk vm9, v42  }
0x1d0: {  	s14 =	sadd.s32 s23, s5;
	s15 =	sadd.s32 s4, s13;
	v8 =	vld [tilespmem:s6+$0x0]  }
0x1d1: {  	s5 =	sadd.s32 s19, s5;
	s16 =	sadd.s32 s4, s14;
	v43 =	vld [tilespmem:s15+$0x0]  }
0x1d2: {  	s4 =	sadd.s32 s4, s5;
	v44 =	vld [tilespmem:s16+$0x0]  }
0x1d3: {  	v45 =	vld [tilespmem:s4+$0x0]  }
0x1d4: {  	s17 =	sadd.s32 $0xFFFFFFE0, s25;
	s18 =	spop (v2sf)  }
0x1d5: {  	v46 =	vadd.s32 $0x30, v7;
	s20 =	sadd.s32 $0x200, s24;
	vm10 =	vge.f32 v8, v6;
	s2 =	sadd.s32 s2, s18;
	s21 =	spop (v2sf)  }
0x1d6: {  	s29 =	sand.u32 $0xFC00, s20;
	vm11 =	vge.f32 v43, v5;
	v47 =	vmpcnt.ones.xlane vm10;
	s3 =	sadd.s32 s3, s21;
	[tilespmem:s2+$0xC800] =	vst.msk vm10, v46;
	s30 =	spop (v2sf)  }
0x1d7: {  	s5 =	sadd.s32 s29, s22;
	vm12 =	vge.f32 v44, v3;
	v48 =	vmpcnt.ones.xlane vm11;
	s0 =	sadd.s32 s0, s30;
	[tilespmem:s3+$0xD480] =	vst.msk vm11, v46;
	s31 =	spop (v2sf)  }
0x1d8: {  	s7 =	sadd.s32 s11, s5;
	s4 =	sand.u32 $0x70, s17;
	vm13 =	vge.f32 v45, v4;
	v49 =	vmpcnt.ones.xlane vm12;
	(v2sf) =	vpush v47, $0x0;
	s1 =	sadd.s32 s1, s31;
	[tilespmem:s0+$0xE100] =	vst.msk vm12, v46  }
0x1d9: {  	s8 =	sadd.s32 s12, s5;
	s6 =	sadd.s32 s4, s7;
	v50 =	vmpcnt.ones.xlane vm13;
	(v2sf) =	vpush v48, $0x0;
	[tilespmem:s1+$0xED80] =	vst.msk vm13, v46  }
0x1da: {  	s9 =	sadd.s32 s23, s5;
	s10 =	sadd.s32 s4, s8;
	(v2sf) =	vpush v49, $0x0;
	v8 =	vld [tilespmem:s6+$0x0]  }
0x1db: {  	s5 =	sadd.s32 s19, s5;
	s13 =	sadd.s32 s4, s9;
	(v2sf) =	vpush v50, $0x0;
	v51 =	vld [tilespmem:s10+$0x0]  }
0x1dc: {  	s4 =	sadd.s32 s4, s5;
	v52 =	vld [tilespmem:s13+$0x0]  }
0x1dd: {  	v53 =	vld [tilespmem:s4+$0x0];
	_ =	sdelay $0x1  }
0x1de: {  	vm14 =	vge.f32 v8, v6  }
0x1df: {  	vm15 =	vge.f32 v51, v5;
	v8 =	vmpcnt.ones.xlane vm14  }
0x1e0: {  	vm6 =	vge.f32 v52, v3;
	v9 =	vmpcnt.ones.xlane vm15  }
0x1e1: {  	vm7 =	vge.f32 v53, v4;
	v10 =	vmpcnt.ones.xlane vm6;
	(v2sf) =	vpush v8, $0x0  }
0x1e2: {  	v54 =	vmpcnt.ones.xlane vm7;
	(v2sf) =	vpush v9, $0x0  }
0x1e3: {  	(v2sf) =	vpush v10, $0x0  }
0x1e4: {  	(v2sf) =	vpush v54, $0x0;
	_ =	sdelay $0x1  }
0x1e5: {  	s14 =	sadd.s32 $0xFFFFFFF0, s25;
	s15 =	spop (v2sf)  }
0x1e6: {  	v55 =	vadd.s32 $0x40, v7;
	s16 =	sadd.s32 $0x280, s24;
	s2 =	sadd.s32 s2, s15;
	s17 =	spop (v2sf)  }
0x1e7: {  	s18 =	sand.u32 $0xFC00, s16;
	s3 =	sadd.s32 s3, s17;
	[tilespmem:s2+$0xC800] =	vst.msk vm14, v55;
	s20 =	spop (v2sf)  }
0x1e8: {  	s5 =	sadd.s32 s18, s22;
	s0 =	sadd.s32 s0, s20;
	[tilespmem:s3+$0xD480] =	vst.msk vm15, v55;
	s21 =	spop (v2sf)  }
0x1e9: {  	s24 =	sadd.s32 s11, s5;
	s4 =	sand.u32 $0x70, s14;
	s1 =	sadd.s32 s1, s21;
	[tilespmem:s0+$0xE100] =	vst.msk vm6, v55  }
0x1ea: {  	s25 =	sadd.s32 s12, s5;
	s6 =	sadd.s32 s4, s24;
	[tilespmem:s1+$0xED80] =	vst.msk vm7, v55  }
0x1eb: {  	s29 =	sadd.s32 s23, s5;
	s30 =	sadd.s32 s4, s25;
	v8 =	vld [tilespmem:s6+$0x0]  }
0x1ec: {  	s5 =	sadd.s32 s19, s5;
	s31 =	sadd.s32 s4, s29;
	v56 =	vld [tilespmem:s30+$0x0]  }
0x1ed: {  	s4 =	sadd.s32 s4, s5;
	v57 =	vld [tilespmem:s31+$0x0]  }
0x1ee: {  	v58 =	vld [tilespmem:s4+$0x0]  }
0x1ef: {  	s7 =	spop (v2sf)  }
0x1f0: {  	v59 =	vadd.s32 $0x50, v7;
	s8 =	sadd.s32 $0x300, s28;
	vm8 =	vge.f32 v8, v6;
	s2 =	sadd.s32 s2, s7;
	s9 =	spop (v2sf)  }
0x1f1: {  	s4 =	sand.u32 $0xFC00, s8;
	vm9 =	vge.f32 v56, v5;
	s3 =	sadd.s32 s3, s9;
	[tilespmem:s2+$0xC800] =	vst.msk vm8, v59;
	s10 =	spop (v2sf)  }
0x1f2: {  	s4 =	sadd.s32 s4, s22;
	vm10 =	vge.f32 v57, v3;
	s0 =	sadd.s32 s0, s10;
	[tilespmem:s3+$0xD480] =	vst.msk vm9, v59;
	s13 =	spop (v2sf)  }
0x1f3: {  	s14 =	sand.u32 $0x70, s26;
	s15 =	sadd.s32 s11, s4;
	vm11 =	vge.f32 v58, v4;
	s1 =	sadd.s32 s1, s13;
	[tilespmem:s0+$0xE100] =	vst.msk vm10, v59  }
0x1f4: {  	s16 =	sadd.s32 s12, s4;
	s5 =	sadd.s32 s14, s15;
	[tilespmem:s1+$0xED80] =	vst.msk vm11, v59  }
0x1f5: {  	s18 =	sadd.s32 s14, s16;
	v8 =	vld [tilespmem:s5+$0x0]  }
0x1f6: {  	s17 =	sadd.s32 s23, s4;
	v60 =	vld [tilespmem:s18+$0x0]  }
0x1f7: {  	s20 =	sadd.s32 s14, s17;
	v61 =	vmpcnt.ones.xlane vm8  }
0x1f8: {  	v12 =	vmpcnt.ones.xlane vm9;
	v62 =	vld [tilespmem:s20+$0x0]  }
0x1f9: {  	v63 =	vmpcnt.ones.xlane vm10;
	(v2sf) =	vpush v61, $0x0  }
0x1fa: {  	s4 =	sadd.s32 s19, s4;
	(v2sf) =	vpush v12, $0x0;
	vm12 =	vge.f32 v8, v6;
	v6 =	vmpcnt.ones.xlane vm11  }
0x1fb: {  	s4 =	sadd.s32 s14, s4;
	(v2sf) =	vpush v63, $0x0;
	vm13 =	vge.f32 v60, v5;
	v5 =	vmpcnt.ones.xlane vm12  }
0x1fc: {  	v13 =	vld [tilespmem:s4+$0x0];
	(v2sf) =	vpush v6, $0x0  }
0x1fd: {  	vm14 =	vge.f32 v62, v3;
	v3 =	vmpcnt.ones.xlane vm13;
	(v2sf) =	vpush v5, $0x0;
	_ =	sdelay $0x1  }
0x1fe: {  	(v2sf) =	vpush v3, $0x0;
	_ =	sdelay $0x1  }
0x1ff: {  	vm15 =	vge.f32 v13, v4;
	v4 =	vmpcnt.ones.xlane vm14  }
0x200: {  	v5 =	vmpcnt.ones.xlane vm15  }
0x201: {  	(v2sf) =	vpush v4, $0x0  }
0x202: {  	(v2sf) =	vpush v5, $0x0;
	_ =	sdelay $0x3  }
0x203: {  	s21 =	spop (v2sf)  }
0x204: {  	s23 =	spop (v2sf)  }
0x205: {  	s24 =	spop (v2sf)  }
0x206: {  	s25 =	spop (v2sf)  }
0x207: {  	v3 =	vadd.s32 $0x60, v7;
	s2 =	sadd.s32 s2, s21;
	s26 =	spop (v2sf)  }
0x208: {  	s3 =	sadd.s32 s3, s23;
	[tilespmem:s2+$0xC800] =	vst.msk vm12, v3;
	s2 =	sadd.s32 s2, s26  }
0x209: {  	s0 =	sadd.s32 s0, s24;
	s28 =	spop (v2sf);
	s30 =	sadd.s32 $0xF, s2  }
0x20a: {  	[tilespmem:s3+$0xD480] =	vst.msk vm13, v3;
	s4 =	sadd.s32 s1, s25;
	s1 =	sadd.s32 s3, s28;
	s3 =	sshra.s32 s30, $0x4  }
0x20b: {  	[tilespmem:s0+$0xE100] =	vst.msk vm14, v3;
	p1 =	slt.s32 s3, $0x1  }
.Ltmp8:
0x20c: {  	[tilespmem:s4+$0xED80] =	vst.msk vm15, v3;
	v3 =	vimm.s32 $0x0;
	(pc) =	sbr.rel @p1 .LBB2_18-.Ltmp8, $4  }
0x20d: {  	s29 =	spop (v2sf);
	[tilespmem:s2+$0xC800] =	vst v3  }
0x20e: {  	s0 =	sadd.s32 s0, s29;
	s31 =	spop (v2sf);
	[tilespmem:s1+$0xD480] =	vst v3  }
0x20f: {  	s21 =	sadd.s32 s4, s31;
	[tilespmem:s0+$0xE100] =	vst v3  }
0x210: {  	s6 =	simm.s32 $0x0;
	v4 =	vimm.s32 $0x0;
	[tilespmem:s21+$0xED80] =	vst v3  }
0x211: {  	s4 =	rddreg [dreg:$0x1c];
	p3 =	sne.s32 s3, $0x1  }
.Ltmp9:
0x212: {  	v4 =	vmov s4;
	(pc) =	sbr.rel @!p3 .LBB2_10-.Ltmp9, $4  }
0x213: {  	v5 =	vshrl.u32 v4, $0x3  }
0x214: {  	v4 =	vshll.u32 v4, $0x7;
	v5 =	vmul.u32 $0x6400, v5  }
0x215: {  	v6 =	vmov s2;
	s31 =	simm.s32 $0xC800;
	s2 =	simm.s32 $0x0;
	v4 =	vand.u32 $0x200, v4  }
0x216: {  	s3 =	sadd.s32 $0xFFFFFFFF, s3;
	p1 =	por $0x0, $0x0;
	p2 =	por $0x0, $0x0;
	v10 =	vld [tilespmem:s31+$0x0];
	v7 =	vor.u32 v4, v5;
	v5 =	vimm.f32 $-Inf;
	v4 =	vimm.s32 $0x0  }
0x217: {  	_ =	sdelay $0x3  }
0x218: {  	v8 =	vshll.u32 v10, $0x3  }
0x219: {  	v8 =	vand.u32 $0xFFFFFC00, v8  }
0x21a: {  	v9 =	vand.u32 $0x7F, v10;
	v8 =	vadd.s32 v7, v8  }
0x21b: {  	v8 =	vor.u32 v9, v8;
	_ =	sdelay $0x3  }
0x21c: {  	p3 =	sne.s32 s3, $0x1  }
.Ltmp10:
0x21d: {  	s4 =	simm.s32 $0xC810;
	v9 =	vld.idx.msk [tilespmem:v8+s6+$0x0], $0xffff;
	(pc) =	sbr.rel @!p3 .LBB2_12-.Ltmp10, $3  }
0x21e: {  	v8 =	vld [tilespmem:s4+$0x0];
	_ =	sdelay $0x1  }
0x21f: {  	v11 =	vor.u32 s2, v0  }
0x220: {  	s5 =	sadd.s32 $0xFFFFFFFF, s3;
	p1 =	por $0x1, $0x1;
	vm0 =	vlt.s32 v11, v6  }
0x221: {  	v9 =	vnsel vm0, $0xFF800000, v9  }
0x222: {  	(xrf1) =	vsort.dscd.msk.f32 $0xffff, v9, v10;
	_ =	sdelay $0x1  }
0x223: {  	v9 =	vshll.u32 v8, $0x3  }
0x224: {  	v9 =	vand.u32 $0xFFFFFC00, v9  }
0x225: {  	v10 =	vand.u32 $0x7F, v8;
	v9 =	vadd.s32 v7, v9  }
0x226: {  	v9 =	vor.u32 v10, v9;
	_ =	sdelay $0x3  }
0x227: {  	p3 =	sne.s32 s5, $0x1  }
.Ltmp11:
0x228: {  	v9 =	vld.idx.msk [tilespmem:v9+s6+$0x0], $0xffff;
	(pc) =	sbr.rel @!p3 .LBB2_14-.Ltmp11, $4  }
0x229: {  	_ = 	snop  }
0x22a: {  	s3 =	simm.s32 $0x10;
	s4 =	simm.s32 $0xC820  }
0x22b: {  	v14 =	vld [tilespmem:s4+$0x0];
	v10 =	vor.u32 s3, v0  }
0x22c: {  	s5 =	sadd.s32 $0xFFFFFFFF, s5;
	p2 =	por $0x1, $0x1;
	v13 =	vimm.f32 $-Inf;
	v15 =	vimm.s32 $0x0;
	vm0 =	vlt.s32 v10, v6;
	v11, v12, _ =	vpop (xrf1)  }
.LBB2_15:
0x22d: {  	p3 =	sne.s32 s5, $0x1;
	v9 =	vnsel vm0, $0xFF800000, v9;
	vm0 =	vge.f32 v13, v11  }
0x22e: {  	(xrf1) =	vsort.dscd.msk.f32 $0xffff, v9, v8;
	v10 =	vsel vm0, v13, v11;
	v9 =	vsel vm0, v15, v12  }
0x22f: {  	(xrf1) =	vsort.ascd.msk.f32 $0xffff, v10, v9  }
0x230: {  	v9 =	vshll.u32 v14, $0x3;
	v8 =	vmov v14  }
0x231: {  	v9 =	vand.u32 $0xFFFFFC00, v9  }
0x232: {  	v10 =	vand.u32 $0x7F, v8;
	v9 =	vadd.s32 v7, v9  }
0x233: {  	v9 =	vor.u32 v10, v9;
	_ =	sdelay $0x4  }
0x234: {  	v9 =	vld.idx.msk [tilespmem:v9+s6+$0x0], $0xffff  }
.Ltmp12:
0x235: {  	(pc) =	sbr.rel @p3 .LBB2_15-.Ltmp12, $4  }
0x236: {  	_ = 	snop  }
0x237: {  	s4 =	sadd.s32 $0x10, s4;
	s3 =	sadd.s32 $0x10, s3  }
0x238: {  	v10 =	vor.u32 s3, v0;
	v14 =	vld [tilespmem:s4+$0x0];
	v11, v12, _ =	vpop (xrf1)  }
0x239: {  	s5 =	sadd.s32 $0xFFFFFFFF, s5;
	vm0 =	vlt.s32 v10, v6;
	v13, v15, _ =	vpop (xrf1)  }
0x23a: {  	_ =	sdelay $0x2  }
0x23b: {  	v10 =	vmov v8;
	v8 =	vmov v14  }
.LBB2_17:
0x23c: {  	v9 =	vnsel @p1 vm0, $0xFF800000, v9;
	vm0 =	vge.f32 @p2 v13, v11  }
0x23d: {  	(xrf1) =	vsort.dscd.msk.f32 @p1 $0xffff, v9, v10;
	v9 =	vsel @p2 vm0, v13, v11;
	v10 =	vsel @p2 vm0, v15, v12  }
0x23e: {  	(xrf1) =	vsort.ascd.msk.f32 @p2 $0xffff, v9, v10;
	_ =	sdelay $0x1  }
0x23f: {  	v61 =	vshll.u32 v8, $0x3  }
0x240: {  	v9 =	vand.u32 $0xFFFFFC00, v61  }
0x241: {  	v62 =	vand.u32 $0x7F, v8;
	v7 =	vadd.s32 v7, v9  }
0x242: {  	v7 =	vor.u32 v62, v7;
	_ =	sdelay $0x4  }
0x243: {  	v7 =	vld.idx.msk [tilespmem:v7+s6+$0x0], $0xffff  }
0x244: {  	s3 =	sadd.s32 @p1 $0x10, s3  }
0x245: {  	s2 =	smov.u32 @p1 s3  }
0x246: {  	v63 =	vor.u32 s2, v0;
	v10, v11, _ =	vpop @p1 (xrf1)  }
0x247: {  	vm14 =	vlt.s32 v63, v6;
	v6, v9, _ =	vpop @p2 (xrf1)  }
0x248: {  	v7 =	vnsel vm14, $0xFF800000, v7;
	v10 =	vpsel p1, v10, v0;
	v6 =	vpsel p2, v6, v5  }
0x249: {  	v11 =	vpsel p1, v11, v0;
	v9 =	vpsel p2, v9, v4;
	vm0 =	vge.f32 @p1 v6, v10  }
0x24a: {  	(xrf1) =	vsort.dscd.msk.f32 $0xffff, v7, v8;
	v6 =	vsel @p1 vm0, v6, v10;
	v7 =	vsel @p1 vm0, v9, v11  }
0x24b: {  	(xrf1) =	vsort.ascd.msk.f32 @p1 $0xffff, v6, v7;
	_ =	sdelay $0xc  }
0x24c: {  	v6, v7, _ =	vpop (xrf1)  }
0x24d: {  	v8, v9, _ =	vpop @p1 (xrf1)  }
0x24e: {  	v5 =	vpsel p1, v8, v5  }
0x24f: {  	v4 =	vpsel p1, v9, v4;
	vm15 =	vge.f32 v5, v6  }
0x250: {  	v5 =	vsel vm15, v5, v6;
	v4 =	vsel vm15, v4, v7  }
0x251: {  	(xrf1) =	vsort.ascd.msk.f32 $0xffff, v5, v4;
	_ =	sdelay $0xd  }
0x252: {  	v5, v4, _ =	vpop (xrf1)  }
.LBB2_18:
0x253: {  	s2 =	sadd.s32 $0xF, s1  }
0x254: {  	s2 =	sshra.s32 s2, $0x4  }
0x255: {  	p1 =	slt.s32 s2, $0x1  }
.Ltmp13:
0x256: {  	_ = 	snop;
	(pc) =	sbr.rel @p1 .LBB2_28-.Ltmp13, $4  }
0x257: {  	_ = 	snop  }
0x258: {  	v4 =	vperm.xlane v4, v1  }
0x259: {  	s3 =	sand.u32 $0x3FFFFE00, s11;
	s4 =	rddreg [dreg:$0x18]  }
0x25a: {  	s19 =	sadd.s32 s3, s4;
	[tilespmem:v2+s3+$0x0 ss:$0x1] =	vst.idx.msk $0xffff, v4  }
0x25b: {  	s3 =	rddreg [dreg:$0x1b];
	p3 =	sne.s32 s2, $0x1  }
.Ltmp14:
0x25c: {  	v3 =	vmov s3;
	(pc) =	sbr.rel @!p3 .LBB2_20-.Ltmp14, $4  }
0x25d: {  	v4 =	vshrl.u32 v3, $0x3  }
0x25e: {  	v3 =	vshll.u32 v3, $0x7;
	v4 =	vmul.u32 $0x6400, v4  }
0x25f: {  	v5 =	vmov s1;
	s31 =	simm.s32 $0xD480;
	s1 =	simm.s32 $0x0;
	v3 =	vand.u32 $0x280, v3  }
0x260: {  	s2 =	sadd.s32 $0xFFFFFFFF, s2;
	p1 =	por $0x0, $0x0;
	p2 =	por $0x0, $0x0;
	v9 =	vld [tilespmem:s31+$0x0];
	v6 =	vor.u32 v3, v4;
	v4 =	vimm.f32 $-Inf;
	v3 =	vimm.s32 $0x0  }
0x261: {  	_ =	sdelay $0x3  }
0x262: {  	v7 =	vshll.u32 v9, $0x3  }
0x263: {  	v7 =	vand.u32 $0xFFFFFC00, v7  }
0x264: {  	v8 =	vand.u32 $0x7F, v9;
	v7 =	vadd.s32 v6, v7  }
0x265: {  	v7 =	vor.u32 v8, v7;
	_ =	sdelay $0x3  }
0x266: {  	p3 =	sne.s32 s2, $0x1  }
.Ltmp15:
0x267: {  	s3 =	simm.s32 $0xD490;
	v8 =	vld.idx.msk [tilespmem:v7+s6+$0x0], $0xffff;
	(pc) =	sbr.rel @!p3 .LBB2_22-.Ltmp15, $3  }
0x268: {  	v7 =	vld [tilespmem:s3+$0x0];
	_ =	sdelay $0x1  }
0x269: {  	v10 =	vor.u32 s1, v0  }
0x26a: {  	s4 =	sadd.s32 $0xFFFFFFFF, s2;
	p1 =	por $0x1, $0x1;
	vm0 =	vlt.s32 v10, v5  }
0x26b: {  	v8 =	vnsel vm0, $0xFF800000, v8  }
0x26c: {  	(xrf1) =	vsort.dscd.msk.f32 $0xffff, v8, v9;
	_ =	sdelay $0x1  }
0x26d: {  	v8 =	vshll.u32 v7, $0x3  }
0x26e: {  	v8 =	vand.u32 $0xFFFFFC00, v8  }
0x26f: {  	v9 =	vand.u32 $0x7F, v7;
	v8 =	vadd.s32 v6, v8  }
0x270: {  	v8 =	vor.u32 v9, v8;
	_ =	sdelay $0x3  }
0x271: {  	p3 =	sne.s32 s4, $0x1  }
.Ltmp16:
0x272: {  	v8 =	vld.idx.msk [tilespmem:v8+s6+$0x0], $0xffff;
	(pc) =	sbr.rel @!p3 .LBB2_24-.Ltmp16, $4  }
0x273: {  	_ = 	snop  }
0x274: {  	s2 =	simm.s32 $0x10;
	s3 =	simm.s32 $0xD4A0  }
0x275: {  	v13 =	vld [tilespmem:s3+$0x0];
	v9 =	vor.u32 s2, v0  }
0x276: {  	s4 =	sadd.s32 $0xFFFFFFFF, s4;
	p2 =	por $0x1, $0x1;
	v12 =	vimm.f32 $-Inf;
	v14 =	vimm.s32 $0x0;
	vm0 =	vlt.s32 v9, v5;
	v10, v11, _ =	vpop (xrf1)  }
.LBB2_25:
0x277: {  	p3 =	sne.s32 s4, $0x1;
	v8 =	vnsel vm0, $0xFF800000, v8;
	vm0 =	vge.f32 v12, v10  }
0x278: {  	(xrf1) =	vsort.dscd.msk.f32 $0xffff, v8, v7;
	v9 =	vsel vm0, v12, v10;
	v8 =	vsel vm0, v14, v11  }
0x279: {  	(xrf1) =	vsort.ascd.msk.f32 $0xffff, v9, v8  }
0x27a: {  	v8 =	vshll.u32 v13, $0x3;
	v7 =	vmov v13  }
0x27b: {  	v8 =	vand.u32 $0xFFFFFC00, v8  }
0x27c: {  	v9 =	vand.u32 $0x7F, v7;
	v8 =	vadd.s32 v6, v8  }
0x27d: {  	v8 =	vor.u32 v9, v8;
	_ =	sdelay $0x4  }
0x27e: {  	v8 =	vld.idx.msk [tilespmem:v8+s6+$0x0], $0xffff  }
.Ltmp17:
0x27f: {  	(pc) =	sbr.rel @p3 .LBB2_25-.Ltmp17, $4  }
0x280: {  	_ = 	snop  }
0x281: {  	s3 =	sadd.s32 $0x10, s3;
	s2 =	sadd.s32 $0x10, s2  }
0x282: {  	v9 =	vor.u32 s2, v0;
	v13 =	vld [tilespmem:s3+$0x0];
	v10, v11, _ =	vpop (xrf1)  }
0x283: {  	s4 =	sadd.s32 $0xFFFFFFFF, s4;
	vm0 =	vlt.s32 v9, v5;
	v12, v14, _ =	vpop (xrf1)  }
0x284: {  	_ =	sdelay $0x2  }
0x285: {  	v9 =	vmov v7;
	v7 =	vmov v13  }
.LBB2_27:
0x286: {  	v8 =	vnsel @p1 vm0, $0xFF800000, v8;
	vm0 =	vge.f32 @p2 v12, v10  }
0x287: {  	(xrf1) =	vsort.dscd.msk.f32 @p1 $0xffff, v8, v9;
	v8 =	vsel @p2 vm0, v12, v10;
	v9 =	vsel @p2 vm0, v14, v11  }
0x288: {  	(xrf1) =	vsort.ascd.msk.f32 @p2 $0xffff, v8, v9;
	_ =	sdelay $0x1  }
0x289: {  	v61 =	vshll.u32 v7, $0x3  }
0x28a: {  	v8 =	vand.u32 $0xFFFFFC00, v61  }
0x28b: {  	v62 =	vand.u32 $0x7F, v7;
	v6 =	vadd.s32 v6, v8  }
0x28c: {  	v6 =	vor.u32 v62, v6;
	_ =	sdelay $0x4  }
0x28d: {  	v6 =	vld.idx.msk [tilespmem:v6+s6+$0x0], $0xffff  }
0x28e: {  	s2 =	sadd.s32 @p1 $0x10, s2  }
0x28f: {  	s1 =	smov.u32 @p1 s2  }
0x290: {  	v63 =	vor.u32 s1, v0;
	v9, v10, _ =	vpop @p1 (xrf1)  }
0x291: {  	vm14 =	vlt.s32 v63, v5;
	v5, v8, _ =	vpop @p2 (xrf1)  }
0x292: {  	v6 =	vnsel vm14, $0xFF800000, v6;
	v9 =	vpsel p1, v9, v0;
	v5 =	vpsel p2, v5, v4  }
0x293: {  	v10 =	vpsel p1, v10, v0;
	v8 =	vpsel p2, v8, v3;
	vm0 =	vge.f32 @p1 v5, v9  }
0x294: {  	(xrf1) =	vsort.dscd.msk.f32 $0xffff, v6, v7;
	v5 =	vsel @p1 vm0, v5, v9;
	v6 =	vsel @p1 vm0, v8, v10  }
0x295: {  	(xrf1) =	vsort.ascd.msk.f32 @p1 $0xffff, v5, v6;
	_ =	sdelay $0xc  }
0x296: {  	v5, v6, _ =	vpop (xrf1)  }
0x297: {  	v7, v8, _ =	vpop @p1 (xrf1)  }
0x298: {  	v4 =	vpsel p1, v7, v4  }
0x299: {  	v3 =	vpsel p1, v8, v3;
	vm15 =	vge.f32 v4, v5  }
0x29a: {  	v4 =	vsel vm15, v4, v5;
	v3 =	vsel vm15, v3, v6  }
0x29b: {  	(xrf1) =	vsort.ascd.msk.f32 $0xffff, v4, v3;
	_ =	sdelay $0xd  }
0x29c: {  	v4, v3, _ =	vpop (xrf1)  }
.LBB2_28:
0x29d: {  	s1 =	sadd.s32 $0xF, s0  }
0x29e: {  	s1 =	sshra.s32 s1, $0x4  }
0x29f: {  	p1 =	slt.s32 s1, $0x1  }
.Ltmp18:
0x2a0: {  	_ = 	snop;
	(pc) =	sbr.rel @p1 .LBB2_38-.Ltmp18, $3  }
0x2a1: {  	_ = 	snop  }
0x2a2: {  	v3 =	vperm.xlane v3, v1;
	_ =	sdelay $0x1  }
0x2a3: {  	v4 =	vimm.s32 $0x0;
	[tilespmem:s19+$0x80] =	vst v3;
	v3 =	vimm.s32 $0x0  }
0x2a4: {  	s2 =	rddreg [dreg:$0x1a];
	p3 =	sne.s32 s1, $0x1  }
.Ltmp19:
0x2a5: {  	v4 =	vmov s2;
	(pc) =	sbr.rel @!p3 .LBB2_30-.Ltmp19, $4  }
0x2a6: {  	v5 =	vshrl.u32 v4, $0x3  }
0x2a7: {  	v4 =	vshll.u32 v4, $0x7;
	v5 =	vmul.u32 $0x6400, v5  }
0x2a8: {  	v6 =	vmov s0;
	s31 =	simm.s32 $0xE100;
	s0 =	simm.s32 $0x0;
	v4 =	vand.u32 $0x300, v4  }
0x2a9: {  	s1 =	sadd.s32 $0xFFFFFFFF, s1;
	p1 =	por $0x0, $0x0;
	p2 =	por $0x0, $0x0;
	v10 =	vld [tilespmem:s31+$0x0];
	v7 =	vor.u32 v4, v5;
	v5 =	vimm.f32 $-Inf;
	v4 =	vimm.s32 $0x0  }
0x2aa: {  	_ =	sdelay $0x3  }
0x2ab: {  	v8 =	vshll.u32 v10, $0x3  }
0x2ac: {  	v8 =	vand.u32 $0xFFFFFC00, v8  }
0x2ad: {  	v9 =	vand.u32 $0x7F, v10;
	v8 =	vadd.s32 v7, v8  }
0x2ae: {  	v8 =	vor.u32 v9, v8;
	_ =	sdelay $0x3  }
0x2af: {  	p3 =	sne.s32 s1, $0x1  }
.Ltmp20:
0x2b0: {  	s2 =	simm.s32 $0xE110;
	v9 =	vld.idx.msk [tilespmem:v8+s6+$0x0], $0xffff;
	(pc) =	sbr.rel @!p3 .LBB2_32-.Ltmp20, $3  }
0x2b1: {  	v8 =	vld [tilespmem:s2+$0x0];
	_ =	sdelay $0x1  }
0x2b2: {  	v11 =	vor.u32 s0, v0  }
0x2b3: {  	s3 =	sadd.s32 $0xFFFFFFFF, s1;
	p1 =	por $0x1, $0x1;
	vm0 =	vlt.s32 v11, v6  }
0x2b4: {  	v9 =	vnsel vm0, $0xFF800000, v9  }
0x2b5: {  	(xrf1) =	vsort.dscd.msk.f32 $0xffff, v9, v10;
	_ =	sdelay $0x1  }
0x2b6: {  	v9 =	vshll.u32 v8, $0x3  }
0x2b7: {  	v9 =	vand.u32 $0xFFFFFC00, v9  }
0x2b8: {  	v10 =	vand.u32 $0x7F, v8;
	v9 =	vadd.s32 v7, v9  }
0x2b9: {  	v9 =	vor.u32 v10, v9;
	_ =	sdelay $0x3  }
0x2ba: {  	p3 =	sne.s32 s3, $0x1  }
.Ltmp21:
0x2bb: {  	v9 =	vld.idx.msk [tilespmem:v9+s6+$0x0], $0xffff;
	(pc) =	sbr.rel @!p3 .LBB2_34-.Ltmp21, $4  }
0x2bc: {  	_ = 	snop  }
0x2bd: {  	s1 =	simm.s32 $0x10;
	s2 =	simm.s32 $0xE120  }
0x2be: {  	v14 =	vld [tilespmem:s2+$0x0];
	v10 =	vor.u32 s1, v0  }
0x2bf: {  	s3 =	sadd.s32 $0xFFFFFFFF, s3;
	p2 =	por $0x1, $0x1;
	v13 =	vimm.f32 $-Inf;
	v15 =	vimm.s32 $0x0;
	vm0 =	vlt.s32 v10, v6;
	v11, v12, _ =	vpop (xrf1)  }
.LBB2_35:
0x2c0: {  	p3 =	sne.s32 s3, $0x1;
	v9 =	vnsel vm0, $0xFF800000, v9;
	vm0 =	vge.f32 v13, v11  }
0x2c1: {  	(xrf1) =	vsort.dscd.msk.f32 $0xffff, v9, v8;
	v10 =	vsel vm0, v13, v11;
	v9 =	vsel vm0, v15, v12  }
0x2c2: {  	(xrf1) =	vsort.ascd.msk.f32 $0xffff, v10, v9  }
0x2c3: {  	v9 =	vshll.u32 v14, $0x3;
	v8 =	vmov v14  }
0x2c4: {  	v9 =	vand.u32 $0xFFFFFC00, v9  }
0x2c5: {  	v10 =	vand.u32 $0x7F, v8;
	v9 =	vadd.s32 v7, v9  }
0x2c6: {  	v9 =	vor.u32 v10, v9;
	_ =	sdelay $0x4  }
0x2c7: {  	v9 =	vld.idx.msk [tilespmem:v9+s6+$0x0], $0xffff  }
.Ltmp22:
0x2c8: {  	(pc) =	sbr.rel @p3 .LBB2_35-.Ltmp22, $4  }
0x2c9: {  	_ = 	snop  }
0x2ca: {  	s2 =	sadd.s32 $0x10, s2;
	s1 =	sadd.s32 $0x10, s1  }
0x2cb: {  	v10 =	vor.u32 s1, v0;
	v14 =	vld [tilespmem:s2+$0x0];
	v11, v12, _ =	vpop (xrf1)  }
0x2cc: {  	s3 =	sadd.s32 $0xFFFFFFFF, s3;
	vm0 =	vlt.s32 v10, v6;
	v13, v15, _ =	vpop (xrf1)  }
0x2cd: {  	_ =	sdelay $0x2  }
0x2ce: {  	v10 =	vmov v8;
	v8 =	vmov v14  }
.LBB2_37:
0x2cf: {  	v9 =	vnsel @p1 vm0, $0xFF800000, v9;
	vm0 =	vge.f32 @p2 v13, v11  }
0x2d0: {  	(xrf1) =	vsort.dscd.msk.f32 @p1 $0xffff, v9, v10;
	v9 =	vsel @p2 vm0, v13, v11;
	v10 =	vsel @p2 vm0, v15, v12  }
0x2d1: {  	(xrf1) =	vsort.ascd.msk.f32 @p2 $0xffff, v9, v10;
	_ =	sdelay $0x1  }
0x2d2: {  	v61 =	vshll.u32 v8, $0x3  }
0x2d3: {  	v9 =	vand.u32 $0xFFFFFC00, v61  }
0x2d4: {  	v62 =	vand.u32 $0x7F, v8;
	v7 =	vadd.s32 v7, v9  }
0x2d5: {  	v7 =	vor.u32 v62, v7;
	_ =	sdelay $0x4  }
0x2d6: {  	v7 =	vld.idx.msk [tilespmem:v7+s6+$0x0], $0xffff  }
0x2d7: {  	s1 =	sadd.s32 @p1 $0x10, s1  }
0x2d8: {  	s0 =	smov.u32 @p1 s1  }
0x2d9: {  	v63 =	vor.u32 s0, v0;
	v10, v11, _ =	vpop @p1 (xrf1)  }
0x2da: {  	vm14 =	vlt.s32 v63, v6;
	v6, v9, _ =	vpop @p2 (xrf1)  }
0x2db: {  	v7 =	vnsel vm14, $0xFF800000, v7;
	v10 =	vpsel p1, v10, v0;
	v6 =	vpsel p2, v6, v5  }
0x2dc: {  	v11 =	vpsel p1, v11, v0;
	v9 =	vpsel p2, v9, v4;
	vm0 =	vge.f32 @p1 v6, v10  }
0x2dd: {  	(xrf1) =	vsort.dscd.msk.f32 $0xffff, v7, v8;
	v6 =	vsel @p1 vm0, v6, v10;
	v7 =	vsel @p1 vm0, v9, v11  }
0x2de: {  	(xrf1) =	vsort.ascd.msk.f32 @p1 $0xffff, v6, v7;
	_ =	sdelay $0xc  }
0x2df: {  	v6, v7, _ =	vpop (xrf1)  }
0x2e0: {  	v8, v9, _ =	vpop @p1 (xrf1)  }
0x2e1: {  	v5 =	vpsel p1, v8, v5  }
0x2e2: {  	v4 =	vpsel p1, v9, v4;
	vm15 =	vge.f32 v5, v6  }
0x2e3: {  	v5 =	vsel vm15, v5, v6;
	v4 =	vsel vm15, v4, v7  }
0x2e4: {  	(xrf1) =	vsort.ascd.msk.f32 $0xffff, v5, v4;
	_ =	sdelay $0xd  }
0x2e5: {  	v5, v4, _ =	vpop (xrf1)  }
.LBB2_38:
0x2e6: {  	s0 =	sadd.s32 $0xF, s21  }
0x2e7: {  	s1 =	sshra.s32 s0, $0x4  }
0x2e8: {  	p1 =	slt.s32 s1, $0x1  }
.Ltmp23:
0x2e9: {  	_ = 	snop;
	(pc) =	sbr.rel @p1 .LBB2_48-.Ltmp23, $3  }
0x2ea: {  	_ = 	snop  }
0x2eb: {  	v4 =	vperm.xlane v4, v1;
	_ =	sdelay $0x1  }
0x2ec: {  	[tilespmem:s19+$0x100] =	vst v4  }
0x2ed: {  	s0 =	rddreg [dreg:$0x19];
	s2 =	simm.s32 $0xED80;
	p3 =	sne.s32 s1, $0x1  }
.Ltmp24:
0x2ee: {  	v3 =	vmov s0;
	v9 =	vld [tilespmem:s2+$0x0];
	(pc) =	sbr.rel @!p3 .LBB2_40-.Ltmp24, $4  }
0x2ef: {  	v4 =	vshrl.u32 v3, $0x3  }
0x2f0: {  	v3 =	vshll.u32 v3, $0x7;
	v4 =	vmul.u32 $0x6400, v4  }
0x2f1: {  	v5 =	vmov s21;
	s1 =	sadd.s32 $0xFFFFFFFF, s1;
	v3 =	vand.u32 $0x380, v3  }
0x2f2: {  	p1 =	por $0x0, $0x0;
	p2 =	por $0x0, $0x0;
	s0 =	simm.s32 $0x0;
	v6 =	vor.u32 v3, v4;
	v4 =	vimm.f32 $-Inf;
	v3 =	vimm.s32 $0x0  }
0x2f3: {  	v7 =	vshll.u32 v9, $0x3  }
0x2f4: {  	v7 =	vand.u32 $0xFFFFFC00, v7  }
0x2f5: {  	v8 =	vand.u32 $0x7F, v9;
	v7 =	vadd.s32 v6, v7  }
0x2f6: {  	v7 =	vor.u32 v8, v7;
	_ =	sdelay $0x3  }
0x2f7: {  	p3 =	sne.s32 s1, $0x1  }
.Ltmp25:
0x2f8: {  	s2 =	simm.s32 $0xED90;
	v8 =	vld.idx.msk [tilespmem:v7+s6+$0x0], $0xffff;
	(pc) =	sbr.rel @!p3 .LBB2_42-.Ltmp25, $3  }
0x2f9: {  	v7 =	vld [tilespmem:s2+$0x0];
	_ =	sdelay $0x1  }
0x2fa: {  	v10 =	vor.u32 s0, v0  }
0x2fb: {  	s3 =	sadd.s32 $0xFFFFFFFF, s1;
	p1 =	por $0x1, $0x1;
	vm0 =	vlt.s32 v10, v5  }
0x2fc: {  	v8 =	vnsel vm0, $0xFF800000, v8  }
0x2fd: {  	(xrf1) =	vsort.dscd.msk.f32 $0xffff, v8, v9;
	_ =	sdelay $0x1  }
0x2fe: {  	v8 =	vshll.u32 v7, $0x3  }
0x2ff: {  	v8 =	vand.u32 $0xFFFFFC00, v8  }
0x300: {  	v9 =	vand.u32 $0x7F, v7;
	v8 =	vadd.s32 v6, v8  }
0x301: {  	v8 =	vor.u32 v9, v8;
	_ =	sdelay $0x3  }
0x302: {  	p3 =	sne.s32 s3, $0x1  }
.Ltmp26:
0x303: {  	v8 =	vld.idx.msk [tilespmem:v8+s6+$0x0], $0xffff;
	(pc) =	sbr.rel @!p3 .LBB2_44-.Ltmp26, $4  }
0x304: {  	_ = 	snop  }
0x305: {  	s1 =	simm.s32 $0x10;
	s2 =	simm.s32 $0xEDA0  }
0x306: {  	v13 =	vld [tilespmem:s2+$0x0];
	v9 =	vor.u32 s1, v0  }
0x307: {  	s3 =	sadd.s32 $0xFFFFFFFF, s3;
	p2 =	por $0x1, $0x1;
	v12 =	vimm.f32 $-Inf;
	v14 =	vimm.s32 $0x0;
	vm0 =	vlt.s32 v9, v5;
	v10, v11, _ =	vpop (xrf1)  }
.LBB2_45:
0x308: {  	p3 =	sne.s32 s3, $0x1;
	v8 =	vnsel vm0, $0xFF800000, v8;
	vm0 =	vge.f32 v12, v10  }
0x309: {  	(xrf1) =	vsort.dscd.msk.f32 $0xffff, v8, v7;
	v9 =	vsel vm0, v12, v10;
	v8 =	vsel vm0, v14, v11  }
0x30a: {  	(xrf1) =	vsort.ascd.msk.f32 $0xffff, v9, v8  }
0x30b: {  	v8 =	vshll.u32 v13, $0x3;
	v7 =	vmov v13  }
0x30c: {  	v8 =	vand.u32 $0xFFFFFC00, v8  }
0x30d: {  	v9 =	vand.u32 $0x7F, v7;
	v8 =	vadd.s32 v6, v8  }
0x30e: {  	v8 =	vor.u32 v9, v8;
	_ =	sdelay $0x4  }
0x30f: {  	v8 =	vld.idx.msk [tilespmem:v8+s6+$0x0], $0xffff  }
.Ltmp27:
0x310: {  	(pc) =	sbr.rel @p3 .LBB2_45-.Ltmp27, $4  }
0x311: {  	_ = 	snop  }
0x312: {  	s2 =	sadd.s32 $0x10, s2;
	s1 =	sadd.s32 $0x10, s1  }
0x313: {  	v9 =	vor.u32 s1, v0;
	v13 =	vld [tilespmem:s2+$0x0];
	v10, v11, _ =	vpop (xrf1)  }
0x314: {  	s3 =	sadd.s32 $0xFFFFFFFF, s3;
	vm0 =	vlt.s32 v9, v5;
	v12, v14, _ =	vpop (xrf1)  }
.Ltmp28:
0x315: {  	(pc) =	sbr.rel .LBB2_47-.Ltmp28, $2  }
0x316: {  	_ =	sdelay $0x2  }
0x317: {  	v9 =	vmov v7;
	v7 =	vmov v13  }
.LBB2_10:
.Ltmp29:
0x318: {  	_ = 	snop;
	(pc) =	sbr.rel .LBB2_17-.Ltmp29, $2  }
0x319: {  	_ =	sdelay $0x2  }
0x31a: {  	v13 =	vimm.f32 $-Inf;
	v15 =	vimm.s32 $0x0;
	s3 =	simm.s32 $0x0;
	v8 =	vmov v10  }
.LBB2_20:
.Ltmp30:
0x31b: {  	_ = 	snop;
	(pc) =	sbr.rel .LBB2_27-.Ltmp30, $2  }
0x31c: {  	_ =	sdelay $0x2  }
0x31d: {  	v12 =	vimm.f32 $-Inf;
	v14 =	vimm.s32 $0x0;
	s2 =	simm.s32 $0x0;
	v7 =	vmov v9  }
.LBB2_30:
.Ltmp31:
0x31e: {  	_ = 	snop;
	(pc) =	sbr.rel .LBB2_37-.Ltmp31, $2  }
0x31f: {  	_ =	sdelay $0x2  }
0x320: {  	v13 =	vimm.f32 $-Inf;
	v15 =	vimm.s32 $0x0;
	s1 =	simm.s32 $0x0;
	v8 =	vmov v10  }
.LBB2_12:
.Ltmp32:
0x321: {  	(pc) =	sbr.rel .LBB2_17-.Ltmp32, $2  }
0x322: {  	_ =	sdelay $0x2  }
0x323: {  	v13 =	vimm.f32 $-Inf;
	v15 =	vimm.s32 $0x0;
	s3 =	simm.s32 $0x0  }
.LBB2_22:
.Ltmp33:
0x324: {  	(pc) =	sbr.rel .LBB2_27-.Ltmp33, $2  }
0x325: {  	_ =	sdelay $0x2  }
0x326: {  	v12 =	vimm.f32 $-Inf;
	v14 =	vimm.s32 $0x0;
	s2 =	simm.s32 $0x0  }
.LBB2_32:
.Ltmp34:
0x327: {  	(pc) =	sbr.rel .LBB2_37-.Ltmp34, $2  }
0x328: {  	_ =	sdelay $0x2  }
0x329: {  	v13 =	vimm.f32 $-Inf;
	v15 =	vimm.s32 $0x0;
	s1 =	simm.s32 $0x0  }
.LBB2_42:
.Ltmp35:
0x32a: {  	(pc) =	sbr.rel .LBB2_47-.Ltmp35, $2  }
0x32b: {  	_ =	sdelay $0x2  }
0x32c: {  	v12 =	vimm.f32 $-Inf;
	v14 =	vimm.s32 $0x0;
	s1 =	simm.s32 $0x0  }
.LBB2_14:
.Ltmp36:
0x32d: {  	(pc) =	sbr.rel .LBB2_17-.Ltmp36, $2  }
0x32e: {  	_ =	sdelay $0x2  }
0x32f: {  	v10 =	vmovc v8;
	v13 =	vimm.f32 $-Inf;
	v15 =	vimm.s32 $0x0;
	v8 =	vmov v14  }
.LBB2_24:
.Ltmp37:
0x330: {  	(pc) =	sbr.rel .LBB2_27-.Ltmp37, $2  }
0x331: {  	_ =	sdelay $0x2  }
0x332: {  	v9 =	vmovc v7;
	v12 =	vimm.f32 $-Inf;
	v14 =	vimm.s32 $0x0;
	v7 =	vmov v13  }
.LBB2_34:
.Ltmp38:
0x333: {  	(pc) =	sbr.rel .LBB2_37-.Ltmp38, $2  }
0x334: {  	_ =	sdelay $0x2  }
0x335: {  	v10 =	vmovc v8;
	v13 =	vimm.f32 $-Inf;
	v15 =	vimm.s32 $0x0;
	v8 =	vmov v14  }
.LBB2_44:
.Ltmp39:
0x336: {  	(pc) =	sbr.rel .LBB2_47-.Ltmp39, $2  }
0x337: {  	_ =	sdelay $0x2  }
0x338: {  	v9 =	vmovc v7;
	v12 =	vimm.f32 $-Inf;
	v14 =	vimm.s32 $0x0;
	v7 =	vmov v13  }
.LBB2_50:
0x339: {  	_ =	sfence.sel $0x180000  }
0x33a: {  	[bflag:$0x0] =	sbarrier.arrive $0xFFFF  }
0x33b: {  	_ =	strace $0x90000047  }
0x33c: {  	s0 =	stileid.u32;
	[bflag:$0x2] =	sbarrier.arrive $0xFFFF  }
0x33d: {  	p0 =	sne.s32 s0, $0x0;
	s0 =	rddreg [dreg:$0x1]  }
0x33e: {  	s0 =	sadd.s32 @!p0 $0x100000, s0  }
0x33f: {  	[sflag:s0] =	ssyncadd.tile.s32 @!p0 $0x1;
	_ =	shalt  }
.Lfunc_end2:
_tile_overlayer_lowered:
.L_overlay_start_2:
0x340: {  	(tag) =	ssettag $0x2  }
0x341: {  	s0 =	rddreg [dreg:$0x0];
	s2 =	stileid.u32  }
0x342: {  	s1 =	rddreg [dreg:$0x1];
	p0 =	sne.s32 s2, $0x0  }
0x343: {  	s3 =	rddreg [dreg:$0x2];
	[bflag:$0x3] =	sbarrier.arrive $0xFFFF;
	s2 =	simm.s32 @!p0 $0x1C03  }
0x344: {  	[timem:s3], [sflag:s2] =	dma.local @!p0 [hbm:s0], s1  }
0x345: {  	s0 =	simm.s32 @!p0 $0x3  }
0x346: {  	_ =	swait.ge @!p0 [sflag:s0], s1  }
0x347: {  	s1 =	ssub.s32 @!p0 $0x0, s1;
	[sflag:s0] =	ssyncset.done @!p0 $0x0  }
0x348: {  	[sflag:s0] =	ssyncadd.s32 @!p0 s1  }
0x349: {  	[bflag:$0x3] =	sbarrier.arrive $0xFFFF  }
0x34a: {  	_ =	shalt  }

</sc_bundles>
